<compile_context>
chip_gen: v7x
topology: tpu7x:2x2x1
jax: 0.10.2.dev20260603
libtpu: 0.0.44.dev20260713+nightly
codegen_flags: <defaults>
</compile_context>

<pallas_src>
import functools

import jax
import jax.numpy as jnp
from jax import lax
from jax.experimental import pallas as pl
from jax.experimental.pallas import tpu as pltpu
from jax.experimental.pallas import tpu_sc as plsc

B, N, K, DP, DM = 2, 2048, 16, 128, 256
BN = B * N

def _pack128(a):
    lo = a[:, :128].astype(jnp.bfloat16).astype(jnp.float32)
    hi = a[:, 128:].astype(jnp.bfloat16).astype(jnp.float32)
    lo_i = lax.bitcast_convert_type(lo, jnp.int32)
    hi_i = lax.bitcast_convert_type(hi, jnp.int32)
    return lax.shift_right_logical(lo_i, 16) | (hi_i & jnp.int32(-65536))


def _unpack128(xi):
    lo = lax.bitcast_convert_type(lax.shift_left(xi, 16), jnp.float32)
    hi = lax.bitcast_convert_type(xi & jnp.int32(-65536), jnp.float32)
    return jnp.concatenate([lo, hi], axis=1)


_MQ = 256


def _knn_body(xyz_ref, xyzT_ref, feat_ref, fc1w_ref, fc1b_ref,
              wq_ref, wk_ref, wv_ref, xyz3_ref, d1_ref,
              idx_ref, q_ref, tab_ref, p_ref):
    x = jnp.dot(feat_ref[...], fc1w_ref[...],
                preferred_element_type=jnp.float32) + fc1b_ref[...]
    xb = x.astype(jnp.bfloat16)
    q_ref[...] = jnp.dot(xb, wq_ref[...].astype(jnp.bfloat16),
                         preferred_element_type=jnp.float32)
    xk = jnp.dot(xb, wk_ref[...].astype(jnp.bfloat16),
                 preferred_element_type=jnp.float32)
    xv = jnp.dot(xb, wv_ref[...].astype(jnp.bfloat16),
                 preferred_element_type=jnp.float32)
    p = jnp.dot(xyz3_ref[...], d1_ref[...],
                preferred_element_type=jnp.float32)
    p_ref[...] = p
    tab_ref[...] = jnp.concatenate(
        [_pack128(xk), _pack128(xv), _pack128(p)], axis=1)
    xq = xyz_ref[0]
    xa = xyzT_ref[0]
    d0 = xq[:, 0:1] - xa[0:1, :]
    d1 = xq[:, 1:2] - xa[1:2, :]
    d2 = xq[:, 2:3] - xa[2:3, :]
    D = d0 * d0 + d1 * d1 + d2 * d2
    iota = lax.broadcasted_iota(jnp.int32, (_MQ, N), 1).astype(jnp.float32)
    cols = []
    for _ in range(K):
        mval = jnp.min(D, axis=1, keepdims=True)
        idxk = jnp.min(jnp.where(D == mval, iota, jnp.float32(N)),
                       axis=1, keepdims=True)
        cols.append(idxk)
        D = jnp.where(iota == idxk, jnp.float32(jnp.inf), D)
    idx_ref[...] = jnp.concatenate(cols, axis=1).astype(jnp.int32)


def _knn(xyzb, xyzTb, featb, fc1_w, fc1_b, wq, wk, wv, xyz3b, d1_w):
    nb = N // _MQ
    full = lambda m: (0, 0)
    row = lambda m: (m, 0)
    return pl.pallas_call(
        _knn_body,
        grid=(nb,),
        in_specs=[
            pl.BlockSpec((1, _MQ, 3), lambda m: (0, m, 0)),
            pl.BlockSpec((1, 3, N), lambda m: (0, 0, 0)),
            pl.BlockSpec((_MQ, DP), row),
            pl.BlockSpec((DP, DM), full),
            pl.BlockSpec((1, DM), full),
            pl.BlockSpec((DM, DM), full),
            pl.BlockSpec((DM, DM), full),
            pl.BlockSpec((DM, DM), full),
            pl.BlockSpec((_MQ, 3), row),
            pl.BlockSpec((3, DM), full),
        ],
        out_specs=[pl.BlockSpec((_MQ, K), row),
                   pl.BlockSpec((_MQ, DM), row),
                   pl.BlockSpec((_MQ, 384), row),
                   pl.BlockSpec((_MQ, DM), row)],
        out_shape=[jax.ShapeDtypeStruct((N, K), jnp.int32),
                   jax.ShapeDtypeStruct((N, DM), jnp.float32),
                   jax.ShapeDtypeStruct((N, 384), jnp.int32),
                   jax.ShapeDtypeStruct((N, DM), jnp.float32)],
    )(xyzb, xyzTb, featb, fc1_w, fc1_b, wq, wk, wv, xyz3b, d1_w)


_NC, _NS = 2, 16
_NW = _NC * _NS
_TOT = BN * K
_HTOT = _TOT // 2
_PW = _HTOT // _NW
_CH = 128
_NCH = _PW // _CH


def _gather_body(idx_hbm, tab_hbm, out_hbm, idx_v, bufs, gsems, ssems):
    wid = lax.axis_index("s") * _NC + lax.axis_index("c")
    base = wid * _PW
    pltpu.sync_copy(idx_hbm.at[pl.ds(base, _PW)], idx_v)

    def start_gather(c, p):
        off = pl.multiple_of(c * _CH, _CH)
        ii = idx_v.at[pl.ds(off, _CH)]
        pltpu.async_copy(tab_hbm.at[ii], bufs[p], gsems[p])

    def wait_gather(p):
        pltpu.make_async_copy(tab_hbm.at[pl.ds(0, _CH)],
                              bufs[p], gsems[p]).wait()

    def start_scatter(c, p):
        gbase = pl.multiple_of(base + c * _CH, _CH)
        pltpu.async_copy(bufs[p], out_hbm.at[pl.ds(gbase, _CH)], ssems[p])

    def wait_scatter(p):
        pltpu.make_async_copy(tab_hbm.at[pl.ds(0, _CH)],
                              bufs[p], ssems[p]).wait()

    start_gather(0, 0)

    def body(i, carry):
        c0 = 2 * i
        wait_gather(0)

        @pl.when(i > 0)
        def _():
            wait_scatter(1)

        start_gather(c0 + 1, 1)
        start_scatter(c0, 0)
        wait_gather(1)
        wait_scatter(0)

        @pl.when(i < _NCH // 2 - 1)
        def _():
            start_gather(c0 + 2, 0)

        start_scatter(c0 + 1, 1)
        return carry

    lax.fori_loop(0, _NCH // 2, body, 0)
    wait_scatter(1)


def _sc_gather(idx_flat, tab):
    mesh = plsc.VectorSubcoreMesh(core_axis_name="c", subcore_axis_name="s")
    fn = pl.kernel(
        _gather_body,
        out_type=jax.ShapeDtypeStruct((_HTOT, 384), jnp.int32),
        mesh=mesh,
        scratch_types=[
            pltpu.VMEM((_PW,), jnp.int32),
            [pltpu.VMEM((_CH, 384), jnp.int32) for _ in range(2)],
            [pltpu.SemaphoreType.DMA for _ in range(2)],
            [pltpu.SemaphoreType.DMA for _ in range(2)],
        ],
    )
    return fn(idx_flat, tab)


_MB = 256
_MK = _MB * K


def _attn_body(q_ref, feat_ref, pq_ref, tab_ref,
               d1b_ref, d2_ref, d2b_ref, g1_ref, g1b_ref,
               g2_ref, g2b_ref, fc2_ref, fc2b_ref, res_ref, attn_ref):
    tab = tab_ref[...]
    kf_p, v_p, pg_p = tab[:, :128], tab[:, 128:256], tab[:, 256:384]
    pqb = pq_ref[...] + d1b_ref[...]
    pq_rep = jnp.reshape(
        jnp.broadcast_to(pqb.reshape(_MB, 1, DM), (_MB, K, DM)), (_MK, DM))
    pos1 = pq_rep - _unpack128(pg_p)
    h1 = jnp.maximum(pos1, 0.0)
    pos = jnp.dot(h1.astype(jnp.bfloat16), d2_ref[...].astype(jnp.bfloat16),
                  preferred_element_type=jnp.float32) + d2b_ref[...]

    qb = q_ref[...]
    qrep = jnp.reshape(
        jnp.broadcast_to(qb.reshape(_MB, 1, DM), (_MB, K, DM)), (_MK, DM))
    a_in = qrep - _unpack128(kf_p) + pos
    h2 = jnp.maximum(
        jnp.dot(a_in.astype(jnp.bfloat16), g1_ref[...].astype(jnp.bfloat16),
                preferred_element_type=jnp.float32)
        + g1b_ref[...], 0.0)
    t = jnp.dot(h2.astype(jnp.bfloat16), g2_ref[...].astype(jnp.bfloat16),
                preferred_element_type=jnp.float32) + g2b_ref[...]
    s3 = (t * (1.0 / 16.0)).reshape(_MB, K, DM)
    m = jnp.max(s3, axis=1, keepdims=True)
    e = jnp.exp(s3 - m)
    attn3 = e / jnp.sum(e, axis=1, keepdims=True)
    attn_ref[...] = attn3
    vp = (_unpack128(v_p) + pos).reshape(_MB, K, DM)
    r = jnp.sum(attn3 * vp, axis=1)
    res_ref[...] = (jnp.dot(r, fc2_ref[...], preferred_element_type=jnp.float32)
                    + fc2b_ref[...] + feat_ref[...])


_HB = BN // _MB // 2


def _attn_half(q, feat, pq, tab, d1_b, d2_w, d2_b,
               g1_w, g1_b, g2_w, g2_b, fc2_w, fc2_b, half, res_in, attn_in):
    full = lambda i: (0, 0)
    off = half * _HB
    row = lambda i: (i, 0)
    body = _attn_body
    in_specs = [
        pl.BlockSpec((_MB, DM), row),
        pl.BlockSpec((_MB, DP), row),
        pl.BlockSpec((_MB, DM), row),
        pl.BlockSpec((_MK, 384), lambda i: (i, 0)),
        pl.BlockSpec((1, DM), full),
        pl.BlockSpec((DM, DM), full),
        pl.BlockSpec((1, DM), full),
        pl.BlockSpec((DM, DM), full),
        pl.BlockSpec((1, DM), full),
        pl.BlockSpec((DM, DM), full),
        pl.BlockSpec((1, DM), full),
        pl.BlockSpec((DM, DP), full),
        pl.BlockSpec((1, DP), full),
    ]
    args = [q, feat, pq, tab, d1_b, d2_w, d2_b,
            g1_w, g1_b, g2_w, g2_b, fc2_w, fc2_b]
    aliases = {}
    if half:
        def body(q_ref, feat_ref, pq_ref, tab_ref, d1b_ref, d2_ref, d2b_ref,
                 g1_ref, g1b_ref, g2_ref, g2b_ref, fc2_ref, fc2b_ref,
                 ri_ref, ai_ref, res_ref, attn_ref):
            _attn_body(q_ref, feat_ref, pq_ref, tab_ref, d1b_ref, d2_ref,
                       d2b_ref, g1_ref, g1b_ref, g2_ref, g2b_ref, fc2_ref,
                       fc2b_ref, res_ref, attn_ref)
        in_specs += [pl.BlockSpec(memory_space=pl.ANY),
                     pl.BlockSpec(memory_space=pl.ANY)]
        args += [res_in, attn_in]
        aliases = {13: 0, 14: 1}
    return pl.pallas_call(
        body,
        grid=(_HB,),
        in_specs=in_specs,
        out_specs=[
            pl.BlockSpec((_MB, DP), lambda i: (i + off, 0)),
            pl.BlockSpec((_MB, K, DM), lambda i: (i + off, 0, 0)),
        ],
        out_shape=[
            jax.ShapeDtypeStruct((BN, DP), jnp.float32),
            jax.ShapeDtypeStruct((BN, K, DM), jnp.float32),
        ],
        input_output_aliases=aliases,
    )(*args)


def kernel(xyz, features, fc1_w, fc1_b, fc2_w, fc2_b, d1_w, d1_b, d2_w, d2_b,
           g1_w, g1_b, g2_w, g2_b, wq, wk, wv):
    feat = features.reshape(BN, DP)
    xyzT = jnp.transpose(xyz, (0, 2, 1))
    halves = []
    for b in range(B):
        xb = lax.slice(xyz, (b, 0, 0), (b + 1, N, 3))
        halves.append(_knn(
            xb, lax.slice(xyzT, (b, 0, 0), (b + 1, 3, N)),
            lax.slice(feat, (b * N, 0), ((b + 1) * N, DP)),
            fc1_w, fc1_b.reshape(1, DM), wq, wk, wv,
            xb.reshape(N, 3), d1_w))

    ws = (d1_b.reshape(1, DM), d2_w, d2_b.reshape(1, DM),
          g1_w, g1_b.reshape(1, DM), g2_w, g2_b.reshape(1, DM),
          fc2_w, fc2_b.reshape(1, DP))
    res, attn = None, None
    for b in range(B):
        idx_b, q_b, tab_b, pq_b = halves[b]
        gtab_b = _sc_gather(idx_b.reshape(_HTOT), tab_b)
        feat_b = lax.slice(feat, (b * N, 0), ((b + 1) * N, DP))
        res, attn = _attn_half(q_b, feat_b, pq_b, gtab_b, *ws, b, res, attn)
    return res.reshape(B, N, DP), attn.reshape(B, N, K, DM)

# --- scband reference (transcript-rebuilt; emitter-appended) ---
"""Pipeline reference for scband-pt-transformer-block-58832462020793 (READ-ONLY COPY).

The authoritative reference and input builder live on the scoring server;
editing this copy changes nothing except your own understanding.
"""

import jax, jax.numpy as jnp
import numpy as np

B, N, D_POINTS, D_MODEL, K = 2, 2048, 128, 256, 16


def _lin(k, i, o):
    return jax.random.normal(k, (i, o), dtype=jnp.float32) / np.sqrt(i)


def setup_inputs(seed: int = 0) -> dict:
    key = jax.random.key(seed)
    ks = jax.random.split(key, 12)
    xyz = jax.random.uniform(ks[0], (B, N, 3), dtype=jnp.float32)
    features = jax.random.normal(ks[1], (B, N, D_POINTS), dtype=jnp.float32)
    return {
        'xyz': xyz,
        'features': features,
        'fc1_w': _lin(ks[2], D_POINTS, D_MODEL), 'fc1_b': jnp.zeros((D_MODEL,), jnp.float32),
        'fc2_w': _lin(ks[3], D_MODEL, D_POINTS), 'fc2_b': jnp.zeros((D_POINTS,), jnp.float32),
        'd1_w': _lin(ks[4], 3, D_MODEL), 'd1_b': jnp.zeros((D_MODEL,), jnp.float32),
        'd2_w': _lin(ks[5], D_MODEL, D_MODEL), 'd2_b': jnp.zeros((D_MODEL,), jnp.float32),
        'g1_w': _lin(ks[6], D_MODEL, D_MODEL), 'g1_b': jnp.zeros((D_MODEL,), jnp.float32),
        'g2_w': _lin(ks[7], D_MODEL, D_MODEL), 'g2_b': jnp.zeros((D_MODEL,), jnp.float32),
        'wq': _lin(ks[8], D_MODEL, D_MODEL),
        'wk': _lin(ks[9], D_MODEL, D_MODEL),
        'wv': _lin(ks[10], D_MODEL, D_MODEL),
    }


def _gather(x, idx):
    # x: [B, N, d], idx: [B, N, K] -> [B, N, K, d]
    return jax.vmap(lambda xb, ib: xb[ib])(x, idx)


def reference(xyz, features, fc1_w, fc1_b, fc2_w, fc2_b, d1_w, d1_b, d2_w, d2_b,
              g1_w, g1_b, g2_w, g2_b, wq, wk, wv):
    # knn_points: brute-force squared distances, K nearest (includes self)
    dist2 = jnp.sum((xyz[:, :, None, :] - xyz[:, None, :, :]) ** 2, axis=-1)
    _, idx = jax.lax.top_k(-dist2, K)
    local_xyz = _gather(xyz, idx)  # [B, N, K, 3]
    pre = features
    x = features @ fc1_w + fc1_b
    q = x @ wq
    kf = _gather(x @ wk, idx)
    v = _gather(x @ wv, idx)
    rel = xyz[:, :, None, :] - local_xyz
    pos_enc = jax.nn.relu(rel @ d1_w + d1_b) @ d2_w + d2_b
    attn = jax.nn.relu((q[:, :, None, :] - kf + pos_enc) @ g1_w + g1_b) @ g2_w + g2_b
    attn = jax.nn.softmax(attn / np.sqrt(D_MODEL), axis=-2)
    res = jnp.einsum('bmnf,bmnf->bmf', attn, v + pos_enc)
    res = res @ fc2_w + fc2_b + pre
    return (res, attn)

if __name__ == "__main__":
    import jax
    _d = setup_inputs()
    print(jax.jit(kernel)(*tuple(_d.values())))

</pallas_src>

<mosaic_0001>
#map = affine_map<(d0, d1) -> (0)>
#map1 = affine_map<(d0, d1) -> (0, 0)>
module attributes {stable_mosaic.version = 14 : i64} {
  func.func @_gather_body(%arg0: i32, %arg1: i32, %arg2: memref<32768xi32, #tpu.memory_space<hbm>>, %arg3: memref<2048x384xi32, #tpu.memory_space<hbm>>, %arg4: memref<32768x384xi32, #tpu.memory_space<hbm>>, %arg5: memref<1024xi32, #tpu.memory_space<vmem>>, %arg6: memref<128x384xi32, #tpu.memory_space<vmem>>, %arg7: memref<128x384xi32, #tpu.memory_space<vmem>>, %arg8: memref<!tpu.dma_semaphore, #tpu.memory_space<semaphore_mem>>, %arg9: memref<!tpu.dma_semaphore, #tpu.memory_space<semaphore_mem>>, %arg10: memref<!tpu.dma_semaphore, #tpu.memory_space<semaphore_mem>>, %arg11: memref<!tpu.dma_semaphore, #tpu.memory_space<semaphore_mem>>) attributes {dimension_semantics = [#tpu.dimension_semantics<core_parallel>, #tpu.dimension_semantics<subcore_parallel>], iteration_bounds = array<i64: 2, 16>, scalar_prefetch = 0 : i64, scratch_operands = 7 : i64, tpu.core_type = #tpu.core_type<sc_vector_subcore>, window_params = [{transform_indices = #map}, {transform_indices = #map1}, {transform_indices = #map1}]} {
    %mul3A = arith.constant 2 : i32
    %mul3A_0 = arith.muli %arg1, %mul3A : i32
    %add3A = arith.addi %mul3A_0, %arg0 : i32
    %mul3A_1 = arith.constant 1024 : i32
    %mul3A_2 = arith.muli %add3A, %mul3A_1 : i32
    "tpu.region"() ({
      %run_scoped3A = tpu.sem_alloc : memref<!tpu.dma_semaphore, #tpu.memory_space<semaphore_mem>>
      %dma_start3A_17 = tpu.memref_slice %arg2[%mul3A_2] : memref<32768xi32, #tpu.memory_space<hbm>> -> memref<1024xi32, #tpu.memory_space<hbm>>
      %dma_start3A_18 = tpu.memref_slice %arg2[%mul3A_2] : memref<32768xi32, #tpu.memory_space<hbm>> -> memref<1024xi32, #tpu.memory_space<hbm>>
      tpu.enqueue_dma source(%dma_start3A_18 : memref<1024xi32, #tpu.memory_space<hbm>>) target(%arg5 : memref<1024xi32, #tpu.memory_space<vmem>>) target_semaphore(%run_scoped3A : memref<!tpu.dma_semaphore, #tpu.memory_space<semaphore_mem>>)
      %dma_wait3A_19 = tpu.memref_slice %arg2[%mul3A_2] : memref<32768xi32, #tpu.memory_space<hbm>> -> memref<1024xi32, #tpu.memory_space<hbm>>
      %dma_wait3A_20 = tpu.memref_slice %arg2[%mul3A_2] : memref<32768xi32, #tpu.memory_space<hbm>> -> memref<1024xi32, #tpu.memory_space<hbm>>
      tpu.wait_dma2 semaphore(%run_scoped3A : memref<!tpu.dma_semaphore, #tpu.memory_space<semaphore_mem>>) src(%dma_wait3A_20 : memref<1024xi32, #tpu.memory_space<hbm>>) dst(%arg5 : memref<1024xi32, #tpu.memory_space<vmem>>)
      tpu.yield
    }) : () -> ()
    %multiple_of3A = arith.constant 0 : i32
    %multiple_of3A_3 = tpu.assume_multiple %multiple_of3A, 128 : i32
    %dma_start3A = tpu.memref_slice %arg5[%multiple_of3A_3] : memref<1024xi32, #tpu.memory_space<vmem>> -> memref<128xi32, #tpu.memory_space<vmem>>
    %dma_start3A_4 = arith.constant 0 : i32
    %dma_start3A_5 = arith.constant 0 : i32
    %dma_start3A_6 = tpu.memref_slice %arg3[%dma_start3A_4, %dma_start3A_5] : memref<2048x384xi32, #tpu.memory_space<hbm>> -> memref<2048x384xi32, #tpu.memory_space<hbm>>
    tpu.enqueue_indirect_dma source(%dma_start3A_6 : memref<2048x384xi32, #tpu.memory_space<hbm>>) target(%arg6 : memref<128x384xi32, #tpu.memory_space<vmem>>) offsets(%dma_start3A : memref<128xi32, #tpu.memory_space<vmem>>) semaphore(%arg8 : memref<!tpu.dma_semaphore, #tpu.memory_space<semaphore_mem>>)
    %scan3A = arith.constant 0 : i32
    %scan3A_7 = arith.constant 0 : i32
    %scan3A_8 = arith.constant 4 : i32
    %scan3A_9 = arith.addi %scan3A_7, %scan3A_8 : i32
    %scan3A_10 = arith.constant 1 : i32
    scf.for %scan3A_17 = %scan3A_7 to %scan3A_9 step %scan3A_10  : i32 {
      %mul3A_18 = arith.constant 2 : i32
      %mul3A_19 = arith.muli %mul3A_18, %scan3A_17 : i32
      %dma_wait3A_20 = arith.constant 0 : i32
      %dma_wait3A_21 = arith.constant 0 : i32
      %dma_wait3A_22 = tpu.memref_slice %arg3[%dma_wait3A_20, %dma_wait3A_21] : memref<2048x384xi32, #tpu.memory_space<hbm>> -> memref<128x384xi32, #tpu.memory_space<hbm>>
      %dma_wait3A_23 = arith.constant 0 : i32
      %dma_wait3A_24 = arith.constant 0 : i32
      %dma_wait3A_25 = tpu.memref_slice %arg3[%dma_wait3A_23, %dma_wait3A_24] : memref<2048x384xi32, #tpu.memory_space<hbm>> -> memref<128x384xi32, #tpu.memory_space<hbm>>
      tpu.wait_dma2 semaphore(%arg8 : memref<!tpu.dma_semaphore, #tpu.memory_space<semaphore_mem>>) src(%dma_wait3A_25 : memref<128x384xi32, #tpu.memory_space<hbm>>) dst(%arg6 : memref<128x384xi32, #tpu.memory_space<vmem>>)
      %gt3A = arith.constant 0 : i32
      %gt3A_26 = arith.cmpi sgt, %scan3A_17, %gt3A : i32
      %convert_element_type3A = arith.extui %gt3A_26 : i1 to i32
      %cond3A = arith.constant 0 : i32
      %cond3A_27 = arith.cmpi ne, %convert_element_type3A, %cond3A : i32
      scf.if %cond3A_27 {
        %dma_wait3A_71 = arith.constant 0 : i32
        %dma_wait3A_72 = arith.constant 0 : i32
        %dma_wait3A_73 = tpu.memref_slice %arg3[%dma_wait3A_71, %dma_wait3A_72] : memref<2048x384xi32, #tpu.memory_space<hbm>> -> memref<128x384xi32, #tpu.memory_space<hbm>>
        %dma_wait3A_74 = arith.constant 0 : i32
        %dma_wait3A_75 = arith.constant 0 : i32
        %dma_wait3A_76 = tpu.memref_slice %arg3[%dma_wait3A_74, %dma_wait3A_75] : memref<2048x384xi32, #tpu.memory_space<hbm>> -> memref<128x384xi32, #tpu.memory_space<hbm>>
        tpu.wait_dma2 semaphore(%arg11 : memref<!tpu.dma_semaphore, #tpu.memory_space<semaphore_mem>>) src(%dma_wait3A_76 : memref<128x384xi32, #tpu.memory_space<hbm>>) dst(%arg7 : memref<128x384xi32, #tpu.memory_space<vmem>>)
      } else {
      }
      %add3A_28 = arith.constant 1 : i32
      %add3A_29 = arith.addi %mul3A_19, %add3A_28 : i32
      %mul3A_30 = arith.constant 128 : i32
      %mul3A_31 = arith.muli %add3A_29, %mul3A_30 : i32
      %multiple_of3A_32 = tpu.assume_multiple %mul3A_31, 128 : i32
      %dma_start3A_33 = tpu.memref_slice %arg5[%multiple_of3A_32] : memref<1024xi32, #tpu.memory_space<vmem>> -> memref<128xi32, #tpu.memory_space<vmem>>
      %dma_start3A_34 = arith.constant 0 : i32
      %dma_start3A_35 = arith.constant 0 : i32
      %dma_start3A_36 = tpu.memref_slice %arg3[%dma_start3A_34, %dma_start3A_35] : memref<2048x384xi32, #tpu.memory_space<hbm>> -> memref<2048x384xi32, #tpu.memory_space<hbm>>
      tpu.enqueue_indirect_dma source(%dma_start3A_36 : memref<2048x384xi32, #tpu.memory_space<hbm>>) target(%arg7 : memref<128x384xi32, #tpu.memory_space<vmem>>) offsets(%dma_start3A_33 : memref<128xi32, #tpu.memory_space<vmem>>) semaphore(%arg9 : memref<!tpu.dma_semaphore, #tpu.memory_space<semaphore_mem>>)
      %mul3A_37 = arith.constant 128 : i32
      %mul3A_38 = arith.muli %mul3A_19, %mul3A_37 : i32
      %add3A_39 = arith.addi %mul3A_2, %mul3A_38 : i32
      %multiple_of3A_40 = tpu.assume_multiple %add3A_39, 128 : i32
      %dma_start3A_41 = arith.constant 0 : i32
      %dma_start3A_42 = tpu.memref_slice %arg4[%multiple_of3A_40, %dma_start3A_41] : memref<32768x384xi32, #tpu.memory_space<hbm>> -> memref<128x384xi32, #tpu.memory_space<hbm>>
      %dma_start3A_43 = arith.constant 0 : i32
      %dma_start3A_44 = tpu.memref_slice %arg4[%multiple_of3A_40, %dma_start3A_43] : memref<32768x384xi32, #tpu.memory_space<hbm>> -> memref<128x384xi32, #tpu.memory_space<hbm>>
      tpu.enqueue_dma source(%arg6 : memref<128x384xi32, #tpu.memory_space<vmem>>) target(%dma_start3A_44 : memref<128x384xi32, #tpu.memory_space<hbm>>) target_semaphore(%arg10 : memref<!tpu.dma_semaphore, #tpu.memory_space<semaphore_mem>>)
      %dma_wait3A_45 = arith.constant 0 : i32
      %dma_wait3A_46 = arith.constant 0 : i32
      %dma_wait3A_47 = tpu.memref_slice %arg3[%dma_wait3A_45, %dma_wait3A_46] : memref<2048x384xi32, #tpu.memory_space<hbm>> -> memref<128x384xi32, #tpu.memory_space<hbm>>
      %dma_wait3A_48 = arith.constant 0 : i32
      %dma_wait3A_49 = arith.constant 0 : i32
      %dma_wait3A_50 = tpu.memref_slice %arg3[%dma_wait3A_48, %dma_wait3A_49] : memref<2048x384xi32, #tpu.memory_space<hbm>> -> memref<128x384xi32, #tpu.memory_space<hbm>>
      tpu.wait_dma2 semaphore(%arg9 : memref<!tpu.dma_semaphore, #tpu.memory_space<semaphore_mem>>) src(%dma_wait3A_50 : memref<128x384xi32, #tpu.memory_space<hbm>>) dst(%arg7 : memref<128x384xi32, #tpu.memory_space<vmem>>)
      %dma_wait3A_51 = arith.constant 0 : i32
      %dma_wait3A_52 = arith.constant 0 : i32
      %dma_wait3A_53 = tpu.memref_slice %arg3[%dma_wait3A_51, %dma_wait3A_52] : memref<2048x384xi32, #tpu.memory_space<hbm>> -> memref<128x384xi32, #tpu.memory_space<hbm>>
      %dma_wait3A_54 = arith.constant 0 : i32
      %dma_wait3A_55 = arith.constant 0 : i32
      %dma_wait3A_56 = tpu.memref_slice %arg3[%dma_wait3A_54, %dma_wait3A_55] : memref<2048x384xi32, #tpu.memory_space<hbm>> -> memref<128x384xi32, #tpu.memory_space<hbm>>
      tpu.wait_dma2 semaphore(%arg10 : memref<!tpu.dma_semaphore, #tpu.memory_space<semaphore_mem>>) src(%dma_wait3A_56 : memref<128x384xi32, #tpu.memory_space<hbm>>) dst(%arg6 : memref<128x384xi32, #tpu.memory_space<vmem>>)
      %lt3A = arith.constant 3 : i32
      %lt3A_57 = arith.cmpi slt, %scan3A_17, %lt3A : i32
      %convert_element_type3A_58 = arith.extui %lt3A_57 : i1 to i32
      %cond3A_59 = arith.constant 0 : i32
      %cond3A_60 = arith.cmpi ne, %convert_element_type3A_58, %cond3A_59 : i32
      scf.if %cond3A_60 {
        %add3A_71 = arith.constant 2 : i32
        %add3A_72 = arith.addi %mul3A_19, %add3A_71 : i32
        %mul3A_73 = arith.constant 128 : i32
        %mul3A_74 = arith.muli %add3A_72, %mul3A_73 : i32
        %multiple_of3A_75 = tpu.assume_multiple %mul3A_74, 128 : i32
        %dma_start3A_76 = tpu.memref_slice %arg5[%multiple_of3A_75] : memref<1024xi32, #tpu.memory_space<vmem>> -> memref<128xi32, #tpu.memory_space<vmem>>
        %dma_start3A_77 = arith.constant 0 : i32
        %dma_start3A_78 = arith.constant 0 : i32
        %dma_start3A_79 = tpu.memref_slice %arg3[%dma_start3A_77, %dma_start3A_78] : memref<2048x384xi32, #tpu.memory_space<hbm>> -> memref<2048x384xi32, #tpu.memory_space<hbm>>
        tpu.enqueue_indirect_dma source(%dma_start3A_79 : memref<2048x384xi32, #tpu.memory_space<hbm>>) target(%arg6 : memref<128x384xi32, #tpu.memory_space<vmem>>) offsets(%dma_start3A_76 : memref<128xi32, #tpu.memory_space<vmem>>) semaphore(%arg8 : memref<!tpu.dma_semaphore, #tpu.memory_space<semaphore_mem>>)
      } else {
      }
      %add3A_61 = arith.constant 1 : i32
      %add3A_62 = arith.addi %mul3A_19, %add3A_61 : i32
      %mul3A_63 = arith.constant 128 : i32
      %mul3A_64 = arith.muli %add3A_62, %mul3A_63 : i32
      %add3A_65 = arith.addi %mul3A_2, %mul3A_64 : i32
      %multiple_of3A_66 = tpu.assume_multiple %add3A_65, 128 : i32
      %dma_start3A_67 = arith.constant 0 : i32
      %dma_start3A_68 = tpu.memref_slice %arg4[%multiple_of3A_66, %dma_start3A_67] : memref<32768x384xi32, #tpu.memory_space<hbm>> -> memref<128x384xi32, #tpu.memory_space<hbm>>
      %dma_start3A_69 = arith.constant 0 : i32
      %dma_start3A_70 = tpu.memref_slice %arg4[%multiple_of3A_66, %dma_start3A_69] : memref<32768x384xi32, #tpu.memory_space<hbm>> -> memref<128x384xi32, #tpu.memory_space<hbm>>
      tpu.enqueue_dma source(%arg7 : memref<128x384xi32, #tpu.memory_space<vmem>>) target(%dma_start3A_70 : memref<128x384xi32, #tpu.memory_space<hbm>>) target_semaphore(%arg11 : memref<!tpu.dma_semaphore, #tpu.memory_space<semaphore_mem>>)
    }
    %scan3A_11 = arith.constant 4 : i32
    %dma_wait3A = arith.constant 0 : i32
    %dma_wait3A_12 = arith.constant 0 : i32
    %dma_wait3A_13 = tpu.memref_slice %arg3[%dma_wait3A, %dma_wait3A_12] : memref<2048x384xi32, #tpu.memory_space<hbm>> -> memref<128x384xi32, #tpu.memory_space<hbm>>
    %dma_wait3A_14 = arith.constant 0 : i32
    %dma_wait3A_15 = arith.constant 0 : i32
    %dma_wait3A_16 = tpu.memref_slice %arg3[%dma_wait3A_14, %dma_wait3A_15] : memref<2048x384xi32, #tpu.memory_space<hbm>> -> memref<128x384xi32, #tpu.memory_space<hbm>>
    tpu.wait_dma2 semaphore(%arg11 : memref<!tpu.dma_semaphore, #tpu.memory_space<semaphore_mem>>) src(%dma_wait3A_16 : memref<128x384xi32, #tpu.memory_space<hbm>>) dst(%arg7 : memref<128x384xi32, #tpu.memory_space<vmem>>)
    return
  }
}

#map = affine_map<(d0, d1) -> (0)>
#map1 = affine_map<(d0, d1) -> (0, 0)>
module attributes {stable_mosaic.version = 14 : i64} {
  func.func @_gather_body(%arg0: i32, %arg1: i32, %arg2: memref<32768xi32, #tpu.memory_space<hbm>>, %arg3: memref<2048x384xi32, #tpu.memory_space<hbm>>, %arg4: memref<32768x384xi32, #tpu.memory_space<hbm>>, %arg5: memref<1024xi32, #tpu.memory_space<vmem>>, %arg6: memref<128x384xi32, #tpu.memory_space<vmem>>, %arg7: memref<128x384xi32, #tpu.memory_space<vmem>>, %arg8: memref<!tpu.dma_semaphore, #tpu.memory_space<semaphore_mem>>, %arg9: memref<!tpu.dma_semaphore, #tpu.memory_space<semaphore_mem>>, %arg10: memref<!tpu.dma_semaphore, #tpu.memory_space<semaphore_mem>>, %arg11: memref<!tpu.dma_semaphore, #tpu.memory_space<semaphore_mem>>) attributes {dimension_semantics = [#tpu.dimension_semantics<core_parallel>, #tpu.dimension_semantics<subcore_parallel>], iteration_bounds = array<i64: 2, 16>, scalar_prefetch = 0 : i64, scratch_operands = 7 : i64, tpu.core_type = #tpu.core_type<sc_vector_subcore>, window_params = [{transform_indices = #map}, {transform_indices = #map1}, {transform_indices = #map1}]} {
    %mul3A = arith.constant 2 : i32
    %mul3A_0 = arith.muli %arg1, %mul3A : i32
    %add3A = arith.addi %mul3A_0, %arg0 : i32
    %mul3A_1 = arith.constant 1024 : i32
    %mul3A_2 = arith.muli %add3A, %mul3A_1 : i32
    "tpu.region"() ({
      %run_scoped3A = tpu.sem_alloc : memref<!tpu.dma_semaphore, #tpu.memory_space<semaphore_mem>>
      %dma_start3A_17 = tpu.memref_slice %arg2[%mul3A_2] : memref<32768xi32, #tpu.memory_space<hbm>> -> memref<1024xi32, #tpu.memory_space<hbm>>
      %dma_start3A_18 = tpu.memref_slice %arg2[%mul3A_2] : memref<32768xi32, #tpu.memory_space<hbm>> -> memref<1024xi32, #tpu.memory_space<hbm>>
      tpu.enqueue_dma source(%dma_start3A_18 : memref<1024xi32, #tpu.memory_space<hbm>>) target(%arg5 : memref<1024xi32, #tpu.memory_space<vmem>>) target_semaphore(%run_scoped3A : memref<!tpu.dma_semaphore, #tpu.memory_space<semaphore_mem>>)
      %dma_wait3A_19 = tpu.memref_slice %arg2[%mul3A_2] : memref<32768xi32, #tpu.memory_space<hbm>> -> memref<1024xi32, #tpu.memory_space<hbm>>
      %dma_wait3A_20 = tpu.memref_slice %arg2[%mul3A_2] : memref<32768xi32, #tpu.memory_space<hbm>> -> memref<1024xi32, #tpu.memory_space<hbm>>
      tpu.wait_dma2 semaphore(%run_scoped3A : memref<!tpu.dma_semaphore, #tpu.memory_space<semaphore_mem>>) src(%dma_wait3A_20 : memref<1024xi32, #tpu.memory_space<hbm>>) dst(%arg5 : memref<1024xi32, #tpu.memory_space<vmem>>)
      tpu.yield
    }) : () -> ()
    %multiple_of3A = arith.constant 0 : i32
    %multiple_of3A_3 = tpu.assume_multiple %multiple_of3A, 128 : i32
    %dma_start3A = tpu.memref_slice %arg5[%multiple_of3A_3] : memref<1024xi32, #tpu.memory_space<vmem>> -> memref<128xi32, #tpu.memory_space<vmem>>
    %dma_start3A_4 = arith.constant 0 : i32
    %dma_start3A_5 = arith.constant 0 : i32
    %dma_start3A_6 = tpu.memref_slice %arg3[%dma_start3A_4, %dma_start3A_5] : memref<2048x384xi32, #tpu.memory_space<hbm>> -> memref<2048x384xi32, #tpu.memory_space<hbm>>
    tpu.enqueue_indirect_dma source(%dma_start3A_6 : memref<2048x384xi32, #tpu.memory_space<hbm>>) target(%arg6 : memref<128x384xi32, #tpu.memory_space<vmem>>) offsets(%dma_start3A : memref<128xi32, #tpu.memory_space<vmem>>) semaphore(%arg8 : memref<!tpu.dma_semaphore, #tpu.memory_space<semaphore_mem>>)
    %scan3A = arith.constant 0 : i32
    %scan3A_7 = arith.constant 0 : i32
    %scan3A_8 = arith.constant 4 : i32
    %scan3A_9 = arith.addi %scan3A_7, %scan3A_8 : i32
    %scan3A_10 = arith.constant 1 : i32
    scf.for %scan3A_17 = %scan3A_7 to %scan3A_9 step %scan3A_10  : i32 {
      %mul3A_18 = arith.constant 2 : i32
      %mul3A_19 = arith.muli %mul3A_18, %scan3A_17 : i32
      %dma_wait3A_20 = arith.constant 0 : i32
      %dma_wait3A_21 = arith.constant 0 : i32
      %dma_wait3A_22 = tpu.memref_slice %arg3[%dma_wait3A_20, %dma_wait3A_21] : memref<2048x384xi32, #tpu.memory_space<hbm>> -> memref<128x384xi32, #tpu.memory_space<hbm>>
      %dma_wait3A_23 = arith.constant 0 : i32
      %dma_wait3A_24 = arith.constant 0 : i32
      %dma_wait3A_25 = tpu.memref_slice %arg3[%dma_wait3A_23, %dma_wait3A_24] : memref<2048x384xi32, #tpu.memory_space<hbm>> -> memref<128x384xi32, #tpu.memory_space<hbm>>
      tpu.wait_dma2 semaphore(%arg8 : memref<!tpu.dma_semaphore, #tpu.memory_space<semaphore_mem>>) src(%dma_wait3A_25 : memref<128x384xi32, #tpu.memory_space<hbm>>) dst(%arg6 : memref<128x384xi32, #tpu.memory_space<vmem>>)
      %gt3A = arith.constant 0 : i32
      %gt3A_26 = arith.cmpi sgt, %scan3A_17, %gt3A : i32
      %convert_element_type3A = arith.extui %gt3A_26 : i1 to i32
      %cond3A = arith.constant 0 : i32
      %cond3A_27 = arith.cmpi ne, %convert_element_type3A, %cond3A : i32
      scf.if %cond3A_27 {
        %dma_wait3A_71 = arith.constant 0 : i32
        %dma_wait3A_72 = arith.constant 0 : i32
        %dma_wait3A_73 = tpu.memref_slice %arg3[%dma_wait3A_71, %dma_wait3A_72] : memref<2048x384xi32, #tpu.memory_space<hbm>> -> memref<128x384xi32, #tpu.memory_space<hbm>>
        %dma_wait3A_74 = arith.constant 0 : i32
        %dma_wait3A_75 = arith.constant 0 : i32
        %dma_wait3A_76 = tpu.memref_slice %arg3[%dma_wait3A_74, %dma_wait3A_75] : memref<2048x384xi32, #tpu.memory_space<hbm>> -> memref<128x384xi32, #tpu.memory_space<hbm>>
        tpu.wait_dma2 semaphore(%arg11 : memref<!tpu.dma_semaphore, #tpu.memory_space<semaphore_mem>>) src(%dma_wait3A_76 : memref<128x384xi32, #tpu.memory_space<hbm>>) dst(%arg7 : memref<128x384xi32, #tpu.memory_space<vmem>>)
      } else {
      }
      %add3A_28 = arith.constant 1 : i32
      %add3A_29 = arith.addi %mul3A_19, %add3A_28 : i32
      %mul3A_30 = arith.constant 128 : i32
      %mul3A_31 = arith.muli %add3A_29, %mul3A_30 : i32
      %multiple_of3A_32 = tpu.assume_multiple %mul3A_31, 128 : i32
      %dma_start3A_33 = tpu.memref_slice %arg5[%multiple_of3A_32] : memref<1024xi32, #tpu.memory_space<vmem>> -> memref<128xi32, #tpu.memory_space<vmem>>
      %dma_start3A_34 = arith.constant 0 : i32
      %dma_start3A_35 = arith.constant 0 : i32
      %dma_start3A_36 = tpu.memref_slice %arg3[%dma_start3A_34, %dma_start3A_35] : memref<2048x384xi32, #tpu.memory_space<hbm>> -> memref<2048x384xi32, #tpu.memory_space<hbm>>
      tpu.enqueue_indirect_dma source(%dma_start3A_36 : memref<2048x384xi32, #tpu.memory_space<hbm>>) target(%arg7 : memref<128x384xi32, #tpu.memory_space<vmem>>) offsets(%dma_start3A_33 : memref<128xi32, #tpu.memory_space<vmem>>) semaphore(%arg9 : memref<!tpu.dma_semaphore, #tpu.memory_space<semaphore_mem>>)
      %mul3A_37 = arith.constant 128 : i32
      %mul3A_38 = arith.muli %mul3A_19, %mul3A_37 : i32
      %add3A_39 = arith.addi %mul3A_2, %mul3A_38 : i32
      %multiple_of3A_40 = tpu.assume_multiple %add3A_39, 128 : i32
      %dma_start3A_41 = arith.constant 0 : i32
      %dma_start3A_42 = tpu.memref_slice %arg4[%multiple_of3A_40, %dma_start3A_41] : memref<32768x384xi32, #tpu.memory_space<hbm>> -> memref<128x384xi32, #tpu.memory_space<hbm>>
      %dma_start3A_43 = arith.constant 0 : i32
      %dma_start3A_44 = tpu.memref_slice %arg4[%multiple_of3A_40, %dma_start3A_43] : memref<32768x384xi32, #tpu.memory_space<hbm>> -> memref<128x384xi32, #tpu.memory_space<hbm>>
      tpu.enqueue_dma source(%arg6 : memref<128x384xi32, #tpu.memory_space<vmem>>) target(%dma_start3A_44 : memref<128x384xi32, #tpu.memory_space<hbm>>) target_semaphore(%arg10 : memref<!tpu.dma_semaphore, #tpu.memory_space<semaphore_mem>>)
      %dma_wait3A_45 = arith.constant 0 : i32
      %dma_wait3A_46 = arith.constant 0 : i32
      %dma_wait3A_47 = tpu.memref_slice %arg3[%dma_wait3A_45, %dma_wait3A_46] : memref<2048x384xi32, #tpu.memory_space<hbm>> -> memref<128x384xi32, #tpu.memory_space<hbm>>
      %dma_wait3A_48 = arith.constant 0 : i32
      %dma_wait3A_49 = arith.constant 0 : i32
      %dma_wait3A_50 = tpu.memref_slice %arg3[%dma_wait3A_48, %dma_wait3A_49] : memref<2048x384xi32, #tpu.memory_space<hbm>> -> memref<128x384xi32, #tpu.memory_space<hbm>>
      tpu.wait_dma2 semaphore(%arg9 : memref<!tpu.dma_semaphore, #tpu.memory_space<semaphore_mem>>) src(%dma_wait3A_50 : memref<128x384xi32, #tpu.memory_space<hbm>>) dst(%arg7 : memref<128x384xi32, #tpu.memory_space<vmem>>)
      %dma_wait3A_51 = arith.constant 0 : i32
      %dma_wait3A_52 = arith.constant 0 : i32
      %dma_wait3A_53 = tpu.memref_slice %arg3[%dma_wait3A_51, %dma_wait3A_52] : memref<2048x384xi32, #tpu.memory_space<hbm>> -> memref<128x384xi32, #tpu.memory_space<hbm>>
      %dma_wait3A_54 = arith.constant 0 : i32
      %dma_wait3A_55 = arith.constant 0 : i32
      %dma_wait3A_56 = tpu.memref_slice %arg3[%dma_wait3A_54, %dma_wait3A_55] : memref<2048x384xi32, #tpu.memory_space<hbm>> -> memref<128x384xi32, #tpu.memory_space<hbm>>
      tpu.wait_dma2 semaphore(%arg10 : memref<!tpu.dma_semaphore, #tpu.memory_space<semaphore_mem>>) src(%dma_wait3A_56 : memref<128x384xi32, #tpu.memory_space<hbm>>) dst(%arg6 : memref<128x384xi32, #tpu.memory_space<vmem>>)
      %lt3A = arith.constant 3 : i32
      %lt3A_57 = arith.cmpi slt, %scan3A_17, %lt3A : i32
      %convert_element_type3A_58 = arith.extui %lt3A_57 : i1 to i32
      %cond3A_59 = arith.constant 0 : i32
      %cond3A_60 = arith.cmpi ne, %convert_element_type3A_58, %cond3A_59 : i32
      scf.if %cond3A_60 {
        %add3A_71 = arith.constant 2 : i32
        %add3A_72 = arith.addi %mul3A_19, %add3A_71 : i32
        %mul3A_73 = arith.constant 128 : i32
        %mul3A_74 = arith.muli %add3A_72, %mul3A_73 : i32
        %multiple_of3A_75 = tpu.assume_multiple %mul3A_74, 128 : i32
        %dma_start3A_76 = tpu.memref_slice %arg5[%multiple_of3A_75] : memref<1024xi32, #tpu.memory_space<vmem>> -> memref<128xi32, #tpu.memory_space<vmem>>
        %dma_start3A_77 = arith.constant 0 : i32
        %dma_start3A_78 = arith.constant 0 : i32
        %dma_start3A_79 = tpu.memref_slice %arg3[%dma_start3A_77, %dma_start3A_78] : memref<2048x384xi32, #tpu.memory_space<hbm>> -> memref<2048x384xi32, #tpu.memory_space<hbm>>
        tpu.enqueue_indirect_dma source(%dma_start3A_79 : memref<2048x384xi32, #tpu.memory_space<hbm>>) target(%arg6 : memref<128x384xi32, #tpu.memory_space<vmem>>) offsets(%dma_start3A_76 : memref<128xi32, #tpu.memory_space<vmem>>) semaphore(%arg8 : memref<!tpu.dma_semaphore, #tpu.memory_space<semaphore_mem>>)
      } else {
      }
      %add3A_61 = arith.constant 1 : i32
      %add3A_62 = arith.addi %mul3A_19, %add3A_61 : i32
      %mul3A_63 = arith.constant 128 : i32
      %mul3A_64 = arith.muli %add3A_62, %mul3A_63 : i32
      %add3A_65 = arith.addi %mul3A_2, %mul3A_64 : i32
      %multiple_of3A_66 = tpu.assume_multiple %add3A_65, 128 : i32
      %dma_start3A_67 = arith.constant 0 : i32
      %dma_start3A_68 = tpu.memref_slice %arg4[%multiple_of3A_66, %dma_start3A_67] : memref<32768x384xi32, #tpu.memory_space<hbm>> -> memref<128x384xi32, #tpu.memory_space<hbm>>
      %dma_start3A_69 = arith.constant 0 : i32
      %dma_start3A_70 = tpu.memref_slice %arg4[%multiple_of3A_66, %dma_start3A_69] : memref<32768x384xi32, #tpu.memory_space<hbm>> -> memref<128x384xi32, #tpu.memory_space<hbm>>
      tpu.enqueue_dma source(%arg7 : memref<128x384xi32, #tpu.memory_space<vmem>>) target(%dma_start3A_70 : memref<128x384xi32, #tpu.memory_space<hbm>>) target_semaphore(%arg11 : memref<!tpu.dma_semaphore, #tpu.memory_space<semaphore_mem>>)
    }
    %scan3A_11 = arith.constant 4 : i32
    %dma_wait3A = arith.constant 0 : i32
    %dma_wait3A_12 = arith.constant 0 : i32
    %dma_wait3A_13 = tpu.memref_slice %arg3[%dma_wait3A, %dma_wait3A_12] : memref<2048x384xi32, #tpu.memory_space<hbm>> -> memref<128x384xi32, #tpu.memory_space<hbm>>
    %dma_wait3A_14 = arith.constant 0 : i32
    %dma_wait3A_15 = arith.constant 0 : i32
    %dma_wait3A_16 = tpu.memref_slice %arg3[%dma_wait3A_14, %dma_wait3A_15] : memref<2048x384xi32, #tpu.memory_space<hbm>> -> memref<128x384xi32, #tpu.memory_space<hbm>>
    tpu.wait_dma2 semaphore(%arg11 : memref<!tpu.dma_semaphore, #tpu.memory_space<semaphore_mem>>) src(%dma_wait3A_16 : memref<128x384xi32, #tpu.memory_space<hbm>>) dst(%arg7 : memref<128x384xi32, #tpu.memory_space<vmem>>)
    return
  }
}

module attributes {stable_mosaic.version = 14 : i64} {
  func.func @_knn_body(%arg0: i32, %arg1: memref<1x256x3xf32, #tpu.memory_space<vmem>>, %arg2: memref<1x3x2048xf32, #tpu.memory_space<vmem>>, %arg3: memref<256x128xf32, #tpu.memory_space<vmem>>, %arg4: memref<128x256xf32, #tpu.memory_space<vmem>>, %arg5: memref<1x256xf32, #tpu.memory_space<vmem>>, %arg6: memref<256x256xf32, #tpu.memory_space<vmem>>, %arg7: memref<256x256xf32, #tpu.memory_space<vmem>>, %arg8: memref<256x256xf32, #tpu.memory_space<vmem>>, %arg9: memref<256x3xf32, #tpu.memory_space<vmem>>, %arg10: memref<3x256xf32, #tpu.memory_space<vmem>>, %arg11: memref<256x16xi32, #tpu.memory_space<vmem>>, %arg12: memref<256x256xf32, #tpu.memory_space<vmem>>, %arg13: memref<256x384xi32, #tpu.memory_space<vmem>>, %arg14: memref<256x256xf32, #tpu.memory_space<vmem>>) attributes {dimension_semantics = [#tpu.dimension_semantics<arbitrary>], iteration_bounds = array<i64: 8>, scalar_prefetch = 0 : i64, scratch_operands = 0 : i64, tpu.core_type = #tpu.core_type<tc>, window_params = [{transform_indices = @transform_0, window_bounds = array<i64: 1, 256, 3>}, {pipeline_mode = #tpu.pipeline_mode<synchronous>, transform_indices = @transform_1, window_bounds = array<i64: 1, 3, 2048>}, {transform_indices = @transform_2, window_bounds = array<i64: 256, 128>}, {pipeline_mode = #tpu.pipeline_mode<synchronous>, transform_indices = @transform_3, window_bounds = array<i64: 128, 256>}, {pipeline_mode = #tpu.pipeline_mode<synchronous>, transform_indices = @transform_4, window_bounds = array<i64: 1, 256>}, {pipeline_mode = #tpu.pipeline_mode<synchronous>, transform_indices = @transform_5, window_bounds = array<i64: 256, 256>}, {pipeline_mode = #tpu.pipeline_mode<synchronous>, transform_indices = @transform_6, window_bounds = array<i64: 256, 256>}, {pipeline_mode = #tpu.pipeline_mode<synchronous>, transform_indices = @transform_7, window_bounds = array<i64: 256, 256>}, {transform_indices = @transform_8, window_bounds = array<i64: 256, 3>}, {pipeline_mode = #tpu.pipeline_mode<synchronous>, transform_indices = @transform_9, window_bounds = array<i64: 3, 256>}, {transform_indices = @transform_10, window_bounds = array<i64: 256, 16>}, {transform_indices = @transform_11, window_bounds = array<i64: 256, 256>}, {transform_indices = @transform_12, window_bounds = array<i64: 256, 384>}, {transform_indices = @transform_13, window_bounds = array<i64: 256, 256>}]} {
    %get3A = arith.constant 0 : index
    %get3A_0 = arith.constant 0 : index
    %get3A_1 = vector.load %arg3[%get3A, %get3A_0] : memref<256x128xf32, #tpu.memory_space<vmem>>, vector<256x128xf32>
    %get3A_2 = arith.constant 0 : index
    %get3A_3 = arith.constant 0 : index
    %get3A_4 = vector.load %arg4[%get3A_2, %get3A_3] : memref<128x256xf32, #tpu.memory_space<vmem>>, vector<128x256xf32>
    %dot_general3A = arith.constant dense<0.000000e+00> : vector<256x256xf32>
    %dot_general3A_5 = tpu.matmul %get3A_1, %get3A_4, %dot_general3A {dimension_numbers = #tpu.dot_dimension_numbers<[1], [0], [0], [1], [0, 0, 1, 1], [], []>, transpose_lhs_hint = false} : vector<256x128xf32>, vector<128x256xf32>, vector<256x256xf32> -> vector<256x256xf32>
    %get3A_6 = arith.constant 0 : index
    %get3A_7 = arith.constant 0 : index
    %get3A_8 = vector.load %arg5[%get3A_6, %get3A_7] : memref<1x256xf32, #tpu.memory_space<vmem>>, vector<1x256xf32>
    %add3A = vector.broadcast %get3A_8 : vector<1x256xf32> to vector<256x256xf32>
    %add3A_9 = arith.addf %dot_general3A_5, %add3A : vector<256x256xf32>
    %convert_element_type3A = arith.truncf %add3A_9 : vector<256x256xf32> to vector<256x256xbf16>
    %get3A_10 = arith.constant 0 : index
    %get3A_11 = arith.constant 0 : index
    %get3A_12 = vector.load %arg6[%get3A_10, %get3A_11] : memref<256x256xf32, #tpu.memory_space<vmem>>, vector<256x256xf32>
    %convert_element_type3A_13 = arith.truncf %get3A_12 : vector<256x256xf32> to vector<256x256xbf16>
    %dot_general3A_14 = arith.constant dense<0.000000e+00> : vector<256x256xf32>
    %dot_general3A_15 = tpu.matmul %convert_element_type3A, %convert_element_type3A_13, %dot_general3A_14 {dimension_numbers = #tpu.dot_dimension_numbers<[1], [0], [0], [1], [0, 0, 1, 1], [], []>, transpose_lhs_hint = false} : vector<256x256xbf16>, vector<256x256xbf16>, vector<256x256xf32> -> vector<256x256xf32>
    %swap3A = arith.constant 0 : index
    %swap3A_16 = arith.constant 0 : index
    %swap3A_17 = vector.load %arg12[%swap3A, %swap3A_16] : memref<256x256xf32, #tpu.memory_space<vmem>>, vector<256x256xf32>
    tpu.vector_store %arg12[%swap3A, %swap3A_16], %dot_general3A_15 {strides = array<i32>} : memref<256x256xf32, #tpu.memory_space<vmem>>, vector<256x256xf32>,
    %get3A_18 = arith.constant 0 : index
    %get3A_19 = arith.constant 0 : index
    %get3A_20 = vector.load %arg7[%get3A_18, %get3A_19] : memref<256x256xf32, #tpu.memory_space<vmem>>, vector<256x256xf32>
    %convert_element_type3A_21 = arith.truncf %get3A_20 : vector<256x256xf32> to vector<256x256xbf16>
    %dot_general3A_22 = arith.constant dense<0.000000e+00> : vector<256x256xf32>
    %dot_general3A_23 = tpu.matmul %convert_element_type3A, %convert_element_type3A_21, %dot_general3A_22 {dimension_numbers = #tpu.dot_dimension_numbers<[1], [0], [0], [1], [0, 0, 1, 1], [], []>, transpose_lhs_hint = false} : vector<256x256xbf16>, vector<256x256xbf16>, vector<256x256xf32> -> vector<256x256xf32>
    %get3A_24 = arith.constant 0 : index
    %get3A_25 = arith.constant 0 : index
    %get3A_26 = vector.load %arg8[%get3A_24, %get3A_25] : memref<256x256xf32, #tpu.memory_space<vmem>>, vector<256x256xf32>
    %convert_element_type3A_27 = arith.truncf %get3A_26 : vector<256x256xf32> to vector<256x256xbf16>
    %dot_general3A_28 = arith.constant dense<0.000000e+00> : vector<256x256xf32>
    %dot_general3A_29 = tpu.matmul %convert_element_type3A, %convert_element_type3A_27, %dot_general3A_28 {dimension_numbers = #tpu.dot_dimension_numbers<[1], [0], [0], [1], [0, 0, 1, 1], [], []>, transpose_lhs_hint = false} : vector<256x256xbf16>, vector<256x256xbf16>, vector<256x256xf32> -> vector<256x256xf32>
    %get3A_30 = arith.constant 0 : index
    %get3A_31 = arith.constant 0 : index
    %get3A_32 = vector.load %arg9[%get3A_30, %get3A_31] : memref<256x3xf32, #tpu.memory_space<vmem>>, vector<256x3xf32>
    %get3A_33 = arith.constant 0 : index
    %get3A_34 = arith.constant 0 : index
    %get3A_35 = vector.load %arg10[%get3A_33, %get3A_34] : memref<3x256xf32, #tpu.memory_space<vmem>>, vector<3x256xf32>
    %dot_general3A_36 = arith.constant dense<0.000000e+00> : vector<256x256xf32>
    %dot_general3A_37 = tpu.matmul %get3A_32, %get3A_35, %dot_general3A_36 {dimension_numbers = #tpu.dot_dimension_numbers<[1], [0], [0], [1], [0, 0, 1, 1], [], []>, transpose_lhs_hint = false} : vector<256x3xf32>, vector<3x256xf32>, vector<256x256xf32> -> vector<256x256xf32>
    %swap3A_38 = arith.constant 0 : index
    %swap3A_39 = arith.constant 0 : index
    %swap3A_40 = vector.load %arg14[%swap3A_38, %swap3A_39] : memref<256x256xf32, #tpu.memory_space<vmem>>, vector<256x256xf32>
    tpu.vector_store %arg14[%swap3A_38, %swap3A_39], %dot_general3A_37 {strides = array<i32>} : memref<256x256xf32, #tpu.memory_space<vmem>>, vector<256x256xf32>,
    %slice3A = vector.extract_strided_slice %dot_general3A_23 {offsets = [0, 0], sizes = [256, 128], strides = [1, 1]} : vector<256x256xf32> to vector<256x128xf32>
    %convert_element_type3A_41 = arith.truncf %slice3A : vector<256x128xf32> to vector<256x128xbf16>
    %convert_element_type3A_42 = arith.extf %convert_element_type3A_41 : vector<256x128xbf16> to vector<256x128xf32>
    %slice3A_43 = vector.extract_strided_slice %dot_general3A_23 {offsets = [0, 128], sizes = [256, 128], strides = [1, 1]} : vector<256x256xf32> to vector<256x128xf32>
    %convert_element_type3A_44 = arith.truncf %slice3A_43 : vector<256x128xf32> to vector<256x128xbf16>
    %convert_element_type3A_45 = arith.extf %convert_element_type3A_44 : vector<256x128xbf16> to vector<256x128xf32>
    %bitcast_convert_type3A = tpu.bitcast %convert_element_type3A_42 : vector<256x128xf32> -> vector<256x128xi32>
    %bitcast_convert_type3A_46 = tpu.bitcast %convert_element_type3A_45 : vector<256x128xf32> -> vector<256x128xi32>
    %shift_right_logical3A = arith.constant 16 : i32
    %shift_right_logical3A_47 = vector.broadcast %shift_right_logical3A : i32 to vector<256x128xi32>
    %shift_right_logical3A_48 = arith.shrui %bitcast_convert_type3A, %shift_right_logical3A_47 : vector<256x128xi32>
    %and3A = arith.constant -65536 : i32
    %and3A_49 = vector.broadcast %and3A : i32 to vector<256x128xi32>
    %and3A_50 = arith.andi %bitcast_convert_type3A_46, %and3A_49 : vector<256x128xi32>
    %or3A = arith.ori %shift_right_logical3A_48, %and3A_50 : vector<256x128xi32>
    %slice3A_51 = vector.extract_strided_slice %dot_general3A_29 {offsets = [0, 0], sizes = [256, 128], strides = [1, 1]} : vector<256x256xf32> to vector<256x128xf32>
    %convert_element_type3A_52 = arith.truncf %slice3A_51 : vector<256x128xf32> to vector<256x128xbf16>
    %convert_element_type3A_53 = arith.extf %convert_element_type3A_52 : vector<256x128xbf16> to vector<256x128xf32>
    %slice3A_54 = vector.extract_strided_slice %dot_general3A_29 {offsets = [0, 128], sizes = [256, 128], strides = [1, 1]} : vector<256x256xf32> to vector<256x128xf32>
    %convert_element_type3A_55 = arith.truncf %slice3A_54 : vector<256x128xf32> to vector<256x128xbf16>
    %convert_element_type3A_56 = arith.extf %convert_element_type3A_55 : vector<256x128xbf16> to vector<256x128xf32>
    %bitcast_convert_type3A_57 = tpu.bitcast %convert_element_type3A_53 : vector<256x128xf32> -> vector<256x128xi32>
    %bitcast_convert_type3A_58 = tpu.bitcast %convert_element_type3A_56 : vector<256x128xf32> -> vector<256x128xi32>
    %shift_right_logical3A_59 = arith.constant 16 : i32
    %shift_right_logical3A_60 = vector.broadcast %shift_right_logical3A_59 : i32 to vector<256x128xi32>
    %shift_right_logical3A_61 = arith.shrui %bitcast_convert_type3A_57, %shift_right_logical3A_60 : vector<256x128xi32>
    %and3A_62 = arith.constant -65536 : i32
    %and3A_63 = vector.broadcast %and3A_62 : i32 to vector<256x128xi32>
    %and3A_64 = arith.andi %bitcast_convert_type3A_58, %and3A_63 : vector<256x128xi32>
    %or3A_65 = arith.ori %shift_right_logical3A_61, %and3A_64 : vector<256x128xi32>
    %slice3A_66 = vector.extract_strided_slice %dot_general3A_37 {offsets = [0, 0], sizes = [256, 128], strides = [1, 1]} : vector<256x256xf32> to vector<256x128xf32>
    %convert_element_type3A_67 = arith.truncf %slice3A_66 : vector<256x128xf32> to vector<256x128xbf16>
    %convert_element_type3A_68 = arith.extf %convert_element_type3A_67 : vector<256x128xbf16> to vector<256x128xf32>
    %slice3A_69 = vector.extract_strided_slice %dot_general3A_37 {offsets = [0, 128], sizes = [256, 128], strides = [1, 1]} : vector<256x256xf32> to vector<256x128xf32>
    %convert_element_type3A_70 = arith.truncf %slice3A_69 : vector<256x128xf32> to vector<256x128xbf16>
    %convert_element_type3A_71 = arith.extf %convert_element_type3A_70 : vector<256x128xbf16> to vector<256x128xf32>
    %bitcast_convert_type3A_72 = tpu.bitcast %convert_element_type3A_68 : vector<256x128xf32> -> vector<256x128xi32>
    %bitcast_convert_type3A_73 = tpu.bitcast %convert_element_type3A_71 : vector<256x128xf32> -> vector<256x128xi32>
    %shift_right_logical3A_74 = arith.constant 16 : i32
    %shift_right_logical3A_75 = vector.broadcast %shift_right_logical3A_74 : i32 to vector<256x128xi32>
    %shift_right_logical3A_76 = arith.shrui %bitcast_convert_type3A_72, %shift_right_logical3A_75 : vector<256x128xi32>
    %and3A_77 = arith.constant -65536 : i32
    %and3A_78 = vector.broadcast %and3A_77 : i32 to vector<256x128xi32>
    %and3A_79 = arith.andi %bitcast_convert_type3A_73, %and3A_78 : vector<256x128xi32>
    %or3A_80 = arith.ori %shift_right_logical3A_76, %and3A_79 : vector<256x128xi32>
    %concatenate3A = tpu.concatenate %or3A, %or3A_65, %or3A_80 in 1 : vector<256x128xi32>, vector<256x128xi32>, vector<256x128xi32> -> vector<256x384xi32>
    %swap3A_81 = arith.constant 0 : index
    %swap3A_82 = arith.constant 0 : index
    %swap3A_83 = vector.load %arg13[%swap3A_81, %swap3A_82] : memref<256x384xi32, #tpu.memory_space<vmem>>, vector<256x384xi32>
    tpu.vector_store %arg13[%swap3A_81, %swap3A_82], %concatenate3A {strides = array<i32>} : memref<256x384xi32, #tpu.memory_space<vmem>>, vector<256x384xi32>,
    %get3A_84 = arith.constant 0 : index
    %get3A_85 = arith.constant 0 : index
    %get3A_86 = arith.constant 0 : index
    %get3A_87 = vector.load %arg1[%get3A_84, %get3A_85, %get3A_86] : memref<1x256x3xf32, #tpu.memory_space<vmem>>, vector<1x256x3xf32>
    %get3A_88 = vector.shape_cast %get3A_87 : vector<1x256x3xf32> to vector<256x3xf32>
    %get3A_89 = arith.constant 0 : index
    %get3A_90 = arith.constant 0 : index
    %get3A_91 = arith.constant 0 : index
    %get3A_92 = vector.load %arg2[%get3A_89, %get3A_90, %get3A_91] : memref<1x3x2048xf32, #tpu.memory_space<vmem>>, vector<1x3x2048xf32>
    %get3A_93 = vector.shape_cast %get3A_92 : vector<1x3x2048xf32> to vector<3x2048xf32>
    %slice3A_94 = vector.extract_strided_slice %get3A_88 {offsets = [0, 0], sizes = [256, 1], strides = [1, 1]} : vector<256x3xf32> to vector<256x1xf32>
    %slice3A_95 = vector.extract_strided_slice %get3A_93 {offsets = [0, 0], sizes = [1, 2048], strides = [1, 1]} : vector<3x2048xf32> to vector<1x2048xf32>
    %sub3A = vector.broadcast %slice3A_94 : vector<256x1xf32> to vector<256x2048xf32>
    %sub3A_96 = vector.broadcast %slice3A_95 : vector<1x2048xf32> to vector<256x2048xf32>
    %sub3A_97 = arith.subf %sub3A, %sub3A_96 : vector<256x2048xf32>
    %slice3A_98 = vector.extract_strided_slice %get3A_88 {offsets = [0, 1], sizes = [256, 1], strides = [1, 1]} : vector<256x3xf32> to vector<256x1xf32>
    %slice3A_99 = vector.extract_strided_slice %get3A_93 {offsets = [1, 0], sizes = [1, 2048], strides = [1, 1]} : vector<3x2048xf32> to vector<1x2048xf32>
    %sub3A_100 = vector.broadcast %slice3A_98 : vector<256x1xf32> to vector<256x2048xf32>
    %sub3A_101 = vector.broadcast %slice3A_99 : vector<1x2048xf32> to vector<256x2048xf32>
    %sub3A_102 = arith.subf %sub3A_100, %sub3A_101 : vector<256x2048xf32>
    %slice3A_103 = vector.extract_strided_slice %get3A_88 {offsets = [0, 2], sizes = [256, 1], strides = [1, 1]} : vector<256x3xf32> to vector<256x1xf32>
    %slice3A_104 = vector.extract_strided_slice %get3A_93 {offsets = [2, 0], sizes = [1, 2048], strides = [1, 1]} : vector<3x2048xf32> to vector<1x2048xf32>
    %sub3A_105 = vector.broadcast %slice3A_103 : vector<256x1xf32> to vector<256x2048xf32>
    %sub3A_106 = vector.broadcast %slice3A_104 : vector<1x2048xf32> to vector<256x2048xf32>
    %sub3A_107 = arith.subf %sub3A_105, %sub3A_106 : vector<256x2048xf32>
    %mul3A = arith.mulf %sub3A_97, %sub3A_97 : vector<256x2048xf32>
    %mul3A_108 = arith.mulf %sub3A_102, %sub3A_102 : vector<256x2048xf32>
    %add3A_109 = arith.addf %mul3A, %mul3A_108 : vector<256x2048xf32>
    %mul3A_110 = arith.mulf %sub3A_107, %sub3A_107 : vector<256x2048xf32>
    %add3A_111 = arith.addf %add3A_109, %mul3A_110 : vector<256x2048xf32>
    %iota3A = tpu.iota {dimensions = array<i32: 1>} : vector<256x2048xi32>
    %convert_element_type3A_112 = arith.sitofp %iota3A : vector<256x2048xi32> to vector<256x2048xf32>
    %reduce_min3A = arith.constant dense<0x7F800000> : vector<256xf32>
    %reduce_min3A_113 = vector.multi_reduction <minimumf>, %add3A_111, %reduce_min3A [1] : vector<256x2048xf32> to vector<256xf32>
    %broadcast_in_dim3A = vector.shape_cast %reduce_min3A_113 : vector<256xf32> to vector<256x1xf32>
    %eq3A = vector.broadcast %broadcast_in_dim3A : vector<256x1xf32> to vector<256x2048xf32>
    %eq3A_114 = arith.cmpf oeq, %add3A_111, %eq3A : vector<256x2048xf32>
    %jit3A = arith.constant 2.048000e+03 : f32
    %broadcast_in_dim3A_115 = vector.broadcast %jit3A : f32 to vector<256x2048xf32>
    %select_n3A = arith.select %eq3A_114, %convert_element_type3A_112, %broadcast_in_dim3A_115 : vector<256x2048xi1>, vector<256x2048xf32>
    %reduce_min3A_116 = arith.constant dense<0x7F800000> : vector<256xf32>
    %reduce_min3A_117 = vector.multi_reduction <minimumf>, %select_n3A, %reduce_min3A_116 [1] : vector<256x2048xf32> to vector<256xf32>
    %broadcast_in_dim3A_118 = vector.shape_cast %reduce_min3A_117 : vector<256xf32> to vector<256x1xf32>
    %eq3A_119 = vector.broadcast %broadcast_in_dim3A_118 : vector<256x1xf32> to vector<256x2048xf32>
    %eq3A_120 = arith.cmpf oeq, %convert_element_type3A_112, %eq3A_119 : vector<256x2048xf32>
    %jit3A_121 = arith.constant 0x7F800000 : f32
    %broadcast_in_dim3A_122 = vector.broadcast %jit3A_121 : f32 to vector<256x2048xf32>
    %select_n3A_123 = arith.select %eq3A_120, %broadcast_in_dim3A_122, %add3A_111 : vector<256x2048xi1>, vector<256x2048xf32>
    %reduce_min3A_124 = arith.constant dense<0x7F800000> : vector<256xf32>
    %reduce_min3A_125 = vector.multi_reduction <minimumf>, %select_n3A_123, %reduce_min3A_124 [1] : vector<256x2048xf32> to vector<256xf32>
    %broadcast_in_dim3A_126 = vector.shape_cast %reduce_min3A_125 : vector<256xf32> to vector<256x1xf32>
    %eq3A_127 = vector.broadcast %broadcast_in_dim3A_126 : vector<256x1xf32> to vector<256x2048xf32>
    %eq3A_128 = arith.cmpf oeq, %select_n3A_123, %eq3A_127 : vector<256x2048xf32>
    %jit3A_129 = arith.constant 2.048000e+03 : f32
    %broadcast_in_dim3A_130 = vector.broadcast %jit3A_129 : f32 to vector<256x2048xf32>
    %select_n3A_131 = arith.select %eq3A_128, %convert_element_type3A_112, %broadcast_in_dim3A_130 : vector<256x2048xi1>, vector<256x2048xf32>
    %reduce_min3A_132 = arith.constant dense<0x7F800000> : vector<256xf32>
    %reduce_min3A_133 = vector.multi_reduction <minimumf>, %select_n3A_131, %reduce_min3A_132 [1] : vector<256x2048xf32> to vector<256xf32>
    %broadcast_in_dim3A_134 = vector.shape_cast %reduce_min3A_133 : vector<256xf32> to vector<256x1xf32>
    %eq3A_135 = vector.broadcast %broadcast_in_dim3A_134 : vector<256x1xf32> to vector<256x2048xf32>
    %eq3A_136 = arith.cmpf oeq, %convert_element_type3A_112, %eq3A_135 : vector<256x2048xf32>
    %jit3A_137 = arith.constant 0x7F800000 : f32
    %broadcast_in_dim3A_138 = vector.broadcast %jit3A_137 : f32 to vector<256x2048xf32>
    %select_n3A_139 = arith.select %eq3A_136, %broadcast_in_dim3A_138, %select_n3A_123 : vector<256x2048xi1>, vector<256x2048xf32>
    %reduce_min3A_140 = arith.constant dense<0x7F800000> : vector<256xf32>
    %reduce_min3A_141 = vector.multi_reduction <minimumf>, %select_n3A_139, %reduce_min3A_140 [1] : vector<256x2048xf32> to vector<256xf32>
    %broadcast_in_dim3A_142 = vector.shape_cast %reduce_min3A_141 : vector<256xf32> to vector<256x1xf32>
    %eq3A_143 = vector.broadcast %broadcast_in_dim3A_142 : vector<256x1xf32> to vector<256x2048xf32>
    %eq3A_144 = arith.cmpf oeq, %select_n3A_139, %eq3A_143 : vector<256x2048xf32>
    %jit3A_145 = arith.constant 2.048000e+03 : f32
    %broadcast_in_dim3A_146 = vector.broadcast %jit3A_145 : f32 to vector<256x2048xf32>
    %select_n3A_147 = arith.select %eq3A_144, %convert_element_type3A_112, %broadcast_in_dim3A_146 : vector<256x2048xi1>, vector<256x2048xf32>
    %reduce_min3A_148 = arith.constant dense<0x7F800000> : vector<256xf32>
    %reduce_min3A_149 = vector.multi_reduction <minimumf>, %select_n3A_147, %reduce_min3A_148 [1] : vector<256x2048xf32> to vector<256xf32>
    %broadcast_in_dim3A_150 = vector.shape_cast %reduce_min3A_149 : vector<256xf32> to vector<256x1xf32>
    %eq3A_151 = vector.broadcast %broadcast_in_dim3A_150 : vector<256x1xf32> to vector<256x2048xf32>
    %eq3A_152 = arith.cmpf oeq, %convert_element_type3A_112, %eq3A_151 : vector<256x2048xf32>
    %jit3A_153 = arith.constant 0x7F800000 : f32
    %broadcast_in_dim3A_154 = vector.broadcast %jit3A_153 : f32 to vector<256x2048xf32>
    %select_n3A_155 = arith.select %eq3A_152, %broadcast_in_dim3A_154, %select_n3A_139 : vector<256x2048xi1>, vector<256x2048xf32>
    %reduce_min3A_156 = arith.constant dense<0x7F800000> : vector<256xf32>
    %reduce_min3A_157 = vector.multi_reduction <minimumf>, %select_n3A_155, %reduce_min3A_156 [1] : vector<256x2048xf32> to vector<256xf32>
    %broadcast_in_dim3A_158 = vector.shape_cast %reduce_min3A_157 : vector<256xf32> to vector<256x1xf32>
    %eq3A_159 = vector.broadcast %broadcast_in_dim3A_158 : vector<256x1xf32> to vector<256x2048xf32>
    %eq3A_160 = arith.cmpf oeq, %select_n3A_155, %eq3A_159 : vector<256x2048xf32>
    %jit3A_161 = arith.constant 2.048000e+03 : f32
    %broadcast_in_dim3A_162 = vector.broadcast %jit3A_161 : f32 to vector<256x2048xf32>
    %select_n3A_163 = arith.select %eq3A_160, %convert_element_type3A_112, %broadcast_in_dim3A_162 : vector<256x2048xi1>, vector<256x2048xf32>
    %reduce_min3A_164 = arith.constant dense<0x7F800000> : vector<256xf32>
    %reduce_min3A_165 = vector.multi_reduction <minimumf>, %select_n3A_163, %reduce_min3A_164 [1] : vector<256x2048xf32> to vector<256xf32>
    %broadcast_in_dim3A_166 = vector.shape_cast %reduce_min3A_165 : vector<256xf32> to vector<256x1xf32>
    %eq3A_167 = vector.broadcast %broadcast_in_dim3A_166 : vector<256x1xf32> to vector<256x2048xf32>
    %eq3A_168 = arith.cmpf oeq, %convert_element_type3A_112, %eq3A_167 : vector<256x2048xf32>
    %jit3A_169 = arith.constant 0x7F800000 : f32
    %broadcast_in_dim3A_170 = vector.broadcast %jit3A_169 : f32 to vector<256x2048xf32>
    %select_n3A_171 = arith.select %eq3A_168, %broadcast_in_dim3A_170, %select_n3A_155 : vector<256x2048xi1>, vector<256x2048xf32>
    %reduce_min3A_172 = arith.constant dense<0x7F800000> : vector<256xf32>
    %reduce_min3A_173 = vector.multi_reduction <minimumf>, %select_n3A_171, %reduce_min3A_172 [1] : vector<256x2048xf32> to vector<256xf32>
    %broadcast_in_dim3A_174 = vector.shape_cast %reduce_min3A_173 : vector<256xf32> to vector<256x1xf32>
    %eq3A_175 = vector.broadcast %broadcast_in_dim3A_174 : vector<256x1xf32> to vector<256x2048xf32>
    %eq3A_176 = arith.cmpf oeq, %select_n3A_171, %eq3A_175 : vector<256x2048xf32>
    %jit3A_177 = arith.constant 2.048000e+03 : f32
    %broadcast_in_dim3A_178 = vector.broadcast %jit3A_177 : f32 to vector<256x2048xf32>
    %select_n3A_179 = arith.select %eq3A_176, %convert_element_type3A_112, %broadcast_in_dim3A_178 : vector<256x2048xi1>, vector<256x2048xf32>
    %reduce_min3A_180 = arith.constant dense<0x7F800000> : vector<256xf32>
    %reduce_min3A_181 = vector.multi_reduction <minimumf>, %select_n3A_179, %reduce_min3A_180 [1] : vector<256x2048xf32> to vector<256xf32>
    %broadcast_in_dim3A_182 = vector.shape_cast %reduce_min3A_181 : vector<256xf32> to vector<256x1xf32>
    %eq3A_183 = vector.broadcast %broadcast_in_dim3A_182 : vector<256x1xf32> to vector<256x2048xf32>
    %eq3A_184 = arith.cmpf oeq, %convert_element_type3A_112, %eq3A_183 : vector<256x2048xf32>
    %jit3A_185 = arith.constant 0x7F800000 : f32
    %broadcast_in_dim3A_186 = vector.broadcast %jit3A_185 : f32 to vector<256x2048xf32>
    %select_n3A_187 = arith.select %eq3A_184, %broadcast_in_dim3A_186, %select_n3A_171 : vector<256x2048xi1>, vector<256x2048xf32>
    %reduce_min3A_188 = arith.constant dense<0x7F800000> : vector<256xf32>
    %reduce_min3A_189 = vector.multi_reduction <minimumf>, %select_n3A_187, %reduce_min3A_188 [1] : vector<256x2048xf32> to vector<256xf32>
    %broadcast_in_dim3A_190 = vector.shape_cast %reduce_min3A_189 : vector<256xf32> to vector<256x1xf32>
    %eq3A_191 = vector.broadcast %broadcast_in_dim3A_190 : vector<256x1xf32> to vector<256x2048xf32>
    %eq3A_192 = arith.cmpf oeq, %select_n3A_187, %eq3A_191 : vector<256x2048xf32>
    %jit3A_193 = arith.constant 2.048000e+03 : f32
    %broadcast_in_dim3A_194 = vector.broadcast %jit3A_193 : f32 to vector<256x2048xf32>
    %select_n3A_195 = arith.select %eq3A_192, %convert_element_type3A_112, %broadcast_in_dim3A_194 : vector<256x2048xi1>, vector<256x2048xf32>
    %reduce_min3A_196 = arith.constant dense<0x7F800000> : vector<256xf32>
    %reduce_min3A_197 = vector.multi_reduction <minimumf>, %select_n3A_195, %reduce_min3A_196 [1] : vector<256x2048xf32> to vector<256xf32>
    %broadcast_in_dim3A_198 = vector.shape_cast %reduce_min3A_197 : vector<256xf32> to vector<256x1xf32>
    %eq3A_199 = vector.broadcast %broadcast_in_dim3A_198 : vector<256x1xf32> to vector<256x2048xf32>
    %eq3A_200 = arith.cmpf oeq, %convert_element_type3A_112, %eq3A_199 : vector<256x2048xf32>
    %jit3A_201 = arith.constant 0x7F800000 : f32
    %broadcast_in_dim3A_202 = vector.broadcast %jit3A_201 : f32 to vector<256x2048xf32>
    %select_n3A_203 = arith.select %eq3A_200, %broadcast_in_dim3A_202, %select_n3A_187 : vector<256x2048xi1>, vector<256x2048xf32>
    %reduce_min3A_204 = arith.constant dense<0x7F800000> : vector<256xf32>
    %reduce_min3A_205 = vector.multi_reduction <minimumf>, %select_n3A_203, %reduce_min3A_204 [1] : vector<256x2048xf32> to vector<256xf32>
    %broadcast_in_dim3A_206 = vector.shape_cast %reduce_min3A_205 : vector<256xf32> to vector<256x1xf32>
    %eq3A_207 = vector.broadcast %broadcast_in_dim3A_206 : vector<256x1xf32> to vector<256x2048xf32>
    %eq3A_208 = arith.cmpf oeq, %select_n3A_203, %eq3A_207 : vector<256x2048xf32>
    %jit3A_209 = arith.constant 2.048000e+03 : f32
    %broadcast_in_dim3A_210 = vector.broadcast %jit3A_209 : f32 to vector<256x2048xf32>
    %select_n3A_211 = arith.select %eq3A_208, %convert_element_type3A_112, %broadcast_in_dim3A_210 : vector<256x2048xi1>, vector<256x2048xf32>
    %reduce_min3A_212 = arith.constant dense<0x7F800000> : vector<256xf32>
    %reduce_min3A_213 = vector.multi_reduction <minimumf>, %select_n3A_211, %reduce_min3A_212 [1] : vector<256x2048xf32> to vector<256xf32>
    %broadcast_in_dim3A_214 = vector.shape_cast %reduce_min3A_213 : vector<256xf32> to vector<256x1xf32>
    %eq3A_215 = vector.broadcast %broadcast_in_dim3A_214 : vector<256x1xf32> to vector<256x2048xf32>
    %eq3A_216 = arith.cmpf oeq, %convert_element_type3A_112, %eq3A_215 : vector<256x2048xf32>
    %jit3A_217 = arith.constant 0x7F800000 : f32
    %broadcast_in_dim3A_218 = vector.broadcast %jit3A_217 : f32 to vector<256x2048xf32>
    %select_n3A_219 = arith.select %eq3A_216, %broadcast_in_dim3A_218, %select_n3A_203 : vector<256x2048xi1>, vector<256x2048xf32>
    %reduce_min3A_220 = arith.constant dense<0x7F800000> : vector<256xf32>
    %reduce_min3A_221 = vector.multi_reduction <minimumf>, %select_n3A_219, %reduce_min3A_220 [1] : vector<256x2048xf32> to vector<256xf32>
    %broadcast_in_dim3A_222 = vector.shape_cast %reduce_min3A_221 : vector<256xf32> to vector<256x1xf32>
    %eq3A_223 = vector.broadcast %broadcast_in_dim3A_222 : vector<256x1xf32> to vector<256x2048xf32>
    %eq3A_224 = arith.cmpf oeq, %select_n3A_219, %eq3A_223 : vector<256x2048xf32>
    %jit3A_225 = arith.constant 2.048000e+03 : f32
    %broadcast_in_dim3A_226 = vector.broadcast %jit3A_225 : f32 to vector<256x2048xf32>
    %select_n3A_227 = arith.select %eq3A_224, %convert_element_type3A_112, %broadcast_in_dim3A_226 : vector<256x2048xi1>, vector<256x2048xf32>
    %reduce_min3A_228 = arith.constant dense<0x7F800000> : vector<256xf32>
    %reduce_min3A_229 = vector.multi_reduction <minimumf>, %select_n3A_227, %reduce_min3A_228 [1] : vector<256x2048xf32> to vector<256xf32>
    %broadcast_in_dim3A_230 = vector.shape_cast %reduce_min3A_229 : vector<256xf32> to vector<256x1xf32>
    %eq3A_231 = vector.broadcast %broadcast_in_dim3A_230 : vector<256x1xf32> to vector<256x2048xf32>
    %eq3A_232 = arith.cmpf oeq, %convert_element_type3A_112, %eq3A_231 : vector<256x2048xf32>
    %jit3A_233 = arith.constant 0x7F800000 : f32
    %broadcast_in_dim3A_234 = vector.broadcast %jit3A_233 : f32 to vector<256x2048xf32>
    %select_n3A_235 = arith.select %eq3A_232, %broadcast_in_dim3A_234, %select_n3A_219 : vector<256x2048xi1>, vector<256x2048xf32>
    %reduce_min3A_236 = arith.constant dense<0x7F800000> : vector<256xf32>
    %reduce_min3A_237 = vector.multi_reduction <minimumf>, %select_n3A_235, %reduce_min3A_236 [1] : vector<256x2048xf32> to vector<256xf32>
    %broadcast_in_dim3A_238 = vector.shape_cast %reduce_min3A_237 : vector<256xf32> to vector<256x1xf32>
    %eq3A_239 = vector.broadcast %broadcast_in_dim3A_238 : vector<256x1xf32> to vector<256x2048xf32>
    %eq3A_240 = arith.cmpf oeq, %select_n3A_235, %eq3A_239 : vector<256x2048xf32>
    %jit3A_241 = arith.constant 2.048000e+03 : f32
    %broadcast_in_dim3A_242 = vector.broadcast %jit3A_241 : f32 to vector<256x2048xf32>
    %select_n3A_243 = arith.select %eq3A_240, %convert_element_type3A_112, %broadcast_in_dim3A_242 : vector<256x2048xi1>, vector<256x2048xf32>
    %reduce_min3A_244 = arith.constant dense<0x7F800000> : vector<256xf32>
    %reduce_min3A_245 = vector.multi_reduction <minimumf>, %select_n3A_243, %reduce_min3A_244 [1] : vector<256x2048xf32> to vector<256xf32>
    %broadcast_in_dim3A_246 = vector.shape_cast %reduce_min3A_245 : vector<256xf32> to vector<256x1xf32>
    %eq3A_247 = vector.broadcast %broadcast_in_dim3A_246 : vector<256x1xf32> to vector<256x2048xf32>
    %eq3A_248 = arith.cmpf oeq, %convert_element_type3A_112, %eq3A_247 : vector<256x2048xf32>
    %jit3A_249 = arith.constant 0x7F800000 : f32
    %broadcast_in_dim3A_250 = vector.broadcast %jit3A_249 : f32 to vector<256x2048xf32>
    %select_n3A_251 = arith.select %eq3A_248, %broadcast_in_dim3A_250, %select_n3A_235 : vector<256x2048xi1>, vector<256x2048xf32>
    %reduce_min3A_252 = arith.constant dense<0x7F800000> : vector<256xf32>
    %reduce_min3A_253 = vector.multi_reduction <minimumf>, %select_n3A_251, %reduce_min3A_252 [1] : vector<256x2048xf32> to vector<256xf32>
    %broadcast_in_dim3A_254 = vector.shape_cast %reduce_min3A_253 : vector<256xf32> to vector<256x1xf32>
    %eq3A_255 = vector.broadcast %broadcast_in_dim3A_254 : vector<256x1xf32> to vector<256x2048xf32>
    %eq3A_256 = arith.cmpf oeq, %select_n3A_251, %eq3A_255 : vector<256x2048xf32>
    %jit3A_257 = arith.constant 2.048000e+03 : f32
    %broadcast_in_dim3A_258 = vector.broadcast %jit3A_257 : f32 to vector<256x2048xf32>
    %select_n3A_259 = arith.select %eq3A_256, %convert_element_type3A_112, %broadcast_in_dim3A_258 : vector<256x2048xi1>, vector<256x2048xf32>
    %reduce_min3A_260 = arith.constant dense<0x7F800000> : vector<256xf32>
    %reduce_min3A_261 = vector.multi_reduction <minimumf>, %select_n3A_259, %reduce_min3A_260 [1] : vector<256x2048xf32> to vector<256xf32>
    %broadcast_in_dim3A_262 = vector.shape_cast %reduce_min3A_261 : vector<256xf32> to vector<256x1xf32>
    %eq3A_263 = vector.broadcast %broadcast_in_dim3A_262 : vector<256x1xf32> to vector<256x2048xf32>
    %eq3A_264 = arith.cmpf oeq, %convert_element_type3A_112, %eq3A_263 : vector<256x2048xf32>
    %jit3A_265 = arith.constant 0x7F800000 : f32
    %broadcast_in_dim3A_266 = vector.broadcast %jit3A_265 : f32 to vector<256x2048xf32>
    %select_n3A_267 = arith.select %eq3A_264, %broadcast_in_dim3A_266, %select_n3A_251 : vector<256x2048xi1>, vector<256x2048xf32>
    %reduce_min3A_268 = arith.constant dense<0x7F800000> : vector<256xf32>
    %reduce_min3A_269 = vector.multi_reduction <minimumf>, %select_n3A_267, %reduce_min3A_268 [1] : vector<256x2048xf32> to vector<256xf32>
    %broadcast_in_dim3A_270 = vector.shape_cast %reduce_min3A_269 : vector<256xf32> to vector<256x1xf32>
    %eq3A_271 = vector.broadcast %broadcast_in_dim3A_270 : vector<256x1xf32> to vector<256x2048xf32>
    %eq3A_272 = arith.cmpf oeq, %select_n3A_267, %eq3A_271 : vector<256x2048xf32>
    %jit3A_273 = arith.constant 2.048000e+03 : f32
    %broadcast_in_dim3A_274 = vector.broadcast %jit3A_273 : f32 to vector<256x2048xf32>
    %select_n3A_275 = arith.select %eq3A_272, %convert_element_type3A_112, %broadcast_in_dim3A_274 : vector<256x2048xi1>, vector<256x2048xf32>
    %reduce_min3A_276 = arith.constant dense<0x7F800000> : vector<256xf32>
    %reduce_min3A_277 = vector.multi_reduction <minimumf>, %select_n3A_275, %reduce_min3A_276 [1] : vector<256x2048xf32> to vector<256xf32>
    %broadcast_in_dim3A_278 = vector.shape_cast %reduce_min3A_277 : vector<256xf32> to vector<256x1xf32>
    %eq3A_279 = vector.broadcast %broadcast_in_dim3A_278 : vector<256x1xf32> to vector<256x2048xf32>
    %eq3A_280 = arith.cmpf oeq, %convert_element_type3A_112, %eq3A_279 : vector<256x2048xf32>
    %jit3A_281 = arith.constant 0x7F800000 : f32
    %broadcast_in_dim3A_282 = vector.broadcast %jit3A_281 : f32 to vector<256x2048xf32>
    %select_n3A_283 = arith.select %eq3A_280, %broadcast_in_dim3A_282, %select_n3A_267 : vector<256x2048xi1>, vector<256x2048xf32>
    %reduce_min3A_284 = arith.constant dense<0x7F800000> : vector<256xf32>
    %reduce_min3A_285 = vector.multi_reduction <minimumf>, %select_n3A_283, %reduce_min3A_284 [1] : vector<256x2048xf32> to vector<256xf32>
    %broadcast_in_dim3A_286 = vector.shape_cast %reduce_min3A_285 : vector<256xf32> to vector<256x1xf32>
    %eq3A_287 = vector.broadcast %broadcast_in_dim3A_286 : vector<256x1xf32> to vector<256x2048xf32>
    %eq3A_288 = arith.cmpf oeq, %select_n3A_283, %eq3A_287 : vector<256x2048xf32>
    %jit3A_289 = arith.constant 2.048000e+03 : f32
    %broadcast_in_dim3A_290 = vector.broadcast %jit3A_289 : f32 to vector<256x2048xf32>
    %select_n3A_291 = arith.select %eq3A_288, %convert_element_type3A_112, %broadcast_in_dim3A_290 : vector<256x2048xi1>, vector<256x2048xf32>
    %reduce_min3A_292 = arith.constant dense<0x7F800000> : vector<256xf32>
    %reduce_min3A_293 = vector.multi_reduction <minimumf>, %select_n3A_291, %reduce_min3A_292 [1] : vector<256x2048xf32> to vector<256xf32>
    %broadcast_in_dim3A_294 = vector.shape_cast %reduce_min3A_293 : vector<256xf32> to vector<256x1xf32>
    %eq3A_295 = vector.broadcast %broadcast_in_dim3A_294 : vector<256x1xf32> to vector<256x2048xf32>
    %eq3A_296 = arith.cmpf oeq, %convert_element_type3A_112, %eq3A_295 : vector<256x2048xf32>
    %jit3A_297 = arith.constant 0x7F800000 : f32
    %broadcast_in_dim3A_298 = vector.broadcast %jit3A_297 : f32 to vector<256x2048xf32>
    %select_n3A_299 = arith.select %eq3A_296, %broadcast_in_dim3A_298, %select_n3A_283 : vector<256x2048xi1>, vector<256x2048xf32>
    %reduce_min3A_300 = arith.constant dense<0x7F800000> : vector<256xf32>
    %reduce_min3A_301 = vector.multi_reduction <minimumf>, %select_n3A_299, %reduce_min3A_300 [1] : vector<256x2048xf32> to vector<256xf32>
    %broadcast_in_dim3A_302 = vector.shape_cast %reduce_min3A_301 : vector<256xf32> to vector<256x1xf32>
    %eq3A_303 = vector.broadcast %broadcast_in_dim3A_302 : vector<256x1xf32> to vector<256x2048xf32>
    %eq3A_304 = arith.cmpf oeq, %select_n3A_299, %eq3A_303 : vector<256x2048xf32>
    %jit3A_305 = arith.constant 2.048000e+03 : f32
    %broadcast_in_dim3A_306 = vector.broadcast %jit3A_305 : f32 to vector<256x2048xf32>
    %select_n3A_307 = arith.select %eq3A_304, %convert_element_type3A_112, %broadcast_in_dim3A_306 : vector<256x2048xi1>, vector<256x2048xf32>
    %reduce_min3A_308 = arith.constant dense<0x7F800000> : vector<256xf32>
    %reduce_min3A_309 = vector.multi_reduction <minimumf>, %select_n3A_307, %reduce_min3A_308 [1] : vector<256x2048xf32> to vector<256xf32>
    %broadcast_in_dim3A_310 = vector.shape_cast %reduce_min3A_309 : vector<256xf32> to vector<256x1xf32>
    %eq3A_311 = vector.broadcast %broadcast_in_dim3A_310 : vector<256x1xf32> to vector<256x2048xf32>
    %eq3A_312 = arith.cmpf oeq, %convert_element_type3A_112, %eq3A_311 : vector<256x2048xf32>
    %jit3A_313 = arith.constant 0x7F800000 : f32
    %broadcast_in_dim3A_314 = vector.broadcast %jit3A_313 : f32 to vector<256x2048xf32>
    %select_n3A_315 = arith.select %eq3A_312, %broadcast_in_dim3A_314, %select_n3A_299 : vector<256x2048xi1>, vector<256x2048xf32>
    %reduce_min3A_316 = arith.constant dense<0x7F800000> : vector<256xf32>
    %reduce_min3A_317 = vector.multi_reduction <minimumf>, %select_n3A_315, %reduce_min3A_316 [1] : vector<256x2048xf32> to vector<256xf32>
    %broadcast_in_dim3A_318 = vector.shape_cast %reduce_min3A_317 : vector<256xf32> to vector<256x1xf32>
    %eq3A_319 = vector.broadcast %broadcast_in_dim3A_318 : vector<256x1xf32> to vector<256x2048xf32>
    %eq3A_320 = arith.cmpf oeq, %select_n3A_315, %eq3A_319 : vector<256x2048xf32>
    %jit3A_321 = arith.constant 2.048000e+03 : f32
    %broadcast_in_dim3A_322 = vector.broadcast %jit3A_321 : f32 to vector<256x2048xf32>
    %select_n3A_323 = arith.select %eq3A_320, %convert_element_type3A_112, %broadcast_in_dim3A_322 : vector<256x2048xi1>, vector<256x2048xf32>
    %reduce_min3A_324 = arith.constant dense<0x7F800000> : vector<256xf32>
    %reduce_min3A_325 = vector.multi_reduction <minimumf>, %select_n3A_323, %reduce_min3A_324 [1] : vector<256x2048xf32> to vector<256xf32>
    %broadcast_in_dim3A_326 = vector.shape_cast %reduce_min3A_325 : vector<256xf32> to vector<256x1xf32>
    %eq3A_327 = vector.broadcast %broadcast_in_dim3A_326 : vector<256x1xf32> to vector<256x2048xf32>
    %eq3A_328 = arith.cmpf oeq, %convert_element_type3A_112, %eq3A_327 : vector<256x2048xf32>
    %jit3A_329 = arith.constant 0x7F800000 : f32
    %broadcast_in_dim3A_330 = vector.broadcast %jit3A_329 : f32 to vector<256x2048xf32>
    %select_n3A_331 = arith.select %eq3A_328, %broadcast_in_dim3A_330, %select_n3A_315 : vector<256x2048xi1>, vector<256x2048xf32>
    %reduce_min3A_332 = arith.constant dense<0x7F800000> : vector<256xf32>
    %reduce_min3A_333 = vector.multi_reduction <minimumf>, %select_n3A_331, %reduce_min3A_332 [1] : vector<256x2048xf32> to vector<256xf32>
    %broadcast_in_dim3A_334 = vector.shape_cast %reduce_min3A_333 : vector<256xf32> to vector<256x1xf32>
    %eq3A_335 = vector.broadcast %broadcast_in_dim3A_334 : vector<256x1xf32> to vector<256x2048xf32>
    %eq3A_336 = arith.cmpf oeq, %select_n3A_331, %eq3A_335 : vector<256x2048xf32>
    %jit3A_337 = arith.constant 2.048000e+03 : f32
    %broadcast_in_dim3A_338 = vector.broadcast %jit3A_337 : f32 to vector<256x2048xf32>
    %select_n3A_339 = arith.select %eq3A_336, %convert_element_type3A_112, %broadcast_in_dim3A_338 : vector<256x2048xi1>, vector<256x2048xf32>
    %reduce_min3A_340 = arith.constant dense<0x7F800000> : vector<256xf32>
    %reduce_min3A_341 = vector.multi_reduction <minimumf>, %select_n3A_339, %reduce_min3A_340 [1] : vector<256x2048xf32> to vector<256xf32>
    %broadcast_in_dim3A_342 = vector.shape_cast %reduce_min3A_341 : vector<256xf32> to vector<256x1xf32>
    %eq3A_343 = vector.broadcast %broadcast_in_dim3A_342 : vector<256x1xf32> to vector<256x2048xf32>
    %eq3A_344 = arith.cmpf oeq, %convert_element_type3A_112, %eq3A_343 : vector<256x2048xf32>
    %jit3A_345 = arith.constant 0x7F800000 : f32
    %broadcast_in_dim3A_346 = vector.broadcast %jit3A_345 : f32 to vector<256x2048xf32>
    %select_n3A_347 = arith.select %eq3A_344, %broadcast_in_dim3A_346, %select_n3A_331 : vector<256x2048xi1>, vector<256x2048xf32>
    %reduce_min3A_348 = arith.constant dense<0x7F800000> : vector<256xf32>
    %reduce_min3A_349 = vector.multi_reduction <minimumf>, %select_n3A_347, %reduce_min3A_348 [1] : vector<256x2048xf32> to vector<256xf32>
    %broadcast_in_dim3A_350 = vector.shape_cast %reduce_min3A_349 : vector<256xf32> to vector<256x1xf32>
    %eq3A_351 = vector.broadcast %broadcast_in_dim3A_350 : vector<256x1xf32> to vector<256x2048xf32>
    %eq3A_352 = arith.cmpf oeq, %select_n3A_347, %eq3A_351 : vector<256x2048xf32>
    %jit3A_353 = arith.constant 2.048000e+03 : f32
    %broadcast_in_dim3A_354 = vector.broadcast %jit3A_353 : f32 to vector<256x2048xf32>
    %select_n3A_355 = arith.select %eq3A_352, %convert_element_type3A_112, %broadcast_in_dim3A_354 : vector<256x2048xi1>, vector<256x2048xf32>
    %reduce_min3A_356 = arith.constant dense<0x7F800000> : vector<256xf32>
    %reduce_min3A_357 = vector.multi_reduction <minimumf>, %select_n3A_355, %reduce_min3A_356 [1] : vector<256x2048xf32> to vector<256xf32>
    %broadcast_in_dim3A_358 = vector.shape_cast %reduce_min3A_357 : vector<256xf32> to vector<256x1xf32>
    %concatenate3A_359 = tpu.concatenate %broadcast_in_dim3A_118, %broadcast_in_dim3A_134, %broadcast_in_dim3A_150, %broadcast_in_dim3A_166, %broadcast_in_dim3A_182, %broadcast_in_dim3A_198, %broadcast_in_dim3A_214, %broadcast_in_dim3A_230, %broadcast_in_dim3A_246, %broadcast_in_dim3A_262, %broadcast_in_dim3A_278, %broadcast_in_dim3A_294, %broadcast_in_dim3A_310, %broadcast_in_dim3A_326, %broadcast_in_dim3A_342, %broadcast_in_dim3A_358 in 1 : vector<256x1xf32>, vector<256x1xf32>, vector<256x1xf32>, vector<256x1xf32>, vector<256x1xf32>, vector<256x1xf32>, vector<256x1xf32>, vector<256x1xf32>, vector<256x1xf32>, vector<256x1xf32>, vector<256x1xf32>, vector<256x1xf32>, vector<256x1xf32>, vector<256x1xf32>, vector<256x1xf32>, vector<256x1xf32> -> vector<256x16xf32>
    %convert_element_type3A_360 = arith.fptosi %concatenate3A_359 : vector<256x16xf32> to vector<256x16xi32>
    %swap3A_361 = arith.constant 0 : index
    %swap3A_362 = arith.constant 0 : index
    %swap3A_363 = vector.load %arg11[%swap3A_361, %swap3A_362] : memref<256x16xi32, #tpu.memory_space<vmem>>, vector<256x16xi32>
    tpu.vector_store %arg11[%swap3A_361, %swap3A_362], %convert_element_type3A_360 {strides = array<i32>} : memref<256x16xi32, #tpu.memory_space<vmem>>, vector<256x16xi32>,
    return
  }
  func.func @transform_0(%arg0: i32) -> (i32, i32, i32) {
    %c0_i32 = arith.constant 0 : i32
    %c0_i32_0 = arith.constant 0 : i32
    %c0_i32_1 = arith.constant 0 : i32
    return %c0_i32, %arg0, %c0_i32_0 : i32, i32, i32
  }
  func.func @transform_1(%arg0: i32) -> (i32, i32, i32) {
    %c0_i32 = arith.constant 0 : i32
    %c0_i32_0 = arith.constant 0 : i32
    %c0_i32_1 = arith.constant 0 : i32
    %c0_i32_2 = arith.constant 0 : i32
    return %c0_i32, %c0_i32_0, %c0_i32_1 : i32, i32, i32
  }
  func.func @transform_2(%arg0: i32) -> (i32, i32) {
    %c0_i32 = arith.constant 0 : i32
    %c0_i32_0 = arith.constant 0 : i32
    return %arg0, %c0_i32 : i32, i32
  }
  func.func @transform_3(%arg0: i32) -> (i32, i32) {
    %c0_i32 = arith.constant 0 : i32
    %c0_i32_0 = arith.constant 0 : i32
    %c0_i32_1 = arith.constant 0 : i32
    return %c0_i32, %c0_i32_0 : i32, i32
  }
  func.func @transform_4(%arg0: i32) -> (i32, i32) {
    %c0_i32 = arith.constant 0 : i32
    %c0_i32_0 = arith.constant 0 : i32
    %c0_i32_1 = arith.constant 0 : i32
    return %c0_i32, %c0_i32_0 : i32, i32
  }
  func.func @transform_5(%arg0: i32) -> (i32, i32) {
    %c0_i32 = arith.constant 0 : i32
    %c0_i32_0 = arith.constant 0 : i32
    %c0_i32_1 = arith.constant 0 : i32
    return %c0_i32, %c0_i32_0 : i32, i32
  }
  func.func @transform_6(%arg0: i32) -> (i32, i32) {
    %c0_i32 = arith.constant 0 : i32
    %c0_i32_0 = arith.constant 0 : i32
    %c0_i32_1 = arith.constant 0 : i32
    return %c0_i32, %c0_i32_0 : i32, i32
  }
  func.func @transform_7(%arg0: i32) -> (i32, i32) {
    %c0_i32 = arith.constant 0 : i32
    %c0_i32_0 = arith.constant 0 : i32
    %c0_i32_1 = arith.constant 0 : i32
    return %c0_i32, %c0_i32_0 : i32, i32
  }
  func.func @transform_8(%arg0: i32) -> (i32, i32) {
    %c0_i32 = arith.constant 0 : i32
    %c0_i32_0 = arith.constant 0 : i32
    return %arg0, %c0_i32 : i32, i32
  }
  func.func @transform_9(%arg0: i32) -> (i32, i32) {
    %c0_i32 = arith.constant 0 : i32
    %c0_i32_0 = arith.constant 0 : i32
    %c0_i32_1 = arith.constant 0 : i32
    return %c0_i32, %c0_i32_0 : i32, i32
  }
  func.func @transform_10(%arg0: i32) -> (i32, i32) {
    %c0_i32 = arith.constant 0 : i32
    %c0_i32_0 = arith.constant 0 : i32
    return %arg0, %c0_i32 : i32, i32
  }
  func.func @transform_11(%arg0: i32) -> (i32, i32) {
    %c0_i32 = arith.constant 0 : i32
    %c0_i32_0 = arith.constant 0 : i32
    return %arg0, %c0_i32 : i32, i32
  }
  func.func @transform_12(%arg0: i32) -> (i32, i32) {
    %c0_i32 = arith.constant 0 : i32
    %c0_i32_0 = arith.constant 0 : i32
    return %arg0, %c0_i32 : i32, i32
  }
  func.func @transform_13(%arg0: i32) -> (i32, i32) {
    %c0_i32 = arith.constant 0 : i32
    %c0_i32_0 = arith.constant 0 : i32
    return %arg0, %c0_i32 : i32, i32
  }
}

module attributes {stable_mosaic.version = 14 : i64} {
  func.func @_attn_body(%arg0: i32, %arg1: memref<256x256xf32, #tpu.memory_space<vmem>>, %arg2: memref<256x128xf32, #tpu.memory_space<vmem>>, %arg3: memref<256x256xf32, #tpu.memory_space<vmem>>, %arg4: memref<4096x384xi32, #tpu.memory_space<vmem>>, %arg5: memref<1x256xf32, #tpu.memory_space<vmem>>, %arg6: memref<256x256xf32, #tpu.memory_space<vmem>>, %arg7: memref<1x256xf32, #tpu.memory_space<vmem>>, %arg8: memref<256x256xf32, #tpu.memory_space<vmem>>, %arg9: memref<1x256xf32, #tpu.memory_space<vmem>>, %arg10: memref<256x256xf32, #tpu.memory_space<vmem>>, %arg11: memref<1x256xf32, #tpu.memory_space<vmem>>, %arg12: memref<256x128xf32, #tpu.memory_space<vmem>>, %arg13: memref<1x128xf32, #tpu.memory_space<vmem>>, %arg14: memref<256x128xf32, #tpu.memory_space<vmem>>, %arg15: memref<256x16x256xf32, #tpu.memory_space<vmem>>) attributes {dimension_semantics = [#tpu.dimension_semantics<arbitrary>], iteration_bounds = array<i64: 8>, scalar_prefetch = 0 : i64, scratch_operands = 0 : i64, tpu.core_type = #tpu.core_type<tc>, window_params = [{transform_indices = @transform_0, window_bounds = array<i64: 256, 256>}, {transform_indices = @transform_1, window_bounds = array<i64: 256, 128>}, {transform_indices = @transform_2, window_bounds = array<i64: 256, 256>}, {transform_indices = @transform_3, window_bounds = array<i64: 4096, 384>}, {pipeline_mode = #tpu.pipeline_mode<synchronous>, transform_indices = @transform_4, window_bounds = array<i64: 1, 256>}, {pipeline_mode = #tpu.pipeline_mode<synchronous>, transform_indices = @transform_5, window_bounds = array<i64: 256, 256>}, {pipeline_mode = #tpu.pipeline_mode<synchronous>, transform_indices = @transform_6, window_bounds = array<i64: 1, 256>}, {pipeline_mode = #tpu.pipeline_mode<synchronous>, transform_indices = @transform_7, window_bounds = array<i64: 256, 256>}, {pipeline_mode = #tpu.pipeline_mode<synchronous>, transform_indices = @transform_8, window_bounds = array<i64: 1, 256>}, {pipeline_mode = #tpu.pipeline_mode<synchronous>, transform_indices = @transform_9, window_bounds = array<i64: 256, 256>}, {pipeline_mode = #tpu.pipeline_mode<synchronous>, transform_indices = @transform_10, window_bounds = array<i64: 1, 256>}, {pipeline_mode = #tpu.pipeline_mode<synchronous>, transform_indices = @transform_11, window_bounds = array<i64: 256, 128>}, {pipeline_mode = #tpu.pipeline_mode<synchronous>, transform_indices = @transform_12, window_bounds = array<i64: 1, 128>}, {transform_indices = @transform_13, window_bounds = array<i64: 256, 128>}, {transform_indices = @transform_14, window_bounds = array<i64: 256, 16, 256>}]} {
    %get3A = arith.constant 0 : index
    %get3A_0 = arith.constant 0 : index
    %get3A_1 = vector.load %arg4[%get3A, %get3A_0] : memref<4096x384xi32, #tpu.memory_space<vmem>>, vector<4096x384xi32>
    %slice3A = vector.extract_strided_slice %get3A_1 {offsets = [0, 0], sizes = [4096, 128], strides = [1, 1]} : vector<4096x384xi32> to vector<4096x128xi32>
    %slice3A_2 = vector.extract_strided_slice %get3A_1 {offsets = [0, 128], sizes = [4096, 128], strides = [1, 1]} : vector<4096x384xi32> to vector<4096x128xi32>
    %slice3A_3 = vector.extract_strided_slice %get3A_1 {offsets = [0, 256], sizes = [4096, 128], strides = [1, 1]} : vector<4096x384xi32> to vector<4096x128xi32>
    %get3A_4 = arith.constant 0 : index
    %get3A_5 = arith.constant 0 : index
    %get3A_6 = vector.load %arg3[%get3A_4, %get3A_5] : memref<256x256xf32, #tpu.memory_space<vmem>>, vector<256x256xf32>
    %get3A_7 = arith.constant 0 : index
    %get3A_8 = arith.constant 0 : index
    %get3A_9 = vector.load %arg5[%get3A_7, %get3A_8] : memref<1x256xf32, #tpu.memory_space<vmem>>, vector<1x256xf32>
    %add3A = vector.broadcast %get3A_9 : vector<1x256xf32> to vector<256x256xf32>
    %add3A_10 = arith.addf %get3A_6, %add3A : vector<256x256xf32>
    %reshape3A = vector.shape_cast %add3A_10 : vector<256x256xf32> to vector<256x1x256xf32>
    %broadcast_in_dim3A = vector.shape_cast %reshape3A : vector<256x1x256xf32> to vector<256x1x256xf32>
    %broadcast_in_dim3A_11 = vector.broadcast %broadcast_in_dim3A : vector<256x1x256xf32> to vector<256x16x256xf32>
    %reshape3A_12 = vector.shape_cast %broadcast_in_dim3A_11 : vector<256x16x256xf32> to vector<4096x256xf32>
    %shift_left3A = arith.constant 16 : i32
    %shift_left3A_13 = vector.broadcast %shift_left3A : i32 to vector<4096x128xi32>
    %shift_left3A_14 = arith.shli %slice3A_3, %shift_left3A_13 : vector<4096x128xi32>
    %bitcast_convert_type3A = tpu.bitcast %shift_left3A_14 : vector<4096x128xi32> -> vector<4096x128xf32>
    %and3A = arith.constant -65536 : i32
    %and3A_15 = vector.broadcast %and3A : i32 to vector<4096x128xi32>
    %and3A_16 = arith.andi %slice3A_3, %and3A_15 : vector<4096x128xi32>
    %bitcast_convert_type3A_17 = tpu.bitcast %and3A_16 : vector<4096x128xi32> -> vector<4096x128xf32>
    %concatenate3A = tpu.concatenate %bitcast_convert_type3A, %bitcast_convert_type3A_17 in 1 : vector<4096x128xf32>, vector<4096x128xf32> -> vector<4096x256xf32>
    %sub3A = arith.subf %reshape3A_12, %concatenate3A : vector<4096x256xf32>
    %max3A = arith.constant 0.000000e+00 : f32
    %max3A_18 = vector.broadcast %max3A : f32 to vector<4096x256xf32>
    %max3A_19 = arith.maximumf %sub3A, %max3A_18 : vector<4096x256xf32>
    %convert_element_type3A = arith.truncf %max3A_19 : vector<4096x256xf32> to vector<4096x256xbf16>
    %get3A_20 = arith.constant 0 : index
    %get3A_21 = arith.constant 0 : index
    %get3A_22 = vector.load %arg6[%get3A_20, %get3A_21] : memref<256x256xf32, #tpu.memory_space<vmem>>, vector<256x256xf32>
    %convert_element_type3A_23 = arith.truncf %get3A_22 : vector<256x256xf32> to vector<256x256xbf16>
    %dot_general3A = arith.constant dense<0.000000e+00> : vector<4096x256xf32>
    %dot_general3A_24 = tpu.matmul %convert_element_type3A, %convert_element_type3A_23, %dot_general3A {dimension_numbers = #tpu.dot_dimension_numbers<[1], [0], [0], [1], [0, 0, 1, 1], [], []>, transpose_lhs_hint = false} : vector<4096x256xbf16>, vector<256x256xbf16>, vector<4096x256xf32> -> vector<4096x256xf32>
    %get3A_25 = arith.constant 0 : index
    %get3A_26 = arith.constant 0 : index
    %get3A_27 = vector.load %arg7[%get3A_25, %get3A_26] : memref<1x256xf32, #tpu.memory_space<vmem>>, vector<1x256xf32>
    %add3A_28 = vector.broadcast %get3A_27 : vector<1x256xf32> to vector<4096x256xf32>
    %add3A_29 = arith.addf %dot_general3A_24, %add3A_28 : vector<4096x256xf32>
    %get3A_30 = arith.constant 0 : index
    %get3A_31 = arith.constant 0 : index
    %get3A_32 = vector.load %arg1[%get3A_30, %get3A_31] : memref<256x256xf32, #tpu.memory_space<vmem>>, vector<256x256xf32>
    %reshape3A_33 = vector.shape_cast %get3A_32 : vector<256x256xf32> to vector<256x1x256xf32>
    %broadcast_in_dim3A_34 = vector.shape_cast %reshape3A_33 : vector<256x1x256xf32> to vector<256x1x256xf32>
    %broadcast_in_dim3A_35 = vector.broadcast %broadcast_in_dim3A_34 : vector<256x1x256xf32> to vector<256x16x256xf32>
    %reshape3A_36 = vector.shape_cast %broadcast_in_dim3A_35 : vector<256x16x256xf32> to vector<4096x256xf32>
    %shift_left3A_37 = arith.constant 16 : i32
    %shift_left3A_38 = vector.broadcast %shift_left3A_37 : i32 to vector<4096x128xi32>
    %shift_left3A_39 = arith.shli %slice3A, %shift_left3A_38 : vector<4096x128xi32>
    %bitcast_convert_type3A_40 = tpu.bitcast %shift_left3A_39 : vector<4096x128xi32> -> vector<4096x128xf32>
    %and3A_41 = arith.constant -65536 : i32
    %and3A_42 = vector.broadcast %and3A_41 : i32 to vector<4096x128xi32>
    %and3A_43 = arith.andi %slice3A, %and3A_42 : vector<4096x128xi32>
    %bitcast_convert_type3A_44 = tpu.bitcast %and3A_43 : vector<4096x128xi32> -> vector<4096x128xf32>
    %concatenate3A_45 = tpu.concatenate %bitcast_convert_type3A_40, %bitcast_convert_type3A_44 in 1 : vector<4096x128xf32>, vector<4096x128xf32> -> vector<4096x256xf32>
    %sub3A_46 = arith.subf %reshape3A_36, %concatenate3A_45 : vector<4096x256xf32>
    %add3A_47 = arith.addf %sub3A_46, %add3A_29 : vector<4096x256xf32>
    %convert_element_type3A_48 = arith.truncf %add3A_47 : vector<4096x256xf32> to vector<4096x256xbf16>
    %get3A_49 = arith.constant 0 : index
    %get3A_50 = arith.constant 0 : index
    %get3A_51 = vector.load %arg8[%get3A_49, %get3A_50] : memref<256x256xf32, #tpu.memory_space<vmem>>, vector<256x256xf32>
    %convert_element_type3A_52 = arith.truncf %get3A_51 : vector<256x256xf32> to vector<256x256xbf16>
    %dot_general3A_53 = arith.constant dense<0.000000e+00> : vector<4096x256xf32>
    %dot_general3A_54 = tpu.matmul %convert_element_type3A_48, %convert_element_type3A_52, %dot_general3A_53 {dimension_numbers = #tpu.dot_dimension_numbers<[1], [0], [0], [1], [0, 0, 1, 1], [], []>, transpose_lhs_hint = false} : vector<4096x256xbf16>, vector<256x256xbf16>, vector<4096x256xf32> -> vector<4096x256xf32>
    %get3A_55 = arith.constant 0 : index
    %get3A_56 = arith.constant 0 : index
    %get3A_57 = vector.load %arg9[%get3A_55, %get3A_56] : memref<1x256xf32, #tpu.memory_space<vmem>>, vector<1x256xf32>
    %add3A_58 = vector.broadcast %get3A_57 : vector<1x256xf32> to vector<4096x256xf32>
    %add3A_59 = arith.addf %dot_general3A_54, %add3A_58 : vector<4096x256xf32>
    %max3A_60 = arith.constant 0.000000e+00 : f32
    %max3A_61 = vector.broadcast %max3A_60 : f32 to vector<4096x256xf32>
    %max3A_62 = arith.maximumf %add3A_59, %max3A_61 : vector<4096x256xf32>
    %convert_element_type3A_63 = arith.truncf %max3A_62 : vector<4096x256xf32> to vector<4096x256xbf16>
    %get3A_64 = arith.constant 0 : index
    %get3A_65 = arith.constant 0 : index
    %get3A_66 = vector.load %arg10[%get3A_64, %get3A_65] : memref<256x256xf32, #tpu.memory_space<vmem>>, vector<256x256xf32>
    %convert_element_type3A_67 = arith.truncf %get3A_66 : vector<256x256xf32> to vector<256x256xbf16>
    %dot_general3A_68 = arith.constant dense<0.000000e+00> : vector<4096x256xf32>
    %dot_general3A_69 = tpu.matmul %convert_element_type3A_63, %convert_element_type3A_67, %dot_general3A_68 {dimension_numbers = #tpu.dot_dimension_numbers<[1], [0], [0], [1], [0, 0, 1, 1], [], []>, transpose_lhs_hint = false} : vector<4096x256xbf16>, vector<256x256xbf16>, vector<4096x256xf32> -> vector<4096x256xf32>
    %get3A_70 = arith.constant 0 : index
    %get3A_71 = arith.constant 0 : index
    %get3A_72 = vector.load %arg11[%get3A_70, %get3A_71] : memref<1x256xf32, #tpu.memory_space<vmem>>, vector<1x256xf32>
    %add3A_73 = vector.broadcast %get3A_72 : vector<1x256xf32> to vector<4096x256xf32>
    %add3A_74 = arith.addf %dot_general3A_69, %add3A_73 : vector<4096x256xf32>
    %mul3A = arith.constant 6.250000e-02 : f32
    %mul3A_75 = vector.broadcast %mul3A : f32 to vector<4096x256xf32>
    %mul3A_76 = arith.mulf %add3A_74, %mul3A_75 : vector<4096x256xf32>
    %reshape3A_77 = vector.shape_cast %mul3A_76 : vector<4096x256xf32> to vector<256x16x256xf32>
    %reduce_max3A = arith.constant dense<0xFF800000> : vector<256x256xf32>
    %reduce_max3A_78 = vector.multi_reduction <maximumf>, %reshape3A_77, %reduce_max3A [1] : vector<256x16x256xf32> to vector<256x256xf32>
    %broadcast_in_dim3A_79 = vector.shape_cast %reduce_max3A_78 : vector<256x256xf32> to vector<256x1x256xf32>
    %sub3A_80 = vector.broadcast %broadcast_in_dim3A_79 : vector<256x1x256xf32> to vector<256x16x256xf32>
    %sub3A_81 = arith.subf %reshape3A_77, %sub3A_80 : vector<256x16x256xf32>
    %exp3A = math.exp %sub3A_81 : vector<256x16x256xf32>
    %reduce_sum3A = arith.constant dense<0.000000e+00> : vector<256x256xf32>
    %reduce_sum3A_82 = vector.multi_reduction <add>, %exp3A, %reduce_sum3A [1] : vector<256x16x256xf32> to vector<256x256xf32>
    %broadcast_in_dim3A_83 = vector.shape_cast %reduce_sum3A_82 : vector<256x256xf32> to vector<256x1x256xf32>
    %div3A = vector.broadcast %broadcast_in_dim3A_83 : vector<256x1x256xf32> to vector<256x16x256xf32>
    %div3A_84 = arith.divf %exp3A, %div3A : vector<256x16x256xf32>
    %swap3A = arith.constant 0 : index
    %swap3A_85 = arith.constant 0 : index
    %swap3A_86 = arith.constant 0 : index
    %swap3A_87 = vector.load %arg15[%swap3A, %swap3A_85, %swap3A_86] : memref<256x16x256xf32, #tpu.memory_space<vmem>>, vector<256x16x256xf32>
    tpu.vector_store %arg15[%swap3A, %swap3A_85, %swap3A_86], %div3A_84 {strides = array<i32>} : memref<256x16x256xf32, #tpu.memory_space<vmem>>, vector<256x16x256xf32>,
    %shift_left3A_88 = arith.constant 16 : i32
    %shift_left3A_89 = vector.broadcast %shift_left3A_88 : i32 to vector<4096x128xi32>
    %shift_left3A_90 = arith.shli %slice3A_2, %shift_left3A_89 : vector<4096x128xi32>
    %bitcast_convert_type3A_91 = tpu.bitcast %shift_left3A_90 : vector<4096x128xi32> -> vector<4096x128xf32>
    %and3A_92 = arith.constant -65536 : i32
    %and3A_93 = vector.broadcast %and3A_92 : i32 to vector<4096x128xi32>
    %and3A_94 = arith.andi %slice3A_2, %and3A_93 : vector<4096x128xi32>
    %bitcast_convert_type3A_95 = tpu.bitcast %and3A_94 : vector<4096x128xi32> -> vector<4096x128xf32>
    %concatenate3A_96 = tpu.concatenate %bitcast_convert_type3A_91, %bitcast_convert_type3A_95 in 1 : vector<4096x128xf32>, vector<4096x128xf32> -> vector<4096x256xf32>
    %add3A_97 = arith.addf %concatenate3A_96, %add3A_29 : vector<4096x256xf32>
    %reshape3A_98 = vector.shape_cast %add3A_97 : vector<4096x256xf32> to vector<256x16x256xf32>
    %mul3A_99 = arith.mulf %div3A_84, %reshape3A_98 : vector<256x16x256xf32>
    %reduce_sum3A_100 = arith.constant dense<0.000000e+00> : vector<256x256xf32>
    %reduce_sum3A_101 = vector.multi_reduction <add>, %mul3A_99, %reduce_sum3A_100 [1] : vector<256x16x256xf32> to vector<256x256xf32>
    %get3A_102 = arith.constant 0 : index
    %get3A_103 = arith.constant 0 : index
    %get3A_104 = vector.load %arg12[%get3A_102, %get3A_103] : memref<256x128xf32, #tpu.memory_space<vmem>>, vector<256x128xf32>
    %dot_general3A_105 = arith.constant dense<0.000000e+00> : vector<256x128xf32>
    %dot_general3A_106 = tpu.matmul %reduce_sum3A_101, %get3A_104, %dot_general3A_105 {dimension_numbers = #tpu.dot_dimension_numbers<[1], [0], [0], [1], [0, 0, 1, 1], [], []>, transpose_lhs_hint = false} : vector<256x256xf32>, vector<256x128xf32>, vector<256x128xf32> -> vector<256x128xf32>
    %get3A_107 = arith.constant 0 : index
    %get3A_108 = arith.constant 0 : index
    %get3A_109 = vector.load %arg13[%get3A_107, %get3A_108] : memref<1x128xf32, #tpu.memory_space<vmem>>, vector<1x128xf32>
    %add3A_110 = vector.broadcast %get3A_109 : vector<1x128xf32> to vector<256x128xf32>
    %add3A_111 = arith.addf %dot_general3A_106, %add3A_110 : vector<256x128xf32>
    %get3A_112 = arith.constant 0 : index
    %get3A_113 = arith.constant 0 : index
    %get3A_114 = vector.load %arg2[%get3A_112, %get3A_113] : memref<256x128xf32, #tpu.memory_space<vmem>>, vector<256x128xf32>
    %add3A_115 = arith.addf %add3A_111, %get3A_114 : vector<256x128xf32>
    %swap3A_116 = arith.constant 0 : index
    %swap3A_117 = arith.constant 0 : index
    %swap3A_118 = vector.load %arg14[%swap3A_116, %swap3A_117] : memref<256x128xf32, #tpu.memory_space<vmem>>, vector<256x128xf32>
    tpu.vector_store %arg14[%swap3A_116, %swap3A_117], %add3A_115 {strides = array<i32>} : memref<256x128xf32, #tpu.memory_space<vmem>>, vector<256x128xf32>,
    return
  }
  func.func @transform_0(%arg0: i32) -> (i32, i32) {
    %c0_i32 = arith.constant 0 : i32
    %c0_i32_0 = arith.constant 0 : i32
    return %arg0, %c0_i32 : i32, i32
  }
  func.func @transform_1(%arg0: i32) -> (i32, i32) {
    %c0_i32 = arith.constant 0 : i32
    %c0_i32_0 = arith.constant 0 : i32
    return %arg0, %c0_i32 : i32, i32
  }
  func.func @transform_2(%arg0: i32) -> (i32, i32) {
    %c0_i32 = arith.constant 0 : i32
    %c0_i32_0 = arith.constant 0 : i32
    return %arg0, %c0_i32 : i32, i32
  }
  func.func @transform_3(%arg0: i32) -> (i32, i32) {
    %c0_i32 = arith.constant 0 : i32
    %c0_i32_0 = arith.constant 0 : i32
    return %arg0, %c0_i32 : i32, i32
  }
  func.func @transform_4(%arg0: i32) -> (i32, i32) {
    %c0_i32 = arith.constant 0 : i32
    %c0_i32_0 = arith.constant 0 : i32
    %c0_i32_1 = arith.constant 0 : i32
    return %c0_i32, %c0_i32_0 : i32, i32
  }
  func.func @transform_5(%arg0: i32) -> (i32, i32) {
    %c0_i32 = arith.constant 0 : i32
    %c0_i32_0 = arith.constant 0 : i32
    %c0_i32_1 = arith.constant 0 : i32
    return %c0_i32, %c0_i32_0 : i32, i32
  }
  func.func @transform_6(%arg0: i32) -> (i32, i32) {
    %c0_i32 = arith.constant 0 : i32
    %c0_i32_0 = arith.constant 0 : i32
    %c0_i32_1 = arith.constant 0 : i32
    return %c0_i32, %c0_i32_0 : i32, i32
  }
  func.func @transform_7(%arg0: i32) -> (i32, i32) {
    %c0_i32 = arith.constant 0 : i32
    %c0_i32_0 = arith.constant 0 : i32
    %c0_i32_1 = arith.constant 0 : i32
    return %c0_i32, %c0_i32_0 : i32, i32
  }
  func.func @transform_8(%arg0: i32) -> (i32, i32) {
    %c0_i32 = arith.constant 0 : i32
    %c0_i32_0 = arith.constant 0 : i32
    %c0_i32_1 = arith.constant 0 : i32
    return %c0_i32, %c0_i32_0 : i32, i32
  }
  func.func @transform_9(%arg0: i32) -> (i32, i32) {
    %c0_i32 = arith.constant 0 : i32
    %c0_i32_0 = arith.constant 0 : i32
    %c0_i32_1 = arith.constant 0 : i32
    return %c0_i32, %c0_i32_0 : i32, i32
  }
  func.func @transform_10(%arg0: i32) -> (i32, i32) {
    %c0_i32 = arith.constant 0 : i32
    %c0_i32_0 = arith.constant 0 : i32
    %c0_i32_1 = arith.constant 0 : i32
    return %c0_i32, %c0_i32_0 : i32, i32
  }
  func.func @transform_11(%arg0: i32) -> (i32, i32) {
    %c0_i32 = arith.constant 0 : i32
    %c0_i32_0 = arith.constant 0 : i32
    %c0_i32_1 = arith.constant 0 : i32
    return %c0_i32, %c0_i32_0 : i32, i32
  }
  func.func @transform_12(%arg0: i32) -> (i32, i32) {
    %c0_i32 = arith.constant 0 : i32
    %c0_i32_0 = arith.constant 0 : i32
    %c0_i32_1 = arith.constant 0 : i32
    return %c0_i32, %c0_i32_0 : i32, i32
  }
  func.func @transform_13(%arg0: i32) -> (i32, i32) {
    %add3A = arith.constant 0 : i32
    %add3A_0 = arith.addi %arg0, %add3A : i32
    %c0_i32 = arith.constant 0 : i32
    %c0_i32_1 = arith.constant 0 : i32
    return %add3A_0, %c0_i32 : i32, i32
  }
  func.func @transform_14(%arg0: i32) -> (i32, i32, i32) {
    %add3A = arith.constant 0 : i32
    %add3A_0 = arith.addi %arg0, %add3A : i32
    %c0_i32 = arith.constant 0 : i32
    %c0_i32_1 = arith.constant 0 : i32
    %c0_i32_2 = arith.constant 0 : i32
    return %add3A_0, %c0_i32, %c0_i32_1 : i32, i32, i32
  }
}

module attributes {stable_mosaic.version = 14 : i64} {
  func.func @body(%arg0: i32, %arg1: memref<256x256xf32, #tpu.memory_space<vmem>>, %arg2: memref<256x128xf32, #tpu.memory_space<vmem>>, %arg3: memref<256x256xf32, #tpu.memory_space<vmem>>, %arg4: memref<4096x384xi32, #tpu.memory_space<vmem>>, %arg5: memref<1x256xf32, #tpu.memory_space<vmem>>, %arg6: memref<256x256xf32, #tpu.memory_space<vmem>>, %arg7: memref<1x256xf32, #tpu.memory_space<vmem>>, %arg8: memref<256x256xf32, #tpu.memory_space<vmem>>, %arg9: memref<1x256xf32, #tpu.memory_space<vmem>>, %arg10: memref<256x256xf32, #tpu.memory_space<vmem>>, %arg11: memref<1x256xf32, #tpu.memory_space<vmem>>, %arg12: memref<256x128xf32, #tpu.memory_space<vmem>>, %arg13: memref<1x128xf32, #tpu.memory_space<vmem>>, %arg14: memref<4096x128xf32, #tpu.memory_space<any>>, %arg15: memref<4096x16x256xf32, #tpu.memory_space<any>>, %arg16: memref<256x128xf32, #tpu.memory_space<vmem>>, %arg17: memref<256x16x256xf32, #tpu.memory_space<vmem>>) attributes {dimension_semantics = [#tpu.dimension_semantics<arbitrary>], iteration_bounds = array<i64: 8>, scalar_prefetch = 0 : i64, scratch_operands = 0 : i64, tpu.core_type = #tpu.core_type<tc>, window_params = [{transform_indices = @transform_0, window_bounds = array<i64: 256, 256>}, {transform_indices = @transform_1, window_bounds = array<i64: 256, 128>}, {transform_indices = @transform_2, window_bounds = array<i64: 256, 256>}, {transform_indices = @transform_3, window_bounds = array<i64: 4096, 384>}, {pipeline_mode = #tpu.pipeline_mode<synchronous>, transform_indices = @transform_4, window_bounds = array<i64: 1, 256>}, {pipeline_mode = #tpu.pipeline_mode<synchronous>, transform_indices = @transform_5, window_bounds = array<i64: 256, 256>}, {pipeline_mode = #tpu.pipeline_mode<synchronous>, transform_indices = @transform_6, window_bounds = array<i64: 1, 256>}, {pipeline_mode = #tpu.pipeline_mode<synchronous>, transform_indices = @transform_7, window_bounds = array<i64: 256, 256>}, {pipeline_mode = #tpu.pipeline_mode<synchronous>, transform_indices = @transform_8, window_bounds = array<i64: 1, 256>}, {pipeline_mode = #tpu.pipeline_mode<synchronous>, transform_indices = @transform_9, window_bounds = array<i64: 256, 256>}, {pipeline_mode = #tpu.pipeline_mode<synchronous>, transform_indices = @transform_10, window_bounds = array<i64: 1, 256>}, {pipeline_mode = #tpu.pipeline_mode<synchronous>, transform_indices = @transform_11, window_bounds = array<i64: 256, 128>}, {pipeline_mode = #tpu.pipeline_mode<synchronous>, transform_indices = @transform_12, window_bounds = array<i64: 1, 128>}, {}, {}, {transform_indices = @transform_15, window_bounds = array<i64: 256, 128>}, {transform_indices = @transform_16, window_bounds = array<i64: 256, 16, 256>}]} {
    %get3A = arith.constant 0 : index
    %get3A_0 = arith.constant 0 : index
    %get3A_1 = vector.load %arg4[%get3A, %get3A_0] : memref<4096x384xi32, #tpu.memory_space<vmem>>, vector<4096x384xi32>
    %slice3A = vector.extract_strided_slice %get3A_1 {offsets = [0, 0], sizes = [4096, 128], strides = [1, 1]} : vector<4096x384xi32> to vector<4096x128xi32>
    %slice3A_2 = vector.extract_strided_slice %get3A_1 {offsets = [0, 128], sizes = [4096, 128], strides = [1, 1]} : vector<4096x384xi32> to vector<4096x128xi32>
    %slice3A_3 = vector.extract_strided_slice %get3A_1 {offsets = [0, 256], sizes = [4096, 128], strides = [1, 1]} : vector<4096x384xi32> to vector<4096x128xi32>
    %get3A_4 = arith.constant 0 : index
    %get3A_5 = arith.constant 0 : index
    %get3A_6 = vector.load %arg3[%get3A_4, %get3A_5] : memref<256x256xf32, #tpu.memory_space<vmem>>, vector<256x256xf32>
    %get3A_7 = arith.constant 0 : index
    %get3A_8 = arith.constant 0 : index
    %get3A_9 = vector.load %arg5[%get3A_7, %get3A_8] : memref<1x256xf32, #tpu.memory_space<vmem>>, vector<1x256xf32>
    %add3A = vector.broadcast %get3A_9 : vector<1x256xf32> to vector<256x256xf32>
    %add3A_10 = arith.addf %get3A_6, %add3A : vector<256x256xf32>
    %reshape3A = vector.shape_cast %add3A_10 : vector<256x256xf32> to vector<256x1x256xf32>
    %broadcast_in_dim3A = vector.shape_cast %reshape3A : vector<256x1x256xf32> to vector<256x1x256xf32>
    %broadcast_in_dim3A_11 = vector.broadcast %broadcast_in_dim3A : vector<256x1x256xf32> to vector<256x16x256xf32>
    %reshape3A_12 = vector.shape_cast %broadcast_in_dim3A_11 : vector<256x16x256xf32> to vector<4096x256xf32>
    %shift_left3A = arith.constant 16 : i32
    %shift_left3A_13 = vector.broadcast %shift_left3A : i32 to vector<4096x128xi32>
    %shift_left3A_14 = arith.shli %slice3A_3, %shift_left3A_13 : vector<4096x128xi32>
    %bitcast_convert_type3A = tpu.bitcast %shift_left3A_14 : vector<4096x128xi32> -> vector<4096x128xf32>
    %and3A = arith.constant -65536 : i32
    %and3A_15 = vector.broadcast %and3A : i32 to vector<4096x128xi32>
    %and3A_16 = arith.andi %slice3A_3, %and3A_15 : vector<4096x128xi32>
    %bitcast_convert_type3A_17 = tpu.bitcast %and3A_16 : vector<4096x128xi32> -> vector<4096x128xf32>
    %concatenate3A = tpu.concatenate %bitcast_convert_type3A, %bitcast_convert_type3A_17 in 1 : vector<4096x128xf32>, vector<4096x128xf32> -> vector<4096x256xf32>
    %sub3A = arith.subf %reshape3A_12, %concatenate3A : vector<4096x256xf32>
    %max3A = arith.constant 0.000000e+00 : f32
    %max3A_18 = vector.broadcast %max3A : f32 to vector<4096x256xf32>
    %max3A_19 = arith.maximumf %sub3A, %max3A_18 : vector<4096x256xf32>
    %convert_element_type3A = arith.truncf %max3A_19 : vector<4096x256xf32> to vector<4096x256xbf16>
    %get3A_20 = arith.constant 0 : index
    %get3A_21 = arith.constant 0 : index
    %get3A_22 = vector.load %arg6[%get3A_20, %get3A_21] : memref<256x256xf32, #tpu.memory_space<vmem>>, vector<256x256xf32>
    %convert_element_type3A_23 = arith.truncf %get3A_22 : vector<256x256xf32> to vector<256x256xbf16>
    %dot_general3A = arith.constant dense<0.000000e+00> : vector<4096x256xf32>
    %dot_general3A_24 = tpu.matmul %convert_element_type3A, %convert_element_type3A_23, %dot_general3A {dimension_numbers = #tpu.dot_dimension_numbers<[1], [0], [0], [1], [0, 0, 1, 1], [], []>, transpose_lhs_hint = false} : vector<4096x256xbf16>, vector<256x256xbf16>, vector<4096x256xf32> -> vector<4096x256xf32>
    %get3A_25 = arith.constant 0 : index
    %get3A_26 = arith.constant 0 : index
    %get3A_27 = vector.load %arg7[%get3A_25, %get3A_26] : memref<1x256xf32, #tpu.memory_space<vmem>>, vector<1x256xf32>
    %add3A_28 = vector.broadcast %get3A_27 : vector<1x256xf32> to vector<4096x256xf32>
    %add3A_29 = arith.addf %dot_general3A_24, %add3A_28 : vector<4096x256xf32>
    %get3A_30 = arith.constant 0 : index
    %get3A_31 = arith.constant 0 : index
    %get3A_32 = vector.load %arg1[%get3A_30, %get3A_31] : memref<256x256xf32, #tpu.memory_space<vmem>>, vector<256x256xf32>
    %reshape3A_33 = vector.shape_cast %get3A_32 : vector<256x256xf32> to vector<256x1x256xf32>
    %broadcast_in_dim3A_34 = vector.shape_cast %reshape3A_33 : vector<256x1x256xf32> to vector<256x1x256xf32>
    %broadcast_in_dim3A_35 = vector.broadcast %broadcast_in_dim3A_34 : vector<256x1x256xf32> to vector<256x16x256xf32>
    %reshape3A_36 = vector.shape_cast %broadcast_in_dim3A_35 : vector<256x16x256xf32> to vector<4096x256xf32>
    %shift_left3A_37 = arith.constant 16 : i32
    %shift_left3A_38 = vector.broadcast %shift_left3A_37 : i32 to vector<4096x128xi32>
    %shift_left3A_39 = arith.shli %slice3A, %shift_left3A_38 : vector<4096x128xi32>
    %bitcast_convert_type3A_40 = tpu.bitcast %shift_left3A_39 : vector<4096x128xi32> -> vector<4096x128xf32>
    %and3A_41 = arith.constant -65536 : i32
    %and3A_42 = vector.broadcast %and3A_41 : i32 to vector<4096x128xi32>
    %and3A_43 = arith.andi %slice3A, %and3A_42 : vector<4096x128xi32>
    %bitcast_convert_type3A_44 = tpu.bitcast %and3A_43 : vector<4096x128xi32> -> vector<4096x128xf32>
    %concatenate3A_45 = tpu.concatenate %bitcast_convert_type3A_40, %bitcast_convert_type3A_44 in 1 : vector<4096x128xf32>, vector<4096x128xf32> -> vector<4096x256xf32>
    %sub3A_46 = arith.subf %reshape3A_36, %concatenate3A_45 : vector<4096x256xf32>
    %add3A_47 = arith.addf %sub3A_46, %add3A_29 : vector<4096x256xf32>
    %convert_element_type3A_48 = arith.truncf %add3A_47 : vector<4096x256xf32> to vector<4096x256xbf16>
    %get3A_49 = arith.constant 0 : index
    %get3A_50 = arith.constant 0 : index
    %get3A_51 = vector.load %arg8[%get3A_49, %get3A_50] : memref<256x256xf32, #tpu.memory_space<vmem>>, vector<256x256xf32>
    %convert_element_type3A_52 = arith.truncf %get3A_51 : vector<256x256xf32> to vector<256x256xbf16>
    %dot_general3A_53 = arith.constant dense<0.000000e+00> : vector<4096x256xf32>
    %dot_general3A_54 = tpu.matmul %convert_element_type3A_48, %convert_element_type3A_52, %dot_general3A_53 {dimension_numbers = #tpu.dot_dimension_numbers<[1], [0], [0], [1], [0, 0, 1, 1], [], []>, transpose_lhs_hint = false} : vector<4096x256xbf16>, vector<256x256xbf16>, vector<4096x256xf32> -> vector<4096x256xf32>
    %get3A_55 = arith.constant 0 : index
    %get3A_56 = arith.constant 0 : index
    %get3A_57 = vector.load %arg9[%get3A_55, %get3A_56] : memref<1x256xf32, #tpu.memory_space<vmem>>, vector<1x256xf32>
    %add3A_58 = vector.broadcast %get3A_57 : vector<1x256xf32> to vector<4096x256xf32>
    %add3A_59 = arith.addf %dot_general3A_54, %add3A_58 : vector<4096x256xf32>
    %max3A_60 = arith.constant 0.000000e+00 : f32
    %max3A_61 = vector.broadcast %max3A_60 : f32 to vector<4096x256xf32>
    %max3A_62 = arith.maximumf %add3A_59, %max3A_61 : vector<4096x256xf32>
    %convert_element_type3A_63 = arith.truncf %max3A_62 : vector<4096x256xf32> to vector<4096x256xbf16>
    %get3A_64 = arith.constant 0 : index
    %get3A_65 = arith.constant 0 : index
    %get3A_66 = vector.load %arg10[%get3A_64, %get3A_65] : memref<256x256xf32, #tpu.memory_space<vmem>>, vector<256x256xf32>
    %convert_element_type3A_67 = arith.truncf %get3A_66 : vector<256x256xf32> to vector<256x256xbf16>
    %dot_general3A_68 = arith.constant dense<0.000000e+00> : vector<4096x256xf32>
    %dot_general3A_69 = tpu.matmul %convert_element_type3A_63, %convert_element_type3A_67, %dot_general3A_68 {dimension_numbers = #tpu.dot_dimension_numbers<[1], [0], [0], [1], [0, 0, 1, 1], [], []>, transpose_lhs_hint = false} : vector<4096x256xbf16>, vector<256x256xbf16>, vector<4096x256xf32> -> vector<4096x256xf32>
    %get3A_70 = arith.constant 0 : index
    %get3A_71 = arith.constant 0 : index
    %get3A_72 = vector.load %arg11[%get3A_70, %get3A_71] : memref<1x256xf32, #tpu.memory_space<vmem>>, vector<1x256xf32>
    %add3A_73 = vector.broadcast %get3A_72 : vector<1x256xf32> to vector<4096x256xf32>
    %add3A_74 = arith.addf %dot_general3A_69, %add3A_73 : vector<4096x256xf32>
    %mul3A = arith.constant 6.250000e-02 : f32
    %mul3A_75 = vector.broadcast %mul3A : f32 to vector<4096x256xf32>
    %mul3A_76 = arith.mulf %add3A_74, %mul3A_75 : vector<4096x256xf32>
    %reshape3A_77 = vector.shape_cast %mul3A_76 : vector<4096x256xf32> to vector<256x16x256xf32>
    %reduce_max3A = arith.constant dense<0xFF800000> : vector<256x256xf32>
    %reduce_max3A_78 = vector.multi_reduction <maximumf>, %reshape3A_77, %reduce_max3A [1] : vector<256x16x256xf32> to vector<256x256xf32>
    %broadcast_in_dim3A_79 = vector.shape_cast %reduce_max3A_78 : vector<256x256xf32> to vector<256x1x256xf32>
    %sub3A_80 = vector.broadcast %broadcast_in_dim3A_79 : vector<256x1x256xf32> to vector<256x16x256xf32>
    %sub3A_81 = arith.subf %reshape3A_77, %sub3A_80 : vector<256x16x256xf32>
    %exp3A = math.exp %sub3A_81 : vector<256x16x256xf32>
    %reduce_sum3A = arith.constant dense<0.000000e+00> : vector<256x256xf32>
    %reduce_sum3A_82 = vector.multi_reduction <add>, %exp3A, %reduce_sum3A [1] : vector<256x16x256xf32> to vector<256x256xf32>
    %broadcast_in_dim3A_83 = vector.shape_cast %reduce_sum3A_82 : vector<256x256xf32> to vector<256x1x256xf32>
    %div3A = vector.broadcast %broadcast_in_dim3A_83 : vector<256x1x256xf32> to vector<256x16x256xf32>
    %div3A_84 = arith.divf %exp3A, %div3A : vector<256x16x256xf32>
    %swap3A = arith.constant 0 : index
    %swap3A_85 = arith.constant 0 : index
    %swap3A_86 = arith.constant 0 : index
    %swap3A_87 = vector.load %arg17[%swap3A, %swap3A_85, %swap3A_86] : memref<256x16x256xf32, #tpu.memory_space<vmem>>, vector<256x16x256xf32>
    tpu.vector_store %arg17[%swap3A, %swap3A_85, %swap3A_86], %div3A_84 {strides = array<i32>} : memref<256x16x256xf32, #tpu.memory_space<vmem>>, vector<256x16x256xf32>,
    %shift_left3A_88 = arith.constant 16 : i32
    %shift_left3A_89 = vector.broadcast %shift_left3A_88 : i32 to vector<4096x128xi32>
    %shift_left3A_90 = arith.shli %slice3A_2, %shift_left3A_89 : vector<4096x128xi32>
    %bitcast_convert_type3A_91 = tpu.bitcast %shift_left3A_90 : vector<4096x128xi32> -> vector<4096x128xf32>
    %and3A_92 = arith.constant -65536 : i32
    %and3A_93 = vector.broadcast %and3A_92 : i32 to vector<4096x128xi32>
    %and3A_94 = arith.andi %slice3A_2, %and3A_93 : vector<4096x128xi32>
    %bitcast_convert_type3A_95 = tpu.bitcast %and3A_94 : vector<4096x128xi32> -> vector<4096x128xf32>
    %concatenate3A_96 = tpu.concatenate %bitcast_convert_type3A_91, %bitcast_convert_type3A_95 in 1 : vector<4096x128xf32>, vector<4096x128xf32> -> vector<4096x256xf32>
    %add3A_97 = arith.addf %concatenate3A_96, %add3A_29 : vector<4096x256xf32>
    %reshape3A_98 = vector.shape_cast %add3A_97 : vector<4096x256xf32> to vector<256x16x256xf32>
    %mul3A_99 = arith.mulf %div3A_84, %reshape3A_98 : vector<256x16x256xf32>
    %reduce_sum3A_100 = arith.constant dense<0.000000e+00> : vector<256x256xf32>
    %reduce_sum3A_101 = vector.multi_reduction <add>, %mul3A_99, %reduce_sum3A_100 [1] : vector<256x16x256xf32> to vector<256x256xf32>
    %get3A_102 = arith.constant 0 : index
    %get3A_103 = arith.constant 0 : index
    %get3A_104 = vector.load %arg12[%get3A_102, %get3A_103] : memref<256x128xf32, #tpu.memory_space<vmem>>, vector<256x128xf32>
    %dot_general3A_105 = arith.constant dense<0.000000e+00> : vector<256x128xf32>
    %dot_general3A_106 = tpu.matmul %reduce_sum3A_101, %get3A_104, %dot_general3A_105 {dimension_numbers = #tpu.dot_dimension_numbers<[1], [0], [0], [1], [0, 0, 1, 1], [], []>, transpose_lhs_hint = false} : vector<256x256xf32>, vector<256x128xf32>, vector<256x128xf32> -> vector<256x128xf32>
    %get3A_107 = arith.constant 0 : index
    %get3A_108 = arith.constant 0 : index
    %get3A_109 = vector.load %arg13[%get3A_107, %get3A_108] : memref<1x128xf32, #tpu.memory_space<vmem>>, vector<1x128xf32>
    %add3A_110 = vector.broadcast %get3A_109 : vector<1x128xf32> to vector<256x128xf32>
    %add3A_111 = arith.addf %dot_general3A_106, %add3A_110 : vector<256x128xf32>
    %get3A_112 = arith.constant 0 : index
    %get3A_113 = arith.constant 0 : index
    %get3A_114 = vector.load %arg2[%get3A_112, %get3A_113] : memref<256x128xf32, #tpu.memory_space<vmem>>, vector<256x128xf32>
    %add3A_115 = arith.addf %add3A_111, %get3A_114 : vector<256x128xf32>
    %swap3A_116 = arith.constant 0 : index
    %swap3A_117 = arith.constant 0 : index
    %swap3A_118 = vector.load %arg16[%swap3A_116, %swap3A_117] : memref<256x128xf32, #tpu.memory_space<vmem>>, vector<256x128xf32>
    tpu.vector_store %arg16[%swap3A_116, %swap3A_117], %add3A_115 {strides = array<i32>} : memref<256x128xf32, #tpu.memory_space<vmem>>, vector<256x128xf32>,
    return
  }
  func.func @transform_0(%arg0: i32) -> (i32, i32) {
    %c0_i32 = arith.constant 0 : i32
    %c0_i32_0 = arith.constant 0 : i32
    return %arg0, %c0_i32 : i32, i32
  }
  func.func @transform_1(%arg0: i32) -> (i32, i32) {
    %c0_i32 = arith.constant 0 : i32
    %c0_i32_0 = arith.constant 0 : i32
    return %arg0, %c0_i32 : i32, i32
  }
  func.func @transform_2(%arg0: i32) -> (i32, i32) {
    %c0_i32 = arith.constant 0 : i32
    %c0_i32_0 = arith.constant 0 : i32
    return %arg0, %c0_i32 : i32, i32
  }
  func.func @transform_3(%arg0: i32) -> (i32, i32) {
    %c0_i32 = arith.constant 0 : i32
    %c0_i32_0 = arith.constant 0 : i32
    return %arg0, %c0_i32 : i32, i32
  }
  func.func @transform_4(%arg0: i32) -> (i32, i32) {
    %c0_i32 = arith.constant 0 : i32
    %c0_i32_0 = arith.constant 0 : i32
    %c0_i32_1 = arith.constant 0 : i32
    return %c0_i32, %c0_i32_0 : i32, i32
  }
  func.func @transform_5(%arg0: i32) -> (i32, i32) {
    %c0_i32 = arith.constant 0 : i32
    %c0_i32_0 = arith.constant 0 : i32
    %c0_i32_1 = arith.constant 0 : i32
    return %c0_i32, %c0_i32_0 : i32, i32
  }
  func.func @transform_6(%arg0: i32) -> (i32, i32) {
    %c0_i32 = arith.constant 0 : i32
    %c0_i32_0 = arith.constant 0 : i32
    %c0_i32_1 = arith.constant 0 : i32
    return %c0_i32, %c0_i32_0 : i32, i32
  }
  func.func @transform_7(%arg0: i32) -> (i32, i32) {
    %c0_i32 = arith.constant 0 : i32
    %c0_i32_0 = arith.constant 0 : i32
    %c0_i32_1 = arith.constant 0 : i32
    return %c0_i32, %c0_i32_0 : i32, i32
  }
  func.func @transform_8(%arg0: i32) -> (i32, i32) {
    %c0_i32 = arith.constant 0 : i32
    %c0_i32_0 = arith.constant 0 : i32
    %c0_i32_1 = arith.constant 0 : i32
    return %c0_i32, %c0_i32_0 : i32, i32
  }
  func.func @transform_9(%arg0: i32) -> (i32, i32) {
    %c0_i32 = arith.constant 0 : i32
    %c0_i32_0 = arith.constant 0 : i32
    %c0_i32_1 = arith.constant 0 : i32
    return %c0_i32, %c0_i32_0 : i32, i32
  }
  func.func @transform_10(%arg0: i32) -> (i32, i32) {
    %c0_i32 = arith.constant 0 : i32
    %c0_i32_0 = arith.constant 0 : i32
    %c0_i32_1 = arith.constant 0 : i32
    return %c0_i32, %c0_i32_0 : i32, i32
  }
  func.func @transform_11(%arg0: i32) -> (i32, i32) {
    %c0_i32 = arith.constant 0 : i32
    %c0_i32_0 = arith.constant 0 : i32
    %c0_i32_1 = arith.constant 0 : i32
    return %c0_i32, %c0_i32_0 : i32, i32
  }
  func.func @transform_12(%arg0: i32) -> (i32, i32) {
    %c0_i32 = arith.constant 0 : i32
    %c0_i32_0 = arith.constant 0 : i32
    %c0_i32_1 = arith.constant 0 : i32
    return %c0_i32, %c0_i32_0 : i32, i32
  }
  func.func @transform_15(%arg0: i32) -> (i32, i32) {
    %add3A = arith.constant 8 : i32
    %add3A_0 = arith.addi %arg0, %add3A : i32
    %c0_i32 = arith.constant 0 : i32
    %c0_i32_1 = arith.constant 0 : i32
    return %add3A_0, %c0_i32 : i32, i32
  }
  func.func @transform_16(%arg0: i32) -> (i32, i32, i32) {
    %add3A = arith.constant 8 : i32
    %add3A_0 = arith.addi %arg0, %add3A : i32
    %c0_i32 = arith.constant 0 : i32
    %c0_i32_1 = arith.constant 0 : i32
    %c0_i32_2 = arith.constant 0 : i32
    return %add3A_0, %c0_i32, %c0_i32_1 : i32, i32, i32
  }
}

</mosaic_0001>

<sc_bundles>
// kernel: kernel.11.cloned.1.call-start
scs
__scs_entry_jumppad:
0x0: {  	(pc) =	sbr.rel $0x88, $3  }
0x1: {  	(tag) =	ssettag $0x0;
	lr =	simm.s32 $0x1  }
0x2: {  	[smem:$0x3F90] =	sst lr;
	_ =	strace $0xD0000000  }
0x3: {  	_ = 	snop  }
0x4: {  	_ = 	snop  }
0x5: {  	_ = 	snop  }
0x6: {  	_ = 	snop  }
0x7: {  	_ = 	snop  }
__scs_overlays_trampoline_lowered:
0x8: {  	[smem:$0x3F9F] =	sst s0  }
0x9: {  	[smem:$0x3FA0] =	sst s1  }
0xa: {  	[smem:$0x3FA1] =	sst s2  }
0xb: {  	[smem:$0x3FA2] =	sst s3  }
0xc: {  	[smem:$0x3FA3] =	sst s4  }
0xd: {  	[smem:$0x3FA4] =	sst s5  }
0xe: {  	[smem:$0x3FA5] =	sst s6  }
0xf: {  	[smem:$0x3FA6] =	sst s7  }
0x10: {  	[smem:$0x3FA7] =	sst s8  }
0x11: {  	[smem:$0x3FA8] =	sst s9;
	s0 =	simm.s32 @!p0 $0x0  }
0x12: {  	s1 =	sld [smem:$0x3F8E];
	s0 =	simm.s32 @p0 $0x1  }
0x13: {  	[smem:$0x3FA9] =	sst s0;
	s0 =	simm.s32 @!p1 $0x0  }
0x14: {  	s2 =	sld [smem:$0x3F8D];
	s0 =	simm.s32 @p1 $0x1  }
0x15: {  	[smem:$0x3FAA] =	sst s0;
	s0 =	simm.s32 @!p2 $0x0  }
0x16: {  	s3 =	sld [smem:$0x3FDB];
	s0 =	simm.s32 @p2 $0x1  }
0x17: {  	s4 =	simm.s32 $0x1BF5;
	[smem:$0x3FAC] =	sst s0  }
0x18: {  	s0 =	sld [smem:$0x3F8F];
	_ =	swait.ge [sflag:s4], $0x0  }
0x19: {  	s7 =	sld [smem:$0x3F90]  }
0x1a: {  	s8 =	sadd.s32 $0xFFFFE003, lr  }
0x1b: {  	s9 =	sadd.s32 $0xFFFFFEF7, lr;
	s5 =	simm.s32 $0xFFFFFFFF;
	p2 =	slt.u32 s8, $0xFFFFF086  }
0x1c: {  	p1 =	slt.u32 s9, $0xF7A;
	s5 =	simm.s32 @!p2 $0x0  }
0x1d: {  	s5 =	simm.s32 @p1 $0x1;
	p0 =	seq.s32 s7, s2  }
0x1e: {  	s7 =	smul.u32 @!p0 $0xF7A, s2;
	p2 =	seq.s32 @!p0 s5, $0x0  }
0x1f: {  	s9 =	smul.u32 $0xF7A, s1;
	s8 =	simm.s32 @!p0 $0x1BF5;
	p2 =	por !p2, p0  }
0x20: {  	[sflag:s8] =	ssyncset.s32 @!p0 $0xFFFFF086;
	s6 =	sadd.s32 @!p0 s3, s7;
	s7 =	simm.s32 @!p0 $0x108  }
0x21: {  	s3 =	sadd.s32 s3, s9;
	s6 =	sadd.s32 @!p0 $0x88, s6;
	s7 =	simm.s32 @p2 $0x1082  }
0x22: {  	[simem:s7], [sflag:s8] =	dma.local @!p0 [hbm:s6], $0xF7A  }
0x23: {  	s9 =	sor.u32 $0xD0000000, s2;
	s6 =	simm.s32 $0x108;
	_ =	swait.ge @!p0 [sflag:s8], $0x0  }
0x24: {  	s3 =	sadd.s32 $0x88, s3;
	s6 =	simm.s32 @!p1 $0x1082;
	[sflag:s4] =	ssyncset.s32 $0xFFFFF086  }
0x25: {  	[simem:s6], [sflag:s4] =	dma.local [hbm:s3], $0xF7A  }
0x26: {  	[smem:$0x3F90] =	sst s1;
	(tag) =	ssettag s2;
	_ =	strace s9  }
0x27: {  	s1 =	sld [smem:$0x3FA0]  }
0x28: {  	s2 =	sld [smem:$0x3FA1]  }
0x29: {  	s4 =	sld [smem:$0x3FA3]  }
0x2a: {  	p0 =	seq.s32 s5, $0x0;
	s5 =	sld [smem:$0x3FA4]  }
0x2b: {  	s6 =	sld [smem:$0x3FA5]  }
0x2c: {  	s7 =	sld [smem:$0x3FA6]  }
0x2d: {  	s3 =	simm.s32 $0x108;
	s8 =	sld [smem:$0x3FA7]  }
0x2e: {  	s3 =	simm.s32 @!p0 $0x1082;
	s9 =	sld [smem:$0x3FA8]  }
0x2f: {  	lr =	sadd.s32 s0, s3;
	s0 =	sld [smem:$0x3F9F]  }
0x30: {  	s3 =	sld [smem:$0x3FA2]  }
0x31: {  	[smem:$0x3FAB] =	sst s10  }
0x32: {  	s10 =	sld [smem:$0x3FA9];
	_ =	sdelay $0x3  }
0x33: {  	p0 =	seq.s32 s10, $0x1;
	s10 =	sld [smem:$0x3FAB];
	_ =	sdelay $0x3  }
0x34: {  	[smem:$0x3FAB] =	sst s10  }
0x35: {  	s10 =	sld [smem:$0x3FAA];
	_ =	sdelay $0x3  }
0x36: {  	p1 =	seq.s32 s10, $0x1;
	s10 =	sld [smem:$0x3FAB];
	_ =	sdelay $0x3  }
0x37: {  	[smem:$0x3FAB] =	sst s10  }
0x38: {  	s10 =	sld [smem:$0x3FAC]  }
0x39: {  	_ = 	snop;
	(pc) =	sbr.ind lr, $3  }
0x3a: {  	_ = 	snop  }
0x3b: {  	_ = 	snop  }
0x3c: {  	p2 =	seq.s32 s10, $0x1;
	s10 =	sld [smem:$0x3FAB]  }
0x3d: {  	_ =	shalt  }
0x3e: {  	_ =	shalt  }
0x3f: {  	_ =	shalt  }
0x40: {  	_ =	shalt  }
0x41: {  	_ =	shalt  }
0x42: {  	_ =	shalt  }
0x43: {  	_ =	shalt  }
0x44: {  	_ =	shalt  }
0x45: {  	_ =	shalt  }
0x46: {  	_ =	shalt  }
0x47: {  	_ =	shalt  }
0x48: {  	_ =	shalt  }
0x49: {  	_ =	shalt  }
0x4a: {  	_ =	shalt  }
0x4b: {  	_ =	shalt  }
0x4c: {  	_ =	shalt  }
0x4d: {  	_ =	shalt  }
0x4e: {  	_ =	shalt  }
0x4f: {  	_ =	shalt  }
0x50: {  	_ =	shalt  }
0x51: {  	_ =	shalt  }
0x52: {  	_ =	shalt  }
0x53: {  	_ =	shalt  }
0x54: {  	_ =	shalt  }
0x55: {  	_ =	shalt  }
0x56: {  	_ =	shalt  }
0x57: {  	_ =	shalt  }
0x58: {  	_ =	shalt  }
0x59: {  	_ =	shalt  }
0x5a: {  	_ =	shalt  }
0x5b: {  	_ =	shalt  }
0x5c: {  	_ =	shalt  }
0x5d: {  	_ =	shalt  }
0x5e: {  	_ =	shalt  }
0x5f: {  	_ =	shalt  }
0x60: {  	_ =	shalt  }
0x61: {  	_ =	shalt  }
0x62: {  	_ =	shalt  }
0x63: {  	_ =	shalt  }
0x64: {  	_ =	shalt  }
0x65: {  	_ =	shalt  }
0x66: {  	_ =	shalt  }
0x67: {  	_ =	shalt  }
0x68: {  	_ =	shalt  }
0x69: {  	_ =	shalt  }
0x6a: {  	_ =	shalt  }
0x6b: {  	_ =	shalt  }
0x6c: {  	_ =	shalt  }
0x6d: {  	_ =	shalt  }
0x6e: {  	_ =	shalt  }
0x6f: {  	_ =	shalt  }
0x70: {  	_ =	shalt  }
0x71: {  	_ =	shalt  }
0x72: {  	_ =	shalt  }
0x73: {  	_ =	shalt  }
0x74: {  	_ =	shalt  }
0x75: {  	_ =	shalt  }
0x76: {  	_ =	shalt  }
0x77: {  	_ =	shalt  }
0x78: {  	_ =	shalt  }
0x79: {  	_ =	shalt  }
0x7a: {  	_ =	shalt  }
0x7b: {  	_ =	shalt  }
0x7c: {  	_ =	shalt  }
0x7d: {  	_ =	shalt  }
0x7e: {  	_ =	shalt  }
0x7f: {  	_ =	shalt  }
0x80: {  	_ =	shalt  }
0x81: {  	_ =	shalt  }
0x82: {  	_ =	shalt  }
0x83: {  	_ =	shalt  }
0x84: {  	_ =	shalt  }
0x85: {  	_ =	shalt  }
0x86: {  	_ =	shalt  }
0x87: {  	_ =	shalt  }
.Lfunc_end0:
.L_simem_size_0:
called_computation.1_lowered:
.L_overlay_start_0:
0x88: {  	s2 =	sld [smem:$0x3FD9]  }
0x89: {  	s3 =	sld [smem:$0x3FFE];
	_ =	sdelay $0x1  }
0x8a: {  	s1 =	srdreg.scid  }
0x8b: {  	s0 =	sand.u32 $0x1, s1  }
0x8c: {  	s17 =	sshll.u32 s0, $0xA;
	s2 =	sadd.s32 s3, s2  }
0x8d: {  	s2 =	sadd.s32 s2, s17  }
0x8e: {  	[smem:$0x3FB7] =	sst s2  }
0x8f: {  	_ = 	snop  }
0x90: {  	(tm) =	ssettm $0x1  }
0x91: {  	s18 =	sld [smem:$0x3FFB];
	_ =	sdelay $0x3  }
0x92: {  	_ =	strace s18  }
0x93: {  	s2 =	sld [smem:$0x3FFC];
	_ =	sdelay $0x3  }
0x94: {  	_ =	strace s2  }
0x95: {  	s2 =	sld [smem:$0x3FFD];
	_ =	sdelay $0x3  }
0x96: {  	_ =	strace s2  }
0x97: {  	_ =	strace $0x8FFFFFFF  }
0x98: {  	s19 =	sld [smem:$0x3FDB];
	_ =	sdelay $0x1  }
0x99: {  	s20 =	simm.s32 $_scs_section_size  }
0x9a: {  	s4 =	simm.s32 $_size__tile_overlayer_lowered;
	s5 =	simm.s32 $_tile_overlayer_lowered  }
0x9b: {  	s6 =	simm.s32 $0x1BFF;
	s21 =	sshll.u32 s5, $0x1;
	s3 =	sadd.s32 s20, s19  }
0x9c: {  	s22 =	simm.s32 $0x0;
	s4 =	sshll.u32 s4, $0x1;
	s5 =	sadd.s32 s21, s3  }
0x9d: {  	[timem:s22], [sflag:s6] =	dma.local [hbm:s5], s4  }
0x9e: {  	_ =	swait.ge [sflag:s6], s4  }
0x9f: {  	s4 =	ssub.s32 $0x0, s4;
	[sflag:s6] =	ssyncset.done $0x0  }
0xa0: {  	[sflag:s6] =	ssyncadd.s32 s4;
	_ =	sdelay $0x1  }
0xa1: {  	s23 =	simm.s32 $0x1B8B  }
0xa2: {  	_ =	swait.ge [sflag:s23], $0x1  }
0xa3: {  	[sflag:s23] =	ssyncset.done $0x0  }
0xa4: {  	[sflag:s23] =	ssyncadd.s32 $0xFFFFFFFF  }
0xa5: {  	s4 =	sld [smem:$0x0]  }
0xa6: {  	s5 =	sand.u32 $0xFFFFFFFE, s1  }
0xa7: {  	p0 =	sne.s32 s1, s5  }
0xa8: {  	s5 =	sshll.u32 @p0 s5, $0xE  }
0xa9: {  	s5 =	sadd.s32 @p0 $0x11B8D, s5;
	s6 =	sshll.u32 @p0 s4, $0x11  }
0xaa: {  	s5 =	sor.u32 @p0 s6, s5  }
0xab: {  	[sflag:s5] =	ssyncadd.remote.s32 @p0 $0x1;
	_ =	sdelay $0x1  }
0xac: {  	s5 =	simm.s32 @p0 $0x1B8D  }
0xad: {  	_ =	swait.eq @p0 [sflag:s5], $0x1  }
0xae: {  	[sflag:s5] =	ssyncadd.s32 @p0 $0xFFFFFFFF  }
0xaf: {  	s6 =	sshll.u32 @!p0 s1, $0xE  }
0xb0: {  	s6 =	sor.u32 @!p0 $0x4000, s6;
	s5 =	simm.s32 @!p0 $0x1B8D  }
0xb1: {  	s4 =	sshll.u32 @!p0 s4, $0x11;
	s6 =	sadd.s32 @!p0 $0x11B8D, s6;
	_ =	swait.eq @!p0 [sflag:s5], $0x1  }
0xb2: {  	s4 =	sor.u32 @!p0 s4, s6;
	[sflag:s5] =	ssyncadd.s32 @!p0 $0xFFFFFFFF  }
0xb3: {  	s25 =	simm.s32 $0x1B8E;
	s24 =	sld [smem:$0x3FFE];
	[sflag:s4] =	ssyncadd.remote.s32 @!p0 $0x1  }
0xb4: {  	s26 =	simm.s32 $execute0_lowered;
	[smem:$0x3FD2] =	sst s25  }
0xb5: {  	s5 =	sshll.u32 s26, $0x1;
	_ =	strace $0x80000049;
	[dreg:$0x1] =	wrdreg $0xFFFFFFFF  }
0xb6: {  	s28 =	simm.s32 $_size_execute0_lowered;
	s3 =	sadd.s32 s3, s5;
	[dreg:$0x0] =	wrdreg $0x0  }
0xb7: {  	s5 =	sshll.u32 s28, $0x1;
	[dreg:$0x2] =	wrdreg s3  }
0xb8: {  	[dreg:$0x3] =	wrdreg s5  }
0xb9: {  	[dreg:$0x4] =	wrdreg $0xC0  }
0xba: {  	_ =	task [dreg:s22], $0x5FFFF  }
0xbb: {  	[dreg:$0x1] =	wrdreg $0xFFFFFFFF  }
0xbc: {  	[dreg:$0x0] =	wrdreg $0x60  }
0xbd: {  	[dreg:$0x2] =	wrdreg s24  }
0xbe: {  	[dreg:$0x3] =	wrdreg $0xA  }
0xbf: {  	_ =	task.clear_ibuf [dreg:s22], $0x4FFFF;
	_ =	strace $0x90000049  }
0xc0: {  	s29 =	simm.s32 $0xA;
	_ =	strace $0x8000004B  }
0xc1: {  	_ =	swait.ge [sflag:s29], $0x1  }
0xc2: {  	[sflag:s29] =	ssyncadd.s32 $0xFFFFFFFF  }
0xc3: {  	_ =	strace $0x9000004B  }
0xc4: {  	_ =	sfence  }
0xc5: {  	s30 =	sld [smem:$0x0];
	_ =	sdelay $0x2  }
0xc6: {  	s31 =	sshll.u32 s1, $0xD;
	s1 =	sshrl.u32 s1, $0x2  }
0xc7: {  	s4 =	sand.u32 $0x4000, s31;
	s1 =	sadd.s32 s1, s30  }
0xc8: {  	s0 =	sor.u32 s4, s0;
	s1 =	sshll.u32 s1, $0x11  }
0xc9: {  	s0 =	sor.u32 s1, s0  }
0xca: {  	s0 =	sadd.s32 $0x8F2B, s0  }
0xcb: {  	[sflag:s0] =	ssyncadd.remote.s32 $0x1  }
0xcc: {  	_ =	sfence.sel $0xFFFF  }
0xcd: {  	[dreg:$0x0] =	wrdreg $0xFFFFFFFF;
	(pc) =	sbr.abs _section_cstart, $3  }
0xce: {  	[dreg:$0x1] =	wrdreg $0xFFFFFFFF  }
0xcf: {  	_ =	task.clear_ibuf [dreg:s22], $0x2FFFF;
	_ =	strace $0x9FFFFFFF  }
0xd0: {  	(tm) =	ssettm $0x7FFFFFFF  }
0xd1: {  	_ =	shalt  }
tec
execute0_lowered:
.L_overlay_start_1:
0x0: {  	(tag) =	ssettag $0x1  }
0x1: {  	s0 =	rddreg [dreg:$0x0];
	s1 =	srdreg.scid  }
0x2: {  	s3 =	stileid.u32;
	s2 =	simm.s32 $0x0;
	s10 =	simm.s32 $0x400  }
0x3: {  	s17 =	simm.s32 $0x1;
	s18 =	simm.s32 $0xC400;
	s9 =	simm.s32 $0x12C00  }
0x4: {  	s11 =	simm.s32 $0x13000;
	s12 =	simm.s32 $0x13800;
	s13 =	simm.s32 $0x13C00  }
0x5: {  	s14 =	simm.s32 $0x14400;
	s15 =	simm.s32 $0x14800;
	s16 =	simm.s32 $0x15000  }
0x6: {  	s19 =	simm.s32 $0x15400;
	s20 =	simm.s32 $0x15C00;
	s21 =	simm.s32 $0x16000  }
0x7: {  	s22 =	simm.s32 $0x16800;
	s23 =	simm.s32 $0x16C00;
	s24 =	simm.s32 $0x17400  }
0x8: {  	s25 =	simm.s32 $0x17800;
	s26 =	simm.s32 $0x18000;
	s28 =	simm.s32 $0x2  }
0x9: {  	s29 =	simm.s32 $0x3;
	s31 =	simm.s32 $0x0;
	s1 =	sand.u32 $0x1, s1  }
0xa: {  	s3 =	sshll.u32 s3, $0xB;
	[smem:$0x7FF] =	sst s2;
	s4 =	sshll.u32 s1, $0xA  }
0xb: {  	s8 =	sadd.s32 $0x19C800, s0;
	s1 =	ssub.s32 $0x2, s1;
	s3 =	sor.u32 s4, s3  }
0xc: {  	_ =	strace $0x8000004A;
	s7 =	sshrl.u32 s1, $0x1;
	s4 =	sshrl.u32 s3, $0x3  }
0xd: {  	s3 =	sor.u32 $0x80, s3;
	s5 =	sadd.s32 s4, s0;
	s4 =	smul.u32 $0x180, s4  }
.Ltmp0:
0xe: {  	s1 =	ssub.s32 s1, s7;
	s6 =	sshrl.u32 s3, $0x3;
	(pc) =	sbr.rel .LBB2_1-.Ltmp0, $4  }
0xf: {  	s3 =	sadd.s32 $0x183800, s0;
	s30 =	smax.u32 s1, $0x1;
	s6 =	smul.u32 $0x180, s6  }
0x10: {  	v2 =	vlaneseq.u32;
	s1 =	simm.s32 $0x11800;
	s5 =	sadd.s32 $0x19B800, s5;
	[dreg:$0x3] =	wrdreg s30  }
0x11: {  	vm0 =	vmmov $0xffff;
	vm1 =	vmmov $0xff;
	v1 =	vshrl.u32 v2, $0x3;
	[dreg:$0x2] =	wrdreg s5;
	s5 =	sadd.s32 $0x183900, s0;
	s7 =	sadd.s32 s6, s8  }
0x12: {  	v0 =	vand.u32 $0x7, v2;
	v2 =	vor.u32 $0x8, v2;
	v1 =	vmul.u32 $0x8, v1;
	s8 =	sadd.s32 s4, s8;
	s4 =	simm.s32 $0x12000;
	s6 =	simm.s32 $0x12400  }
.LBB2_5:
0x13: {  	s30 =	simm.s32 $0x4  }
0x14: {  	_ =	swait.ge [sflag:s30], $0xC000  }
0x15: {  	s31 =	rddreg [dreg:$0x4]  }
0x16: {  	s0 =	rddreg [dreg:$0x3];
	s31 =	sadd.s32 $0x1, s31  }
0x17: {  	p0 =	sne.s32 s31, s0  }
.Ltmp1:
0x18: {  	_ = 	snop;
	(pc) =	sbr.rel @!p0 .LBB2_6-.Ltmp1, $3  }
0x19: {  	_ =	sdelay $0x1  }
0x1a: {  	[sflag:s30] =	ssyncset.done $0x0  }
0x1b: {  	[sflag:s30] =	ssyncadd.s32 $0xFFFF4000  }
.LBB2_1:
0x1c: {  	s0 =	rddreg [dreg:$0x2]  }
0x1d: {  	[tilespmem:s2], [sflag:$0x5] =	stream.linear.gather [hbm4b:s0+s2], $0x400, $0x38;
	[tilespmem:$0x18400] =	vst v63  }
0x1e: {  	[dreg:$0x4] =	wrdreg s31;
	s0 =	simm.s32 $0x5  }
0x1f: {  	_ =	swait.ge [sflag:s0], $0x400  }
0x20: {  	[sflag:s0] =	ssyncset.done $0x0  }
0x21: {  	[sflag:s0] =	ssyncadd.s32 $0xFFFFFC00  }
0x22: {  	v3 =	vld [tilespmem:$0x0];
	_ =	sdelay $0x4  }
0x23: {  	v4 =	vshrl.u32 v3, $0x3  }
0x24: {  	v4 =	vmul.u32 $0x18, v4  }
0x25: {  	v3 =	vand.u32 $0x7, v3  }
0x26: {  	v3 =	vor.u32 v3, v4  }
0x27: {  	v4 =	vperm.xlane v3, v0;
	_ =	sdelay $0x1  }
0x28: {  	v4 =	vadd.s32 v1, v4;
	_ =	sdelay $0x1  }
0x29: {  	v3 =	vperm.xlane v3, v2;
	_ =	sdelay $0x1  }
0x2a: {  	v3 =	vadd.s32 v1, v3  }
0x2b: {  	[tilespmem:s10], [sflag:$0x1] =	stream.indirect_vreg.gather [hbm4b:s3+s2], $0x80, v4, vm0, $0xb8;
	[tilespmem:$0x18400] =	vst v63  }
0x2c: {  	s0 =	simm.s32 $0xC00  }
0x2d: {  	[tilespmem:s0], [sflag:$0x1] =	stream.indirect_vreg.gather [hbm4b:s5+s2], $0x80, v4, vm1, $0xb8;
	[tilespmem:$0x18400] =	vst v63  }
0x2e: {  	s0 =	simm.s32 $0x1000  }
0x2f: {  	[tilespmem:s0], [sflag:$0x1] =	stream.indirect_vreg.gather [hbm4b:s3+s2], $0x80, v3, vm0, $0xb8;
	[tilespmem:$0x18400] =	vst v63  }
0x30: {  	s0 =	simm.s32 $0x1800  }
0x31: {  	[tilespmem:s0], [sflag:$0x1] =	stream.indirect_vreg.gather [hbm4b:s5+s2], $0x80, v3, vm1, $0xb8;
	[tilespmem:$0x18400] =	vst v63  }
0x32: {  	v3 =	vld [tilespmem:$0x10];
	_ =	sdelay $0x4  }
0x33: {  	v57 =	vshrl.u32 v3, $0x3  }
0x34: {  	v4 =	vmul.u32 $0x18, v57  }
0x35: {  	v3 =	vand.u32 $0x7, v3  }
0x36: {  	v3 =	vor.u32 v3, v4  }
0x37: {  	v4 =	vperm.xlane v3, v0;
	_ =	sdelay $0x1  }
0x38: {  	v4 =	vadd.s32 v1, v4;
	_ =	sdelay $0x1  }
0x39: {  	v3 =	vperm.xlane v3, v2;
	_ =	sdelay $0x1  }
0x3a: {  	s0 =	simm.s32 $0x1C00;
	v3 =	vadd.s32 v1, v3  }
0x3b: {  	[tilespmem:s0], [sflag:$0x1] =	stream.indirect_vreg.gather [hbm4b:s3+s2], $0x80, v4, vm0, $0xb8;
	[tilespmem:$0x18400] =	vst v63  }
0x3c: {  	s0 =	simm.s32 $0x2400  }
0x3d: {  	[tilespmem:s0], [sflag:$0x1] =	stream.indirect_vreg.gather [hbm4b:s5+s2], $0x80, v4, vm1, $0xb8;
	[tilespmem:$0x18400] =	vst v63  }
0x3e: {  	s0 =	simm.s32 $0x2800  }
0x3f: {  	[tilespmem:s0], [sflag:$0x1] =	stream.indirect_vreg.gather [hbm4b:s3+s2], $0x80, v3, vm0, $0xb8;
	[tilespmem:$0x18400] =	vst v63  }
0x40: {  	s0 =	simm.s32 $0x3000  }
0x41: {  	[tilespmem:s0], [sflag:$0x1] =	stream.indirect_vreg.gather [hbm4b:s5+s2], $0x80, v3, vm1, $0xb8;
	[tilespmem:$0x18400] =	vst v63  }
0x42: {  	v3 =	vld [tilespmem:$0x20];
	_ =	sdelay $0x4  }
0x43: {  	v58 =	vshrl.u32 v3, $0x3  }
0x44: {  	v4 =	vmul.u32 $0x18, v58  }
0x45: {  	v3 =	vand.u32 $0x7, v3  }
0x46: {  	v3 =	vor.u32 v3, v4  }
0x47: {  	v4 =	vperm.xlane v3, v0;
	_ =	sdelay $0x1  }
0x48: {  	v4 =	vadd.s32 v1, v4;
	_ =	sdelay $0x1  }
0x49: {  	v3 =	vperm.xlane v3, v2;
	_ =	sdelay $0x1  }
0x4a: {  	s0 =	simm.s32 $0x3400;
	v3 =	vadd.s32 v1, v3  }
0x4b: {  	[tilespmem:s0], [sflag:$0x1] =	stream.indirect_vreg.gather [hbm4b:s3+s2], $0x80, v4, vm0, $0xb8;
	[tilespmem:$0x18400] =	vst v63  }
0x4c: {  	s0 =	simm.s32 $0x3C00  }
0x4d: {  	[tilespmem:s0], [sflag:$0x1] =	stream.indirect_vreg.gather [hbm4b:s5+s2], $0x80, v4, vm1, $0xb8;
	[tilespmem:$0x18400] =	vst v63  }
0x4e: {  	s0 =	simm.s32 $0x4000  }
0x4f: {  	[tilespmem:s0], [sflag:$0x1] =	stream.indirect_vreg.gather [hbm4b:s3+s2], $0x80, v3, vm0, $0xb8;
	[tilespmem:$0x18400] =	vst v63  }
0x50: {  	s0 =	simm.s32 $0x4800  }
0x51: {  	[tilespmem:s0], [sflag:$0x1] =	stream.indirect_vreg.gather [hbm4b:s5+s2], $0x80, v3, vm1, $0xb8;
	[tilespmem:$0x18400] =	vst v63  }
0x52: {  	v3 =	vld [tilespmem:$0x30];
	_ =	sdelay $0x4  }
0x53: {  	v59 =	vshrl.u32 v3, $0x3  }
0x54: {  	v4 =	vmul.u32 $0x18, v59  }
0x55: {  	v3 =	vand.u32 $0x7, v3  }
0x56: {  	v3 =	vor.u32 v3, v4  }
0x57: {  	v4 =	vperm.xlane v3, v0;
	_ =	sdelay $0x1  }
0x58: {  	v4 =	vadd.s32 v1, v4;
	_ =	sdelay $0x1  }
0x59: {  	v3 =	vperm.xlane v3, v2;
	_ =	sdelay $0x1  }
0x5a: {  	s0 =	simm.s32 $0x4C00;
	v3 =	vadd.s32 v1, v3  }
0x5b: {  	[tilespmem:s0], [sflag:$0x1] =	stream.indirect_vreg.gather [hbm4b:s3+s2], $0x80, v4, vm0, $0xb8;
	[tilespmem:$0x18400] =	vst v63  }
0x5c: {  	s0 =	simm.s32 $0x5400  }
0x5d: {  	[tilespmem:s0], [sflag:$0x1] =	stream.indirect_vreg.gather [hbm4b:s5+s2], $0x80, v4, vm1, $0xb8;
	[tilespmem:$0x18400] =	vst v63  }
0x5e: {  	s0 =	simm.s32 $0x5800  }
0x5f: {  	[tilespmem:s0], [sflag:$0x1] =	stream.indirect_vreg.gather [hbm4b:s3+s2], $0x80, v3, vm0, $0xb8;
	[tilespmem:$0x18400] =	vst v63  }
0x60: {  	s0 =	simm.s32 $0x6000  }
0x61: {  	[tilespmem:s0], [sflag:$0x1] =	stream.indirect_vreg.gather [hbm4b:s5+s2], $0x80, v3, vm1, $0xb8;
	[tilespmem:$0x18400] =	vst v63  }
0x62: {  	v3 =	vld [tilespmem:$0x40];
	_ =	sdelay $0x4  }
0x63: {  	v60 =	vshrl.u32 v3, $0x3  }
0x64: {  	v4 =	vmul.u32 $0x18, v60  }
0x65: {  	v3 =	vand.u32 $0x7, v3  }
0x66: {  	v3 =	vor.u32 v3, v4  }
0x67: {  	v4 =	vperm.xlane v3, v0;
	_ =	sdelay $0x1  }
0x68: {  	v4 =	vadd.s32 v1, v4;
	_ =	sdelay $0x1  }
0x69: {  	v3 =	vperm.xlane v3, v2;
	_ =	sdelay $0x1  }
0x6a: {  	s0 =	simm.s32 $0x6400;
	v3 =	vadd.s32 v1, v3  }
0x6b: {  	[tilespmem:s0], [sflag:$0x1] =	stream.indirect_vreg.gather [hbm4b:s3+s2], $0x80, v4, vm0, $0xb8;
	[tilespmem:$0x18400] =	vst v63  }
0x6c: {  	s0 =	simm.s32 $0x6C00  }
0x6d: {  	[tilespmem:s0], [sflag:$0x1] =	stream.indirect_vreg.gather [hbm4b:s5+s2], $0x80, v4, vm1, $0xb8;
	[tilespmem:$0x18400] =	vst v63  }
0x6e: {  	s0 =	simm.s32 $0x7000  }
0x6f: {  	[tilespmem:s0], [sflag:$0x1] =	stream.indirect_vreg.gather [hbm4b:s3+s2], $0x80, v3, vm0, $0xb8;
	[tilespmem:$0x18400] =	vst v63  }
0x70: {  	s0 =	simm.s32 $0x7800  }
0x71: {  	[tilespmem:s0], [sflag:$0x1] =	stream.indirect_vreg.gather [hbm4b:s5+s2], $0x80, v3, vm1, $0xb8;
	[tilespmem:$0x18400] =	vst v63  }
0x72: {  	v3 =	vld [tilespmem:$0x50];
	_ =	sdelay $0x4  }
0x73: {  	v61 =	vshrl.u32 v3, $0x3  }
0x74: {  	v4 =	vmul.u32 $0x18, v61  }
0x75: {  	v3 =	vand.u32 $0x7, v3  }
0x76: {  	v3 =	vor.u32 v3, v4  }
0x77: {  	v4 =	vperm.xlane v3, v0;
	_ =	sdelay $0x1  }
0x78: {  	v4 =	vadd.s32 v1, v4;
	_ =	sdelay $0x1  }
0x79: {  	v3 =	vperm.xlane v3, v2;
	_ =	sdelay $0x1  }
0x7a: {  	s0 =	simm.s32 $0x7C00;
	v3 =	vadd.s32 v1, v3  }
0x7b: {  	[tilespmem:s0], [sflag:$0x1] =	stream.indirect_vreg.gather [hbm4b:s3+s2], $0x80, v4, vm0, $0xb8;
	[tilespmem:$0x18400] =	vst v63  }
0x7c: {  	s0 =	simm.s32 $0x8400  }
0x7d: {  	[tilespmem:s0], [sflag:$0x1] =	stream.indirect_vreg.gather [hbm4b:s5+s2], $0x80, v4, vm1, $0xb8;
	[tilespmem:$0x18400] =	vst v63  }
0x7e: {  	s0 =	simm.s32 $0x8800  }
0x7f: {  	[tilespmem:s0], [sflag:$0x1] =	stream.indirect_vreg.gather [hbm4b:s3+s2], $0x80, v3, vm0, $0xb8;
	[tilespmem:$0x18400] =	vst v63  }
0x80: {  	s0 =	simm.s32 $0x9000  }
0x81: {  	[tilespmem:s0], [sflag:$0x1] =	stream.indirect_vreg.gather [hbm4b:s5+s2], $0x80, v3, vm1, $0xb8;
	[tilespmem:$0x18400] =	vst v63  }
0x82: {  	v3 =	vld [tilespmem:$0x60];
	_ =	sdelay $0x4  }
0x83: {  	v62 =	vshrl.u32 v3, $0x3  }
0x84: {  	v4 =	vmul.u32 $0x18, v62  }
0x85: {  	v3 =	vand.u32 $0x7, v3  }
0x86: {  	v3 =	vor.u32 v3, v4  }
0x87: {  	v4 =	vperm.xlane v3, v0;
	_ =	sdelay $0x1  }
0x88: {  	v4 =	vadd.s32 v1, v4;
	_ =	sdelay $0x1  }
0x89: {  	v3 =	vperm.xlane v3, v2;
	_ =	sdelay $0x1  }
0x8a: {  	s0 =	simm.s32 $0x9400;
	v3 =	vadd.s32 v1, v3  }
0x8b: {  	[tilespmem:s0], [sflag:$0x1] =	stream.indirect_vreg.gather [hbm4b:s3+s2], $0x80, v4, vm0, $0xb8;
	[tilespmem:$0x18400] =	vst v63  }
0x8c: {  	s0 =	simm.s32 $0x9C00  }
0x8d: {  	[tilespmem:s0], [sflag:$0x1] =	stream.indirect_vreg.gather [hbm4b:s5+s2], $0x80, v4, vm1, $0xb8;
	[tilespmem:$0x18400] =	vst v63  }
0x8e: {  	s0 =	simm.s32 $0xA000  }
0x8f: {  	[tilespmem:s0], [sflag:$0x1] =	stream.indirect_vreg.gather [hbm4b:s3+s2], $0x80, v3, vm0, $0xb8;
	[tilespmem:$0x18400] =	vst v63  }
0x90: {  	s0 =	simm.s32 $0xA800  }
0x91: {  	[tilespmem:s0], [sflag:$0x1] =	stream.indirect_vreg.gather [hbm4b:s5+s2], $0x80, v3, vm1, $0xb8;
	[tilespmem:$0x18400] =	vst v63  }
0x92: {  	v3 =	vld [tilespmem:$0x70];
	_ =	sdelay $0x4  }
0x93: {  	v63 =	vshrl.u32 v3, $0x3  }
0x94: {  	v4 =	vmul.u32 $0x18, v63  }
0x95: {  	v3 =	vand.u32 $0x7, v3  }
0x96: {  	v3 =	vor.u32 v3, v4  }
0x97: {  	v4 =	vperm.xlane v3, v0;
	_ =	sdelay $0x1  }
0x98: {  	v4 =	vadd.s32 v1, v4;
	_ =	sdelay $0x2  }
0x99: {  	v3 =	vperm.xlane v3, v2  }
0x9a: {  	s0 =	simm.s32 $0xAC00  }
0x9b: {  	v3 =	vadd.s32 v1, v3;
	[tilespmem:s0], [sflag:$0x1] =	stream.indirect_vreg.gather [hbm4b:s3+s2], $0x80, v4, vm0, $0xb8;
	[tilespmem:$0x18400] =	vst v63  }
0x9c: {  	s0 =	simm.s32 $0xB400  }
0x9d: {  	[tilespmem:s0], [sflag:$0x1] =	stream.indirect_vreg.gather [hbm4b:s5+s2], $0x80, v4, vm1, $0xb8;
	[tilespmem:$0x18400] =	vst v63  }
.Ltmp2:
0x9e: {  	_ = 	snop;
	(pc) =	sbr.rel .LBB2_2-.Ltmp2, $4  }
0x9f: {  	s0 =	simm.s32 $0xB800  }
0xa0: {  	[tilespmem:s0], [sflag:$0x1] =	stream.indirect_vreg.gather [hbm4b:s3+s2], $0x80, v3, vm0, $0xb8;
	[tilespmem:$0x18400] =	vst v63  }
0xa1: {  	s30 =	simm.s32 $0xC0;
	s31 =	simm.s32 $0x0;
	s0 =	simm.s32 $0xC000  }
0xa2: {  	[tilespmem:s0], [sflag:$0x1] =	stream.indirect_vreg.gather [hbm4b:s5+s2], $0x80, v3, vm1, $0xb8;
	[tilespmem:$0x18400] =	vst v63  }
.LBB2_4:
0xa3: {  	s0 =	sadd.s32 s31, s7;
	s31 =	sadd.s32 $0x3000, s31  }
0xa4: {  	p0 =	sne.s32 s31, $0xC000  }
.Ltmp3:
0xa5: {  	_ = 	snop;
	(pc) =	sbr.rel @!p0 .LBB2_5-.Ltmp3, $3  }
0xa6: {  	_ =	sdelay $0x1  }
0xa7: {  	s30 =	sadd.s32 $0x100, s30  }
0xa8: {  	[hbm4b:s0+s2] =	stream.linear.scatter [tilespmem:s18], [sflag:$0x4], $0xC000, $0x38;
	[tilespmem:$0x18400] =	vst v63  }
.LBB2_2:
0xa9: {  	_ =	swait.ge [sflag:s17], $0xC000  }
0xaa: {  	p0 =	seq.s32 s31, $0x0;
	[sflag:s17] =	ssyncset.done $0x0  }
0xab: {  	s0 =	simm.s32 @!p0 $0x4;
	[sflag:s17] =	ssyncadd.s32 $0xFFFF4000  }
0xac: {  	_ =	swait.ge @!p0 [sflag:s0], $0xC000  }
0xad: {  	[sflag:s0] =	ssyncset.done @!p0 $0x0  }
0xae: {  	[sflag:s0] =	ssyncadd.s32 @!p0 $0xFFFF4000  }
0xaf: {  	v3 =	vld [tilespmem:s30+$0xFFFFFFC0];
	_ =	sdelay $0x4  }
0xb0: {  	v4 =	vshrl.u32 v3, $0x3  }
0xb1: {  	v4 =	vmul.u32 $0x18, v4  }
0xb2: {  	v3 =	vand.u32 $0x7, v3  }
0xb3: {  	v3 =	vor.u32 v3, v4  }
0xb4: {  	v4 =	vperm.xlane v3, v0;
	_ =	sdelay $0x1  }
0xb5: {  	v4 =	vadd.s32 v1, v4;
	_ =	sdelay $0x1  }
0xb6: {  	v3 =	vperm.xlane v3, v2;
	_ =	sdelay $0x1  }
0xb7: {  	v3 =	vadd.s32 v1, v3  }
0xb8: {  	[tilespmem:s18], [sflag:$0x2] =	stream.indirect_vreg.gather [hbm4b:s3+s2], $0x80, v4, vm0, $0xb8;
	[tilespmem:$0x18400] =	vst v63  }
0xb9: {  	s0 =	simm.s32 $0xCC00  }
0xba: {  	[tilespmem:s0], [sflag:$0x2] =	stream.indirect_vreg.gather [hbm4b:s5+s2], $0x80, v4, vm1, $0xb8;
	[tilespmem:$0x18400] =	vst v63  }
0xbb: {  	s0 =	simm.s32 $0xD000  }
0xbc: {  	[tilespmem:s0], [sflag:$0x2] =	stream.indirect_vreg.gather [hbm4b:s3+s2], $0x80, v3, vm0, $0xb8;
	[tilespmem:$0x18400] =	vst v63  }
0xbd: {  	s0 =	simm.s32 $0xD800  }
0xbe: {  	[tilespmem:s0], [sflag:$0x2] =	stream.indirect_vreg.gather [hbm4b:s5+s2], $0x80, v3, vm1, $0xb8;
	[tilespmem:$0x18400] =	vst v63  }
0xbf: {  	v3 =	vld [tilespmem:s30+$0xFFFFFFD0];
	_ =	sdelay $0x4  }
0xc0: {  	v57 =	vshrl.u32 v3, $0x3  }
0xc1: {  	v4 =	vmul.u32 $0x18, v57  }
0xc2: {  	v3 =	vand.u32 $0x7, v3  }
0xc3: {  	v3 =	vor.u32 v3, v4  }
0xc4: {  	v4 =	vperm.xlane v3, v0;
	_ =	sdelay $0x1  }
0xc5: {  	v4 =	vadd.s32 v1, v4;
	_ =	sdelay $0x1  }
0xc6: {  	v3 =	vperm.xlane v3, v2;
	_ =	sdelay $0x1  }
0xc7: {  	s0 =	simm.s32 $0xDC00;
	v3 =	vadd.s32 v1, v3  }
0xc8: {  	[tilespmem:s0], [sflag:$0x2] =	stream.indirect_vreg.gather [hbm4b:s3+s2], $0x80, v4, vm0, $0xb8;
	[tilespmem:$0x18400] =	vst v63  }
0xc9: {  	s0 =	simm.s32 $0xE400  }
0xca: {  	[tilespmem:s0], [sflag:$0x2] =	stream.indirect_vreg.gather [hbm4b:s5+s2], $0x80, v4, vm1, $0xb8;
	[tilespmem:$0x18400] =	vst v63  }
0xcb: {  	s0 =	simm.s32 $0xE800  }
0xcc: {  	[tilespmem:s0], [sflag:$0x2] =	stream.indirect_vreg.gather [hbm4b:s3+s2], $0x80, v3, vm0, $0xb8;
	[tilespmem:$0x18400] =	vst v63  }
0xcd: {  	s0 =	simm.s32 $0xF000  }
0xce: {  	[tilespmem:s0], [sflag:$0x2] =	stream.indirect_vreg.gather [hbm4b:s5+s2], $0x80, v3, vm1, $0xb8;
	[tilespmem:$0x18400] =	vst v63  }
0xcf: {  	v3 =	vld [tilespmem:s30+$0xFFFFFFE0];
	_ =	sdelay $0x4  }
0xd0: {  	v58 =	vshrl.u32 v3, $0x3  }
0xd1: {  	v4 =	vmul.u32 $0x18, v58  }
0xd2: {  	v3 =	vand.u32 $0x7, v3  }
0xd3: {  	v3 =	vor.u32 v3, v4  }
0xd4: {  	v4 =	vperm.xlane v3, v0;
	_ =	sdelay $0x1  }
0xd5: {  	v4 =	vadd.s32 v1, v4;
	_ =	sdelay $0x1  }
0xd6: {  	v3 =	vperm.xlane v3, v2;
	_ =	sdelay $0x1  }
0xd7: {  	s0 =	simm.s32 $0xF400;
	v3 =	vadd.s32 v1, v3  }
0xd8: {  	[tilespmem:s0], [sflag:$0x2] =	stream.indirect_vreg.gather [hbm4b:s3+s2], $0x80, v4, vm0, $0xb8;
	[tilespmem:$0x18400] =	vst v63  }
0xd9: {  	s0 =	simm.s32 $0xFC00  }
0xda: {  	[tilespmem:s0], [sflag:$0x2] =	stream.indirect_vreg.gather [hbm4b:s5+s2], $0x80, v4, vm1, $0xb8;
	[tilespmem:$0x18400] =	vst v63  }
0xdb: {  	s0 =	simm.s32 $0x10000  }
0xdc: {  	[tilespmem:s0], [sflag:$0x2] =	stream.indirect_vreg.gather [hbm4b:s3+s2], $0x80, v3, vm0, $0xb8;
	[tilespmem:$0x18400] =	vst v63  }
0xdd: {  	s0 =	simm.s32 $0x10800  }
0xde: {  	[tilespmem:s0], [sflag:$0x2] =	stream.indirect_vreg.gather [hbm4b:s5+s2], $0x80, v3, vm1, $0xb8;
	[tilespmem:$0x18400] =	vst v63  }
0xdf: {  	v3 =	vld [tilespmem:s30+$0xFFFFFFF0];
	_ =	sdelay $0x4  }
0xe0: {  	v59 =	vshrl.u32 v3, $0x3  }
0xe1: {  	v4 =	vmul.u32 $0x18, v59  }
0xe2: {  	v3 =	vand.u32 $0x7, v3  }
0xe3: {  	v3 =	vor.u32 v3, v4  }
0xe4: {  	v4 =	vperm.xlane v3, v0;
	_ =	sdelay $0x1  }
0xe5: {  	v4 =	vadd.s32 v1, v4;
	_ =	sdelay $0x1  }
0xe6: {  	v3 =	vperm.xlane v3, v2;
	_ =	sdelay $0x1  }
0xe7: {  	s0 =	simm.s32 $0x10C00;
	v3 =	vadd.s32 v1, v3  }
0xe8: {  	[tilespmem:s0], [sflag:$0x2] =	stream.indirect_vreg.gather [hbm4b:s3+s2], $0x80, v4, vm0, $0xb8;
	[tilespmem:$0x18400] =	vst v63  }
0xe9: {  	s0 =	simm.s32 $0x11400  }
0xea: {  	[tilespmem:s0], [sflag:$0x2] =	stream.indirect_vreg.gather [hbm4b:s5+s2], $0x80, v4, vm1, $0xb8;
	[tilespmem:$0x18400] =	vst v63  }
0xeb: {  	_ = 	snop  }
0xec: {  	[tilespmem:s1], [sflag:$0x2] =	stream.indirect_vreg.gather [hbm4b:s3+s2], $0x80, v3, vm0, $0xb8;
	[tilespmem:$0x18400] =	vst v63  }
0xed: {  	_ = 	snop  }
0xee: {  	[tilespmem:s4], [sflag:$0x2] =	stream.indirect_vreg.gather [hbm4b:s5+s2], $0x80, v3, vm1, $0xb8;
	[tilespmem:$0x18400] =	vst v63  }
0xef: {  	v3 =	vld [tilespmem:s30+$0x0];
	_ =	sdelay $0x4  }
0xf0: {  	v60 =	vshrl.u32 v3, $0x3  }
0xf1: {  	v4 =	vmul.u32 $0x18, v60  }
0xf2: {  	v3 =	vand.u32 $0x7, v3  }
0xf3: {  	v3 =	vor.u32 v3, v4  }
0xf4: {  	v4 =	vperm.xlane v3, v0;
	_ =	sdelay $0x1  }
0xf5: {  	v4 =	vadd.s32 v1, v4;
	_ =	sdelay $0x1  }
0xf6: {  	v3 =	vperm.xlane v3, v2;
	_ =	sdelay $0x1  }
0xf7: {  	v3 =	vadd.s32 v1, v3  }
0xf8: {  	[tilespmem:s6], [sflag:$0x2] =	stream.indirect_vreg.gather [hbm4b:s3+s2], $0x80, v4, vm0, $0xb8;
	[tilespmem:$0x18400] =	vst v63  }
0xf9: {  	_ = 	snop  }
0xfa: {  	[tilespmem:s9], [sflag:$0x2] =	stream.indirect_vreg.gather [hbm4b:s5+s2], $0x80, v4, vm1, $0xb8;
	[tilespmem:$0x18400] =	vst v63  }
0xfb: {  	_ = 	snop  }
0xfc: {  	[tilespmem:s11], [sflag:$0x2] =	stream.indirect_vreg.gather [hbm4b:s3+s2], $0x80, v3, vm0, $0xb8;
	[tilespmem:$0x18400] =	vst v63  }
0xfd: {  	_ = 	snop  }
0xfe: {  	[tilespmem:s12], [sflag:$0x2] =	stream.indirect_vreg.gather [hbm4b:s5+s2], $0x80, v3, vm1, $0xb8;
	[tilespmem:$0x18400] =	vst v63  }
0xff: {  	v3 =	vld [tilespmem:s30+$0x10];
	_ =	sdelay $0x4  }
0x100: {  	v61 =	vshrl.u32 v3, $0x3  }
0x101: {  	v4 =	vmul.u32 $0x18, v61  }
0x102: {  	v3 =	vand.u32 $0x7, v3  }
0x103: {  	v3 =	vor.u32 v3, v4  }
0x104: {  	v4 =	vperm.xlane v3, v0;
	_ =	sdelay $0x1  }
0x105: {  	v4 =	vadd.s32 v1, v4;
	_ =	sdelay $0x1  }
0x106: {  	v3 =	vperm.xlane v3, v2;
	_ =	sdelay $0x1  }
0x107: {  	v3 =	vadd.s32 v1, v3  }
0x108: {  	[tilespmem:s13], [sflag:$0x2] =	stream.indirect_vreg.gather [hbm4b:s3+s2], $0x80, v4, vm0, $0xb8;
	[tilespmem:$0x18400] =	vst v63  }
0x109: {  	_ = 	snop  }
0x10a: {  	[tilespmem:s14], [sflag:$0x2] =	stream.indirect_vreg.gather [hbm4b:s5+s2], $0x80, v4, vm1, $0xb8;
	[tilespmem:$0x18400] =	vst v63  }
0x10b: {  	_ = 	snop  }
0x10c: {  	[tilespmem:s15], [sflag:$0x2] =	stream.indirect_vreg.gather [hbm4b:s3+s2], $0x80, v3, vm0, $0xb8;
	[tilespmem:$0x18400] =	vst v63  }
0x10d: {  	_ = 	snop  }
0x10e: {  	[tilespmem:s16], [sflag:$0x2] =	stream.indirect_vreg.gather [hbm4b:s5+s2], $0x80, v3, vm1, $0xb8;
	[tilespmem:$0x18400] =	vst v63  }
0x10f: {  	v3 =	vld [tilespmem:s30+$0x20];
	_ =	sdelay $0x4  }
0x110: {  	v62 =	vshrl.u32 v3, $0x3  }
0x111: {  	v4 =	vmul.u32 $0x18, v62  }
0x112: {  	v3 =	vand.u32 $0x7, v3  }
0x113: {  	v3 =	vor.u32 v3, v4  }
0x114: {  	v4 =	vperm.xlane v3, v0;
	_ =	sdelay $0x1  }
0x115: {  	v4 =	vadd.s32 v1, v4;
	_ =	sdelay $0x1  }
0x116: {  	v3 =	vperm.xlane v3, v2;
	_ =	sdelay $0x1  }
0x117: {  	v3 =	vadd.s32 v1, v3  }
0x118: {  	[tilespmem:s19], [sflag:$0x2] =	stream.indirect_vreg.gather [hbm4b:s3+s2], $0x80, v4, vm0, $0xb8;
	[tilespmem:$0x18400] =	vst v63  }
0x119: {  	_ = 	snop  }
0x11a: {  	[tilespmem:s20], [sflag:$0x2] =	stream.indirect_vreg.gather [hbm4b:s5+s2], $0x80, v4, vm1, $0xb8;
	[tilespmem:$0x18400] =	vst v63  }
0x11b: {  	_ = 	snop  }
0x11c: {  	[tilespmem:s21], [sflag:$0x2] =	stream.indirect_vreg.gather [hbm4b:s3+s2], $0x80, v3, vm0, $0xb8;
	[tilespmem:$0x18400] =	vst v63  }
0x11d: {  	_ = 	snop  }
0x11e: {  	[tilespmem:s22], [sflag:$0x2] =	stream.indirect_vreg.gather [hbm4b:s5+s2], $0x80, v3, vm1, $0xb8;
	[tilespmem:$0x18400] =	vst v63  }
0x11f: {  	v3 =	vld [tilespmem:s30+$0x30];
	_ =	sdelay $0x4  }
0x120: {  	v63 =	vshrl.u32 v3, $0x3  }
0x121: {  	v4 =	vmul.u32 $0x18, v63  }
0x122: {  	v3 =	vand.u32 $0x7, v3  }
0x123: {  	v3 =	vor.u32 v3, v4  }
0x124: {  	v4 =	vperm.xlane v3, v0;
	_ =	sdelay $0x1  }
0x125: {  	v4 =	vadd.s32 v1, v4;
	_ =	sdelay $0x1  }
0x126: {  	v3 =	vperm.xlane v3, v2;
	_ =	sdelay $0x1  }
0x127: {  	v3 =	vadd.s32 v1, v3  }
0x128: {  	[tilespmem:s23], [sflag:$0x2] =	stream.indirect_vreg.gather [hbm4b:s3+s2], $0x80, v4, vm0, $0xb8;
	[tilespmem:$0x18400] =	vst v63  }
0x129: {  	_ = 	snop  }
0x12a: {  	[tilespmem:s24], [sflag:$0x2] =	stream.indirect_vreg.gather [hbm4b:s5+s2], $0x80, v4, vm1, $0xb8;
	[tilespmem:$0x18400] =	vst v63  }
0x12b: {  	_ = 	snop  }
0x12c: {  	[tilespmem:s25], [sflag:$0x2] =	stream.indirect_vreg.gather [hbm4b:s3+s2], $0x80, v3, vm0, $0xb8;
	[tilespmem:$0x18400] =	vst v63  }
0x12d: {  	_ = 	snop  }
0x12e: {  	[tilespmem:s26], [sflag:$0x2] =	stream.indirect_vreg.gather [hbm4b:s5+s2], $0x80, v3, vm1, $0xb8;
	[tilespmem:$0x18400] =	vst v63  }
0x12f: {  	s0 =	sadd.s32 s31, s8  }
0x130: {  	[hbm4b:s0+s2] =	stream.linear.scatter [tilespmem:s10], [sflag:$0x3], $0xC000, $0x38;
	[tilespmem:$0x18400] =	vst v63  }
0x131: {  	p0 =	seq.s32 s31, $0x9000;
	_ =	swait.ge [sflag:s28], $0xC000  }
.Ltmp4:
0x132: {  	[sflag:s28] =	ssyncset.done $0x0;
	(pc) =	sbr.rel @p0 .LBB2_4-.Ltmp4, $4  }
0x133: {  	[sflag:s28] =	ssyncadd.s32 $0xFFFF4000  }
0x134: {  	_ =	swait.ge [sflag:s29], $0xC000  }
0x135: {  	[sflag:s29] =	ssyncset.done $0x0  }
0x136: {  	[sflag:s29] =	ssyncadd.s32 $0xFFFF4000  }
0x137: {  	v3 =	vld [tilespmem:s30+$0x40];
	_ =	sdelay $0x4  }
0x138: {  	v4 =	vshrl.u32 v3, $0x3  }
0x139: {  	v4 =	vmul.u32 $0x18, v4  }
0x13a: {  	v3 =	vand.u32 $0x7, v3  }
0x13b: {  	v3 =	vor.u32 v3, v4  }
0x13c: {  	v4 =	vperm.xlane v3, v0;
	_ =	sdelay $0x1  }
0x13d: {  	v4 =	vadd.s32 v1, v4;
	_ =	sdelay $0x1  }
0x13e: {  	v3 =	vperm.xlane v3, v2;
	_ =	sdelay $0x1  }
0x13f: {  	v3 =	vadd.s32 v1, v3  }
0x140: {  	[tilespmem:s10], [sflag:$0x1] =	stream.indirect_vreg.gather [hbm4b:s3+s2], $0x80, v4, vm0, $0xb8;
	[tilespmem:$0x18400] =	vst v63  }
0x141: {  	s0 =	simm.s32 $0xC00  }
0x142: {  	[tilespmem:s0], [sflag:$0x1] =	stream.indirect_vreg.gather [hbm4b:s5+s2], $0x80, v4, vm1, $0xb8;
	[tilespmem:$0x18400] =	vst v63  }
0x143: {  	s0 =	simm.s32 $0x1000  }
0x144: {  	[tilespmem:s0], [sflag:$0x1] =	stream.indirect_vreg.gather [hbm4b:s3+s2], $0x80, v3, vm0, $0xb8;
	[tilespmem:$0x18400] =	vst v63  }
0x145: {  	s0 =	simm.s32 $0x1800  }
0x146: {  	[tilespmem:s0], [sflag:$0x1] =	stream.indirect_vreg.gather [hbm4b:s5+s2], $0x80, v3, vm1, $0xb8;
	[tilespmem:$0x18400] =	vst v63  }
0x147: {  	v3 =	vld [tilespmem:s30+$0x50];
	_ =	sdelay $0x4  }
0x148: {  	v57 =	vshrl.u32 v3, $0x3  }
0x149: {  	v4 =	vmul.u32 $0x18, v57  }
0x14a: {  	v3 =	vand.u32 $0x7, v3  }
0x14b: {  	v3 =	vor.u32 v3, v4  }
0x14c: {  	v4 =	vperm.xlane v3, v0;
	_ =	sdelay $0x1  }
0x14d: {  	v4 =	vadd.s32 v1, v4;
	_ =	sdelay $0x1  }
0x14e: {  	v3 =	vperm.xlane v3, v2;
	_ =	sdelay $0x1  }
0x14f: {  	s0 =	simm.s32 $0x1C00;
	v3 =	vadd.s32 v1, v3  }
0x150: {  	[tilespmem:s0], [sflag:$0x1] =	stream.indirect_vreg.gather [hbm4b:s3+s2], $0x80, v4, vm0, $0xb8;
	[tilespmem:$0x18400] =	vst v63  }
0x151: {  	s0 =	simm.s32 $0x2400  }
0x152: {  	[tilespmem:s0], [sflag:$0x1] =	stream.indirect_vreg.gather [hbm4b:s5+s2], $0x80, v4, vm1, $0xb8;
	[tilespmem:$0x18400] =	vst v63  }
0x153: {  	s0 =	simm.s32 $0x2800  }
0x154: {  	[tilespmem:s0], [sflag:$0x1] =	stream.indirect_vreg.gather [hbm4b:s3+s2], $0x80, v3, vm0, $0xb8;
	[tilespmem:$0x18400] =	vst v63  }
0x155: {  	s0 =	simm.s32 $0x3000  }
0x156: {  	[tilespmem:s0], [sflag:$0x1] =	stream.indirect_vreg.gather [hbm4b:s5+s2], $0x80, v3, vm1, $0xb8;
	[tilespmem:$0x18400] =	vst v63  }
0x157: {  	v3 =	vld [tilespmem:s30+$0x60];
	_ =	sdelay $0x4  }
0x158: {  	v58 =	vshrl.u32 v3, $0x3  }
0x159: {  	v4 =	vmul.u32 $0x18, v58  }
0x15a: {  	v3 =	vand.u32 $0x7, v3  }
0x15b: {  	v3 =	vor.u32 v3, v4  }
0x15c: {  	v4 =	vperm.xlane v3, v0;
	_ =	sdelay $0x1  }
0x15d: {  	v4 =	vadd.s32 v1, v4;
	_ =	sdelay $0x1  }
0x15e: {  	v3 =	vperm.xlane v3, v2;
	_ =	sdelay $0x1  }
0x15f: {  	s0 =	simm.s32 $0x3400;
	v3 =	vadd.s32 v1, v3  }
0x160: {  	[tilespmem:s0], [sflag:$0x1] =	stream.indirect_vreg.gather [hbm4b:s3+s2], $0x80, v4, vm0, $0xb8;
	[tilespmem:$0x18400] =	vst v63  }
0x161: {  	s0 =	simm.s32 $0x3C00  }
0x162: {  	[tilespmem:s0], [sflag:$0x1] =	stream.indirect_vreg.gather [hbm4b:s5+s2], $0x80, v4, vm1, $0xb8;
	[tilespmem:$0x18400] =	vst v63  }
0x163: {  	s0 =	simm.s32 $0x4000  }
0x164: {  	[tilespmem:s0], [sflag:$0x1] =	stream.indirect_vreg.gather [hbm4b:s3+s2], $0x80, v3, vm0, $0xb8;
	[tilespmem:$0x18400] =	vst v63  }
0x165: {  	s0 =	simm.s32 $0x4800  }
0x166: {  	[tilespmem:s0], [sflag:$0x1] =	stream.indirect_vreg.gather [hbm4b:s5+s2], $0x80, v3, vm1, $0xb8;
	[tilespmem:$0x18400] =	vst v63  }
0x167: {  	v3 =	vld [tilespmem:s30+$0x70];
	_ =	sdelay $0x4  }
0x168: {  	v59 =	vshrl.u32 v3, $0x3  }
0x169: {  	v4 =	vmul.u32 $0x18, v59  }
0x16a: {  	v3 =	vand.u32 $0x7, v3  }
0x16b: {  	v3 =	vor.u32 v3, v4  }
0x16c: {  	v4 =	vperm.xlane v3, v0;
	_ =	sdelay $0x1  }
0x16d: {  	v4 =	vadd.s32 v1, v4;
	_ =	sdelay $0x1  }
0x16e: {  	v3 =	vperm.xlane v3, v2;
	_ =	sdelay $0x1  }
0x16f: {  	s0 =	simm.s32 $0x4C00;
	v3 =	vadd.s32 v1, v3  }
0x170: {  	[tilespmem:s0], [sflag:$0x1] =	stream.indirect_vreg.gather [hbm4b:s3+s2], $0x80, v4, vm0, $0xb8;
	[tilespmem:$0x18400] =	vst v63  }
0x171: {  	s0 =	simm.s32 $0x5400  }
0x172: {  	[tilespmem:s0], [sflag:$0x1] =	stream.indirect_vreg.gather [hbm4b:s5+s2], $0x80, v4, vm1, $0xb8;
	[tilespmem:$0x18400] =	vst v63  }
0x173: {  	s0 =	simm.s32 $0x5800  }
0x174: {  	[tilespmem:s0], [sflag:$0x1] =	stream.indirect_vreg.gather [hbm4b:s3+s2], $0x80, v3, vm0, $0xb8;
	[tilespmem:$0x18400] =	vst v63  }
0x175: {  	s0 =	simm.s32 $0x6000  }
0x176: {  	[tilespmem:s0], [sflag:$0x1] =	stream.indirect_vreg.gather [hbm4b:s5+s2], $0x80, v3, vm1, $0xb8;
	[tilespmem:$0x18400] =	vst v63  }
0x177: {  	v3 =	vld [tilespmem:s30+$0x80];
	_ =	sdelay $0x4  }
0x178: {  	v60 =	vshrl.u32 v3, $0x3  }
0x179: {  	v4 =	vmul.u32 $0x18, v60  }
0x17a: {  	v3 =	vand.u32 $0x7, v3  }
0x17b: {  	v3 =	vor.u32 v3, v4  }
0x17c: {  	v4 =	vperm.xlane v3, v0;
	_ =	sdelay $0x1  }
0x17d: {  	v4 =	vadd.s32 v1, v4;
	_ =	sdelay $0x1  }
0x17e: {  	v3 =	vperm.xlane v3, v2;
	_ =	sdelay $0x1  }
0x17f: {  	s0 =	simm.s32 $0x6400;
	v3 =	vadd.s32 v1, v3  }
0x180: {  	[tilespmem:s0], [sflag:$0x1] =	stream.indirect_vreg.gather [hbm4b:s3+s2], $0x80, v4, vm0, $0xb8;
	[tilespmem:$0x18400] =	vst v63  }
0x181: {  	s0 =	simm.s32 $0x6C00  }
0x182: {  	[tilespmem:s0], [sflag:$0x1] =	stream.indirect_vreg.gather [hbm4b:s5+s2], $0x80, v4, vm1, $0xb8;
	[tilespmem:$0x18400] =	vst v63  }
0x183: {  	s0 =	simm.s32 $0x7000  }
0x184: {  	[tilespmem:s0], [sflag:$0x1] =	stream.indirect_vreg.gather [hbm4b:s3+s2], $0x80, v3, vm0, $0xb8;
	[tilespmem:$0x18400] =	vst v63  }
0x185: {  	s0 =	simm.s32 $0x7800  }
0x186: {  	[tilespmem:s0], [sflag:$0x1] =	stream.indirect_vreg.gather [hbm4b:s5+s2], $0x80, v3, vm1, $0xb8;
	[tilespmem:$0x18400] =	vst v63  }
0x187: {  	v3 =	vld [tilespmem:s30+$0x90];
	_ =	sdelay $0x4  }
0x188: {  	v61 =	vshrl.u32 v3, $0x3  }
0x189: {  	v4 =	vmul.u32 $0x18, v61  }
0x18a: {  	v3 =	vand.u32 $0x7, v3  }
0x18b: {  	v3 =	vor.u32 v3, v4  }
0x18c: {  	v4 =	vperm.xlane v3, v0;
	_ =	sdelay $0x1  }
0x18d: {  	v4 =	vadd.s32 v1, v4;
	_ =	sdelay $0x1  }
0x18e: {  	v3 =	vperm.xlane v3, v2;
	_ =	sdelay $0x1  }
0x18f: {  	s0 =	simm.s32 $0x7C00;
	v3 =	vadd.s32 v1, v3  }
0x190: {  	[tilespmem:s0], [sflag:$0x1] =	stream.indirect_vreg.gather [hbm4b:s3+s2], $0x80, v4, vm0, $0xb8;
	[tilespmem:$0x18400] =	vst v63  }
0x191: {  	s0 =	simm.s32 $0x8400  }
0x192: {  	[tilespmem:s0], [sflag:$0x1] =	stream.indirect_vreg.gather [hbm4b:s5+s2], $0x80, v4, vm1, $0xb8;
	[tilespmem:$0x18400] =	vst v63  }
0x193: {  	s0 =	simm.s32 $0x8800  }
0x194: {  	[tilespmem:s0], [sflag:$0x1] =	stream.indirect_vreg.gather [hbm4b:s3+s2], $0x80, v3, vm0, $0xb8;
	[tilespmem:$0x18400] =	vst v63  }
0x195: {  	s0 =	simm.s32 $0x9000  }
0x196: {  	[tilespmem:s0], [sflag:$0x1] =	stream.indirect_vreg.gather [hbm4b:s5+s2], $0x80, v3, vm1, $0xb8;
	[tilespmem:$0x18400] =	vst v63  }
0x197: {  	v3 =	vld [tilespmem:s30+$0xA0];
	_ =	sdelay $0x4  }
0x198: {  	v62 =	vshrl.u32 v3, $0x3  }
0x199: {  	v4 =	vmul.u32 $0x18, v62  }
0x19a: {  	v3 =	vand.u32 $0x7, v3  }
0x19b: {  	v3 =	vor.u32 v3, v4  }
0x19c: {  	v4 =	vperm.xlane v3, v0;
	_ =	sdelay $0x1  }
0x19d: {  	v4 =	vadd.s32 v1, v4;
	_ =	sdelay $0x1  }
0x19e: {  	v3 =	vperm.xlane v3, v2;
	_ =	sdelay $0x1  }
0x19f: {  	s0 =	simm.s32 $0x9400;
	v3 =	vadd.s32 v1, v3  }
0x1a0: {  	[tilespmem:s0], [sflag:$0x1] =	stream.indirect_vreg.gather [hbm4b:s3+s2], $0x80, v4, vm0, $0xb8;
	[tilespmem:$0x18400] =	vst v63  }
0x1a1: {  	s0 =	simm.s32 $0x9C00  }
0x1a2: {  	[tilespmem:s0], [sflag:$0x1] =	stream.indirect_vreg.gather [hbm4b:s5+s2], $0x80, v4, vm1, $0xb8;
	[tilespmem:$0x18400] =	vst v63  }
0x1a3: {  	s0 =	simm.s32 $0xA000  }
0x1a4: {  	[tilespmem:s0], [sflag:$0x1] =	stream.indirect_vreg.gather [hbm4b:s3+s2], $0x80, v3, vm0, $0xb8;
	[tilespmem:$0x18400] =	vst v63  }
0x1a5: {  	s0 =	simm.s32 $0xA800  }
0x1a6: {  	[tilespmem:s0], [sflag:$0x1] =	stream.indirect_vreg.gather [hbm4b:s5+s2], $0x80, v3, vm1, $0xb8;
	[tilespmem:$0x18400] =	vst v63  }
0x1a7: {  	v3 =	vld [tilespmem:s30+$0xB0];
	_ =	sdelay $0x4  }
0x1a8: {  	v63 =	vshrl.u32 v3, $0x3  }
0x1a9: {  	v4 =	vmul.u32 $0x18, v63  }
0x1aa: {  	v3 =	vand.u32 $0x7, v3  }
0x1ab: {  	v3 =	vor.u32 v3, v4  }
0x1ac: {  	v4 =	vperm.xlane v3, v0;
	_ =	sdelay $0x1  }
0x1ad: {  	v4 =	vadd.s32 v1, v4;
	_ =	sdelay $0x2  }
0x1ae: {  	v3 =	vperm.xlane v3, v2  }
0x1af: {  	s0 =	simm.s32 $0xAC00  }
0x1b0: {  	v3 =	vadd.s32 v1, v3;
	[tilespmem:s0], [sflag:$0x1] =	stream.indirect_vreg.gather [hbm4b:s3+s2], $0x80, v4, vm0, $0xb8;
	[tilespmem:$0x18400] =	vst v63  }
0x1b1: {  	s0 =	simm.s32 $0xB400  }
0x1b2: {  	[tilespmem:s0], [sflag:$0x1] =	stream.indirect_vreg.gather [hbm4b:s5+s2], $0x80, v4, vm1, $0xb8;
	[tilespmem:$0x18400] =	vst v63  }
.Ltmp5:
0x1b3: {  	_ = 	snop;
	(pc) =	sbr.rel .LBB2_4-.Ltmp5, $4  }
0x1b4: {  	s0 =	simm.s32 $0xB800  }
0x1b5: {  	[tilespmem:s0], [sflag:$0x1] =	stream.indirect_vreg.gather [hbm4b:s3+s2], $0x80, v3, vm0, $0xb8;
	[tilespmem:$0x18400] =	vst v63  }
0x1b6: {  	s0 =	simm.s32 $0xC000  }
0x1b7: {  	[tilespmem:s0], [sflag:$0x1] =	stream.indirect_vreg.gather [hbm4b:s5+s2], $0x80, v3, vm1, $0xb8;
	[tilespmem:$0x18400] =	vst v63  }
.LBB2_6:
0x1b8: {  	_ =	sfence.sel $0x180000  }
0x1b9: {  	[bflag:$0x0] =	sbarrier.arrive $0xFFFF  }
0x1ba: {  	_ =	strace $0x9000004A  }
0x1bb: {  	s0 =	stileid.u32;
	[bflag:$0x2] =	sbarrier.arrive $0xFFFF  }
0x1bc: {  	p0 =	sne.s32 s0, $0x0;
	s0 =	rddreg [dreg:$0x1]  }
0x1bd: {  	s0 =	sadd.s32 @!p0 $0x100000, s0  }
0x1be: {  	[sflag:s0] =	ssyncadd.tile.s32 @!p0 $0x1;
	_ =	shalt  }
.Lfunc_end2:
_tile_overlayer_lowered:
.L_overlay_start_2:
0x1bf: {  	(tag) =	ssettag $0x2  }
0x1c0: {  	s0 =	rddreg [dreg:$0x0];
	s2 =	stileid.u32  }
0x1c1: {  	s1 =	rddreg [dreg:$0x1];
	p0 =	sne.s32 s2, $0x0  }
0x1c2: {  	s3 =	rddreg [dreg:$0x2];
	[bflag:$0x3] =	sbarrier.arrive $0xFFFF;
	s2 =	simm.s32 @!p0 $0x1C05  }
0x1c3: {  	[timem:s3], [sflag:s2] =	dma.local @!p0 [hbm:s0], s1  }
0x1c4: {  	s0 =	simm.s32 @!p0 $0x5  }
0x1c5: {  	_ =	swait.ge @!p0 [sflag:s0], s1  }
0x1c6: {  	s1 =	ssub.s32 @!p0 $0x0, s1;
	[sflag:s0] =	ssyncset.done @!p0 $0x0  }
0x1c7: {  	[sflag:s0] =	ssyncadd.s32 @!p0 s1  }
0x1c8: {  	[bflag:$0x3] =	sbarrier.arrive $0xFFFF  }
0x1c9: {  	_ =	shalt  }

// kernel: kernel.8.cloned.1.call-start
scs
__scs_entry_jumppad:
0x0: {  	(pc) =	sbr.rel $0x88, $3  }
0x1: {  	(tag) =	ssettag $0x0;
	lr =	simm.s32 $0x1  }
0x2: {  	[smem:$0x3F90] =	sst lr;
	_ =	strace $0xD0000000  }
0x3: {  	_ = 	snop  }
0x4: {  	_ = 	snop  }
0x5: {  	_ = 	snop  }
0x6: {  	_ = 	snop  }
0x7: {  	_ = 	snop  }
__scs_overlays_trampoline_lowered:
0x8: {  	[smem:$0x3F9F] =	sst s0  }
0x9: {  	[smem:$0x3FA0] =	sst s1  }
0xa: {  	[smem:$0x3FA1] =	sst s2  }
0xb: {  	[smem:$0x3FA2] =	sst s3  }
0xc: {  	[smem:$0x3FA3] =	sst s4  }
0xd: {  	[smem:$0x3FA4] =	sst s5  }
0xe: {  	[smem:$0x3FA5] =	sst s6  }
0xf: {  	[smem:$0x3FA6] =	sst s7  }
0x10: {  	[smem:$0x3FA7] =	sst s8  }
0x11: {  	[smem:$0x3FA8] =	sst s9;
	s0 =	simm.s32 @!p0 $0x0  }
0x12: {  	s1 =	sld [smem:$0x3F8E];
	s0 =	simm.s32 @p0 $0x1  }
0x13: {  	[smem:$0x3FA9] =	sst s0;
	s0 =	simm.s32 @!p1 $0x0  }
0x14: {  	s2 =	sld [smem:$0x3F8D];
	s0 =	simm.s32 @p1 $0x1  }
0x15: {  	[smem:$0x3FAA] =	sst s0;
	s0 =	simm.s32 @!p2 $0x0  }
0x16: {  	s3 =	sld [smem:$0x3FDB];
	s0 =	simm.s32 @p2 $0x1  }
0x17: {  	s4 =	simm.s32 $0x1BF5;
	[smem:$0x3FAC] =	sst s0  }
0x18: {  	s0 =	sld [smem:$0x3F8F];
	_ =	swait.ge [sflag:s4], $0x0  }
0x19: {  	s7 =	sld [smem:$0x3F90]  }
0x1a: {  	s8 =	sadd.s32 $0xFFFFE003, lr  }
0x1b: {  	s9 =	sadd.s32 $0xFFFFFEF7, lr;
	s5 =	simm.s32 $0xFFFFFFFF;
	p2 =	slt.u32 s8, $0xFFFFF086  }
0x1c: {  	p1 =	slt.u32 s9, $0xF7A;
	s5 =	simm.s32 @!p2 $0x0  }
0x1d: {  	s5 =	simm.s32 @p1 $0x1;
	p0 =	seq.s32 s7, s2  }
0x1e: {  	s7 =	smul.u32 @!p0 $0xF7A, s2;
	p2 =	seq.s32 @!p0 s5, $0x0  }
0x1f: {  	s9 =	smul.u32 $0xF7A, s1;
	s8 =	simm.s32 @!p0 $0x1BF5;
	p2 =	por !p2, p0  }
0x20: {  	[sflag:s8] =	ssyncset.s32 @!p0 $0xFFFFF086;
	s6 =	sadd.s32 @!p0 s3, s7;
	s7 =	simm.s32 @!p0 $0x108  }
0x21: {  	s3 =	sadd.s32 s3, s9;
	s6 =	sadd.s32 @!p0 $0x88, s6;
	s7 =	simm.s32 @p2 $0x1082  }
0x22: {  	[simem:s7], [sflag:s8] =	dma.local @!p0 [hbm:s6], $0xF7A  }
0x23: {  	s9 =	sor.u32 $0xD0000000, s2;
	s6 =	simm.s32 $0x108;
	_ =	swait.ge @!p0 [sflag:s8], $0x0  }
0x24: {  	s3 =	sadd.s32 $0x88, s3;
	s6 =	simm.s32 @!p1 $0x1082;
	[sflag:s4] =	ssyncset.s32 $0xFFFFF086  }
0x25: {  	[simem:s6], [sflag:s4] =	dma.local [hbm:s3], $0xF7A  }
0x26: {  	[smem:$0x3F90] =	sst s1;
	(tag) =	ssettag s2;
	_ =	strace s9  }
0x27: {  	s1 =	sld [smem:$0x3FA0]  }
0x28: {  	s2 =	sld [smem:$0x3FA1]  }
0x29: {  	s4 =	sld [smem:$0x3FA3]  }
0x2a: {  	p0 =	seq.s32 s5, $0x0;
	s5 =	sld [smem:$0x3FA4]  }
0x2b: {  	s6 =	sld [smem:$0x3FA5]  }
0x2c: {  	s7 =	sld [smem:$0x3FA6]  }
0x2d: {  	s3 =	simm.s32 $0x108;
	s8 =	sld [smem:$0x3FA7]  }
0x2e: {  	s3 =	simm.s32 @!p0 $0x1082;
	s9 =	sld [smem:$0x3FA8]  }
0x2f: {  	lr =	sadd.s32 s0, s3;
	s0 =	sld [smem:$0x3F9F]  }
0x30: {  	s3 =	sld [smem:$0x3FA2]  }
0x31: {  	[smem:$0x3FAB] =	sst s10  }
0x32: {  	s10 =	sld [smem:$0x3FA9];
	_ =	sdelay $0x3  }
0x33: {  	p0 =	seq.s32 s10, $0x1;
	s10 =	sld [smem:$0x3FAB];
	_ =	sdelay $0x3  }
0x34: {  	[smem:$0x3FAB] =	sst s10  }
0x35: {  	s10 =	sld [smem:$0x3FAA];
	_ =	sdelay $0x3  }
0x36: {  	p1 =	seq.s32 s10, $0x1;
	s10 =	sld [smem:$0x3FAB];
	_ =	sdelay $0x3  }
0x37: {  	[smem:$0x3FAB] =	sst s10  }
0x38: {  	s10 =	sld [smem:$0x3FAC]  }
0x39: {  	_ = 	snop;
	(pc) =	sbr.ind lr, $3  }
0x3a: {  	_ = 	snop  }
0x3b: {  	_ = 	snop  }
0x3c: {  	p2 =	seq.s32 s10, $0x1;
	s10 =	sld [smem:$0x3FAB]  }
0x3d: {  	_ =	shalt  }
0x3e: {  	_ =	shalt  }
0x3f: {  	_ =	shalt  }
0x40: {  	_ =	shalt  }
0x41: {  	_ =	shalt  }
0x42: {  	_ =	shalt  }
0x43: {  	_ =	shalt  }
0x44: {  	_ =	shalt  }
0x45: {  	_ =	shalt  }
0x46: {  	_ =	shalt  }
0x47: {  	_ =	shalt  }
0x48: {  	_ =	shalt  }
0x49: {  	_ =	shalt  }
0x4a: {  	_ =	shalt  }
0x4b: {  	_ =	shalt  }
0x4c: {  	_ =	shalt  }
0x4d: {  	_ =	shalt  }
0x4e: {  	_ =	shalt  }
0x4f: {  	_ =	shalt  }
0x50: {  	_ =	shalt  }
0x51: {  	_ =	shalt  }
0x52: {  	_ =	shalt  }
0x53: {  	_ =	shalt  }
0x54: {  	_ =	shalt  }
0x55: {  	_ =	shalt  }
0x56: {  	_ =	shalt  }
0x57: {  	_ =	shalt  }
0x58: {  	_ =	shalt  }
0x59: {  	_ =	shalt  }
0x5a: {  	_ =	shalt  }
0x5b: {  	_ =	shalt  }
0x5c: {  	_ =	shalt  }
0x5d: {  	_ =	shalt  }
0x5e: {  	_ =	shalt  }
0x5f: {  	_ =	shalt  }
0x60: {  	_ =	shalt  }
0x61: {  	_ =	shalt  }
0x62: {  	_ =	shalt  }
0x63: {  	_ =	shalt  }
0x64: {  	_ =	shalt  }
0x65: {  	_ =	shalt  }
0x66: {  	_ =	shalt  }
0x67: {  	_ =	shalt  }
0x68: {  	_ =	shalt  }
0x69: {  	_ =	shalt  }
0x6a: {  	_ =	shalt  }
0x6b: {  	_ =	shalt  }
0x6c: {  	_ =	shalt  }
0x6d: {  	_ =	shalt  }
0x6e: {  	_ =	shalt  }
0x6f: {  	_ =	shalt  }
0x70: {  	_ =	shalt  }
0x71: {  	_ =	shalt  }
0x72: {  	_ =	shalt  }
0x73: {  	_ =	shalt  }
0x74: {  	_ =	shalt  }
0x75: {  	_ =	shalt  }
0x76: {  	_ =	shalt  }
0x77: {  	_ =	shalt  }
0x78: {  	_ =	shalt  }
0x79: {  	_ =	shalt  }
0x7a: {  	_ =	shalt  }
0x7b: {  	_ =	shalt  }
0x7c: {  	_ =	shalt  }
0x7d: {  	_ =	shalt  }
0x7e: {  	_ =	shalt  }
0x7f: {  	_ =	shalt  }
0x80: {  	_ =	shalt  }
0x81: {  	_ =	shalt  }
0x82: {  	_ =	shalt  }
0x83: {  	_ =	shalt  }
0x84: {  	_ =	shalt  }
0x85: {  	_ =	shalt  }
0x86: {  	_ =	shalt  }
0x87: {  	_ =	shalt  }
.Lfunc_end0:
.L_simem_size_0:
called_computation_lowered:
.L_overlay_start_0:
0x88: {  	s2 =	sld [smem:$0x3FD9]  }
0x89: {  	s3 =	sld [smem:$0x3FFE];
	_ =	sdelay $0x1  }
0x8a: {  	s1 =	srdreg.scid  }
0x8b: {  	s0 =	sand.u32 $0x1, s1  }
0x8c: {  	s14 =	sshll.u32 s0, $0xA;
	s2 =	sadd.s32 s3, s2  }
0x8d: {  	s2 =	sadd.s32 s2, s14  }
0x8e: {  	[smem:$0x3FB7] =	sst s2  }
0x8f: {  	_ = 	snop  }
0x90: {  	s2 =	sld [smem:$0x3FD0];
	_ =	sdelay $0x2  }
0x91: {  	s15 =	simm.s32 $0xB;
	s4 =	simm.s32 $0x10  }
0x92: {  	[smem:s4], [sflag:s15] =	dma.local [hbm:s2], $0x1  }
0x93: {  	_ =	swait.eq [sflag:s15], $0x1  }
0x94: {  	[sflag:s15] =	ssyncset.done $0x0  }
0x95: {  	s16 =	sld [smem:$0x10];
	[sflag:s15] =	ssyncadd.s32 $0xFFFFFFFF  }
0x96: {  	s17 =	sld [smem:$0x11];
	(tm) =	ssettm $0x1  }
0x97: {  	s18 =	sld [smem:$0x3FFB];
	_ =	sdelay $0x3  }
0x98: {  	_ =	strace s18  }
0x99: {  	s4 =	sld [smem:$0x3FFC];
	_ =	sdelay $0x3  }
0x9a: {  	_ =	strace s4  }
0x9b: {  	s4 =	sld [smem:$0x3FFD];
	_ =	sdelay $0x3  }
0x9c: {  	_ =	strace s4  }
0x9d: {  	_ =	strace $0x8FFFFFFF  }
0x9e: {  	s19 =	sld [smem:$0x3FDB];
	_ =	sdelay $0x1  }
0x9f: {  	s5 =	simm.s32 $_scs_section_size  }
0xa0: {  	s6 =	simm.s32 $_size__tile_overlayer_lowered;
	s7 =	simm.s32 $_tile_overlayer_lowered  }
0xa1: {  	s22 =	simm.s32 $0x1BFF;
	s21 =	sshll.u32 s7, $0x1;
	s4 =	sadd.s32 s5, s19  }
0xa2: {  	s8 =	simm.s32 $0x0;
	s20 =	sshll.u32 s6, $0x1;
	s6 =	sadd.s32 s21, s4  }
0xa3: {  	[timem:s8], [sflag:s22] =	dma.local [hbm:s6], s20  }
0xa4: {  	_ =	swait.ge [sflag:s22], s20  }
0xa5: {  	s5 =	ssub.s32 $0x0, s20;
	[sflag:s22] =	ssyncset.done $0x0  }
0xa6: {  	[sflag:s22] =	ssyncadd.s32 s5;
	_ =	sdelay $0x1  }
0xa7: {  	s23 =	simm.s32 $0x1B8B  }
0xa8: {  	_ =	swait.ge [sflag:s23], $0x1  }
0xa9: {  	[sflag:s23] =	ssyncset.done $0x0  }
0xaa: {  	s25 =	simm.s32 $0x1B8E;
	s24 =	sld [smem:$0x3FFE];
	[sflag:s23] =	ssyncadd.s32 $0xFFFFFFFF  }
0xab: {  	s26 =	simm.s32 $execute0_lowered;
	[smem:$0x3FD2] =	sst s25  }
0xac: {  	s6 =	sshll.u32 s26, $0x1;
	_ =	strace $0x80000046;
	[dreg:$0x1] =	wrdreg $0xFFFFFFFF  }
0xad: {  	s28 =	simm.s32 $_size_execute0_lowered;
	s4 =	sadd.s32 s4, s6;
	[dreg:$0x0] =	wrdreg $0x0  }
0xae: {  	s6 =	sshll.u32 s28, $0x1;
	[dreg:$0x2] =	wrdreg s4  }
0xaf: {  	[dreg:$0x3] =	wrdreg s6  }
0xb0: {  	[dreg:$0x4] =	wrdreg $0xC0  }
0xb1: {  	_ =	task [dreg:s8], $0x5FFFF  }
0xb2: {  	[dreg:$0x1] =	wrdreg $0xFFFFFFFF  }
0xb3: {  	[dreg:$0x0] =	wrdreg $0x60  }
0xb4: {  	[dreg:$0x2] =	wrdreg s16  }
0xb5: {  	[dreg:$0x3] =	wrdreg s17  }
0xb6: {  	[dreg:$0x4] =	wrdreg s24  }
0xb7: {  	[dreg:$0x5] =	wrdreg $0x9  }
0xb8: {  	_ =	task.clear_ibuf [dreg:s8], $0x6FFFF;
	_ =	strace $0x90000046  }
0xb9: {  	s29 =	simm.s32 $0x9;
	_ =	strace $0x80000048  }
0xba: {  	_ =	swait.ge [sflag:s29], $0x1  }
0xbb: {  	[sflag:s29] =	ssyncadd.s32 $0xFFFFFFFF  }
0xbc: {  	_ =	strace $0x90000048  }
0xbd: {  	_ =	sfence  }
0xbe: {  	s30 =	sld [smem:$0x0];
	_ =	sdelay $0x2  }
0xbf: {  	s31 =	sshll.u32 s1, $0xD;
	s1 =	sshrl.u32 s1, $0x2  }
0xc0: {  	s3 =	sand.u32 $0x4000, s31;
	s1 =	sadd.s32 s1, s30  }
0xc1: {  	s0 =	sor.u32 s3, s0;
	s1 =	sshll.u32 s1, $0x11  }
0xc2: {  	s0 =	sor.u32 s1, s0  }
0xc3: {  	s0 =	sadd.s32 $0x8F2B, s0  }
0xc4: {  	[sflag:s0] =	ssyncadd.remote.s32 $0x1  }
0xc5: {  	_ =	sfence.sel $0xFFFF  }
0xc6: {  	[dreg:$0x0] =	wrdreg $0xFFFFFFFF;
	(pc) =	sbr.abs _section_cstart, $3  }
0xc7: {  	[dreg:$0x1] =	wrdreg $0xFFFFFFFF  }
0xc8: {  	_ =	task.clear_ibuf [dreg:s8], $0x2FFFF;
	_ =	strace $0x9FFFFFFF  }
0xc9: {  	(tm) =	ssettm $0x7FFFFFFF  }
tec
execute0_lowered:
.L_overlay_start_1:
0x0: {  	(tag) =	ssettag $0x1  }
0x1: {  	s0 =	rddreg [dreg:$0x0]  }
0x2: {  	s1 =	srdreg.scid;
	s2 =	rddreg [dreg:$0x1]  }
0x3: {  	s3 =	stileid.u32;
	s4 =	rddreg [dreg:$0x2]  }
0x4: {  	s10 =	simm.s32 $0x400;
	s17 =	simm.s32 $0x1;
	s18 =	simm.s32 $0xC400  }
0x5: {  	s9 =	simm.s32 $0x12C00;
	s11 =	simm.s32 $0x13000;
	s12 =	simm.s32 $0x13800  }
0x6: {  	s13 =	simm.s32 $0x13C00;
	s14 =	simm.s32 $0x14400;
	s15 =	simm.s32 $0x14800  }
0x7: {  	s16 =	simm.s32 $0x15000;
	s19 =	simm.s32 $0x15400;
	s20 =	simm.s32 $0x15C00  }
0x8: {  	s21 =	simm.s32 $0x16000;
	s22 =	simm.s32 $0x16800;
	s23 =	simm.s32 $0x16C00  }
0x9: {  	s24 =	simm.s32 $0x17400;
	s25 =	simm.s32 $0x17800;
	s26 =	simm.s32 $0x18000  }
0xa: {  	s28 =	simm.s32 $0x2;
	s29 =	simm.s32 $0x3;
	s31 =	simm.s32 $0x0  }
0xb: {  	s1 =	sand.u32 $0x1, s1;
	s5 =	sshll.u32 s3, $0xB;
	s3 =	simm.s32 $0x0  }
0xc: {  	s4 =	sadd.s32 $0x3800, s4;
	s6 =	sshll.u32 s1, $0xA;
	[smem:$0x7FF] =	sst s3  }
0xd: {  	s1 =	ssub.s32 $0x2, s1;
	s5 =	sor.u32 s6, s5;
	_ =	strace $0x80000047  }
0xe: {  	s7 =	sshrl.u32 s1, $0x1;
	s6 =	sor.u32 $0x80, s5;
	s5 =	sshrl.u32 s5, $0x3  }
.Ltmp0:
0xf: {  	s1 =	ssub.s32 s1, s7;
	s6 =	sshrl.u32 s6, $0x3;
	(pc) =	sbr.rel .LBB2_1-.Ltmp0, $4  }
0x10: {  	s8 =	smul.u32 $0x180, s5;
	s0 =	sadd.s32 s0, s5;
	s5 =	sadd.s32 $0x100, s2  }
0x11: {  	v2 =	vlaneseq.u32;
	s30 =	smax.u32 s1, $0x1;
	s6 =	smul.u32 $0x180, s6;
	[dreg:$0x4] =	wrdreg s0  }
0x12: {  	vm0 =	vmmov $0xffff;
	vm1 =	vmmov $0xff;
	v1 =	vshrl.u32 v2, $0x3;
	[dreg:$0x5] =	wrdreg s30;
	s0 =	simm.s32 $0x11800;
	s8 =	sadd.s32 s8, s4  }
0x13: {  	v0 =	vand.u32 $0x7, v2;
	v2 =	vor.u32 $0x8, v2;
	v1 =	vmul.u32 $0x8, v1;
	s7 =	sadd.s32 s6, s4;
	s4 =	simm.s32 $0x12000;
	s6 =	simm.s32 $0x12400  }
.LBB2_5:
0x14: {  	s30 =	simm.s32 $0x4  }
0x15: {  	_ =	swait.ge [sflag:s30], $0xC000  }
0x16: {  	s31 =	rddreg [dreg:$0x6]  }
0x17: {  	s1 =	rddreg [dreg:$0x5];
	s31 =	sadd.s32 $0x1, s31  }
0x18: {  	p0 =	sne.s32 s31, s1  }
.Ltmp1:
0x19: {  	_ = 	snop;
	(pc) =	sbr.rel @!p0 .LBB2_6-.Ltmp1, $3  }
0x1a: {  	_ =	sdelay $0x1  }
0x1b: {  	[sflag:s30] =	ssyncset.done $0x0  }
0x1c: {  	[sflag:s30] =	ssyncadd.s32 $0xFFFF4000  }
.LBB2_1:
0x1d: {  	s1 =	rddreg [dreg:$0x4]  }
0x1e: {  	[tilespmem:s3], [sflag:$0x5] =	stream.linear.gather [hbm4b:s1+s3], $0x400, $0x38;
	[tilespmem:$0x18400] =	vst v63  }
0x1f: {  	[dreg:$0x6] =	wrdreg s31;
	s1 =	simm.s32 $0x5  }
0x20: {  	_ =	swait.ge [sflag:s1], $0x400  }
0x21: {  	[sflag:s1] =	ssyncset.done $0x0  }
0x22: {  	[sflag:s1] =	ssyncadd.s32 $0xFFFFFC00  }
0x23: {  	v3 =	vld [tilespmem:$0x0];
	_ =	sdelay $0x4  }
0x24: {  	v4 =	vshrl.u32 v3, $0x3  }
0x25: {  	v4 =	vmul.u32 $0x18, v4  }
0x26: {  	v3 =	vand.u32 $0x7, v3  }
0x27: {  	v3 =	vor.u32 v3, v4  }
0x28: {  	v4 =	vperm.xlane v3, v0;
	_ =	sdelay $0x1  }
0x29: {  	v4 =	vadd.s32 v1, v4;
	_ =	sdelay $0x1  }
0x2a: {  	v3 =	vperm.xlane v3, v2;
	_ =	sdelay $0x1  }
0x2b: {  	v3 =	vadd.s32 v1, v3  }
0x2c: {  	[tilespmem:s10], [sflag:$0x1] =	stream.indirect_vreg.gather [hbm4b:s2+s3], $0x80, v4, vm0, $0xb8;
	[tilespmem:$0x18400] =	vst v63  }
0x2d: {  	s1 =	simm.s32 $0xC00  }
0x2e: {  	[tilespmem:s1], [sflag:$0x1] =	stream.indirect_vreg.gather [hbm4b:s5+s3], $0x80, v4, vm1, $0xb8;
	[tilespmem:$0x18400] =	vst v63  }
0x2f: {  	s1 =	simm.s32 $0x1000  }
0x30: {  	[tilespmem:s1], [sflag:$0x1] =	stream.indirect_vreg.gather [hbm4b:s2+s3], $0x80, v3, vm0, $0xb8;
	[tilespmem:$0x18400] =	vst v63  }
0x31: {  	s1 =	simm.s32 $0x1800  }
0x32: {  	[tilespmem:s1], [sflag:$0x1] =	stream.indirect_vreg.gather [hbm4b:s5+s3], $0x80, v3, vm1, $0xb8;
	[tilespmem:$0x18400] =	vst v63  }
0x33: {  	v3 =	vld [tilespmem:$0x10];
	_ =	sdelay $0x4  }
0x34: {  	v57 =	vshrl.u32 v3, $0x3  }
0x35: {  	v4 =	vmul.u32 $0x18, v57  }
0x36: {  	v3 =	vand.u32 $0x7, v3  }
0x37: {  	v3 =	vor.u32 v3, v4  }
0x38: {  	v4 =	vperm.xlane v3, v0;
	_ =	sdelay $0x1  }
0x39: {  	v4 =	vadd.s32 v1, v4;
	_ =	sdelay $0x1  }
0x3a: {  	v3 =	vperm.xlane v3, v2;
	_ =	sdelay $0x1  }
0x3b: {  	s1 =	simm.s32 $0x1C00;
	v3 =	vadd.s32 v1, v3  }
0x3c: {  	[tilespmem:s1], [sflag:$0x1] =	stream.indirect_vreg.gather [hbm4b:s2+s3], $0x80, v4, vm0, $0xb8;
	[tilespmem:$0x18400] =	vst v63  }
0x3d: {  	s1 =	simm.s32 $0x2400  }
0x3e: {  	[tilespmem:s1], [sflag:$0x1] =	stream.indirect_vreg.gather [hbm4b:s5+s3], $0x80, v4, vm1, $0xb8;
	[tilespmem:$0x18400] =	vst v63  }
0x3f: {  	s1 =	simm.s32 $0x2800  }
0x40: {  	[tilespmem:s1], [sflag:$0x1] =	stream.indirect_vreg.gather [hbm4b:s2+s3], $0x80, v3, vm0, $0xb8;
	[tilespmem:$0x18400] =	vst v63  }
0x41: {  	s1 =	simm.s32 $0x3000  }
0x42: {  	[tilespmem:s1], [sflag:$0x1] =	stream.indirect_vreg.gather [hbm4b:s5+s3], $0x80, v3, vm1, $0xb8;
	[tilespmem:$0x18400] =	vst v63  }
0x43: {  	v3 =	vld [tilespmem:$0x20];
	_ =	sdelay $0x4  }
0x44: {  	v58 =	vshrl.u32 v3, $0x3  }
0x45: {  	v4 =	vmul.u32 $0x18, v58  }
0x46: {  	v3 =	vand.u32 $0x7, v3  }
0x47: {  	v3 =	vor.u32 v3, v4  }
0x48: {  	v4 =	vperm.xlane v3, v0;
	_ =	sdelay $0x1  }
0x49: {  	v4 =	vadd.s32 v1, v4;
	_ =	sdelay $0x1  }
0x4a: {  	v3 =	vperm.xlane v3, v2;
	_ =	sdelay $0x1  }
0x4b: {  	s1 =	simm.s32 $0x3400;
	v3 =	vadd.s32 v1, v3  }
0x4c: {  	[tilespmem:s1], [sflag:$0x1] =	stream.indirect_vreg.gather [hbm4b:s2+s3], $0x80, v4, vm0, $0xb8;
	[tilespmem:$0x18400] =	vst v63  }
0x4d: {  	s1 =	simm.s32 $0x3C00  }
0x4e: {  	[tilespmem:s1], [sflag:$0x1] =	stream.indirect_vreg.gather [hbm4b:s5+s3], $0x80, v4, vm1, $0xb8;
	[tilespmem:$0x18400] =	vst v63  }
0x4f: {  	s1 =	simm.s32 $0x4000  }
0x50: {  	[tilespmem:s1], [sflag:$0x1] =	stream.indirect_vreg.gather [hbm4b:s2+s3], $0x80, v3, vm0, $0xb8;
	[tilespmem:$0x18400] =	vst v63  }
0x51: {  	s1 =	simm.s32 $0x4800  }
0x52: {  	[tilespmem:s1], [sflag:$0x1] =	stream.indirect_vreg.gather [hbm4b:s5+s3], $0x80, v3, vm1, $0xb8;
	[tilespmem:$0x18400] =	vst v63  }
0x53: {  	v3 =	vld [tilespmem:$0x30];
	_ =	sdelay $0x4  }
0x54: {  	v59 =	vshrl.u32 v3, $0x3  }
0x55: {  	v4 =	vmul.u32 $0x18, v59  }
0x56: {  	v3 =	vand.u32 $0x7, v3  }
0x57: {  	v3 =	vor.u32 v3, v4  }
0x58: {  	v4 =	vperm.xlane v3, v0;
	_ =	sdelay $0x1  }
0x59: {  	v4 =	vadd.s32 v1, v4;
	_ =	sdelay $0x1  }
0x5a: {  	v3 =	vperm.xlane v3, v2;
	_ =	sdelay $0x1  }
0x5b: {  	s1 =	simm.s32 $0x4C00;
	v3 =	vadd.s32 v1, v3  }
0x5c: {  	[tilespmem:s1], [sflag:$0x1] =	stream.indirect_vreg.gather [hbm4b:s2+s3], $0x80, v4, vm0, $0xb8;
	[tilespmem:$0x18400] =	vst v63  }
0x5d: {  	s1 =	simm.s32 $0x5400  }
0x5e: {  	[tilespmem:s1], [sflag:$0x1] =	stream.indirect_vreg.gather [hbm4b:s5+s3], $0x80, v4, vm1, $0xb8;
	[tilespmem:$0x18400] =	vst v63  }
0x5f: {  	s1 =	simm.s32 $0x5800  }
0x60: {  	[tilespmem:s1], [sflag:$0x1] =	stream.indirect_vreg.gather [hbm4b:s2+s3], $0x80, v3, vm0, $0xb8;
	[tilespmem:$0x18400] =	vst v63  }
0x61: {  	s1 =	simm.s32 $0x6000  }
0x62: {  	[tilespmem:s1], [sflag:$0x1] =	stream.indirect_vreg.gather [hbm4b:s5+s3], $0x80, v3, vm1, $0xb8;
	[tilespmem:$0x18400] =	vst v63  }
0x63: {  	v3 =	vld [tilespmem:$0x40];
	_ =	sdelay $0x4  }
0x64: {  	v60 =	vshrl.u32 v3, $0x3  }
0x65: {  	v4 =	vmul.u32 $0x18, v60  }
0x66: {  	v3 =	vand.u32 $0x7, v3  }
0x67: {  	v3 =	vor.u32 v3, v4  }
0x68: {  	v4 =	vperm.xlane v3, v0;
	_ =	sdelay $0x1  }
0x69: {  	v4 =	vadd.s32 v1, v4;
	_ =	sdelay $0x1  }
0x6a: {  	v3 =	vperm.xlane v3, v2;
	_ =	sdelay $0x1  }
0x6b: {  	s1 =	simm.s32 $0x6400;
	v3 =	vadd.s32 v1, v3  }
0x6c: {  	[tilespmem:s1], [sflag:$0x1] =	stream.indirect_vreg.gather [hbm4b:s2+s3], $0x80, v4, vm0, $0xb8;
	[tilespmem:$0x18400] =	vst v63  }
0x6d: {  	s1 =	simm.s32 $0x6C00  }
0x6e: {  	[tilespmem:s1], [sflag:$0x1] =	stream.indirect_vreg.gather [hbm4b:s5+s3], $0x80, v4, vm1, $0xb8;
	[tilespmem:$0x18400] =	vst v63  }
0x6f: {  	s1 =	simm.s32 $0x7000  }
0x70: {  	[tilespmem:s1], [sflag:$0x1] =	stream.indirect_vreg.gather [hbm4b:s2+s3], $0x80, v3, vm0, $0xb8;
	[tilespmem:$0x18400] =	vst v63  }
0x71: {  	s1 =	simm.s32 $0x7800  }
0x72: {  	[tilespmem:s1], [sflag:$0x1] =	stream.indirect_vreg.gather [hbm4b:s5+s3], $0x80, v3, vm1, $0xb8;
	[tilespmem:$0x18400] =	vst v63  }
0x73: {  	v3 =	vld [tilespmem:$0x50];
	_ =	sdelay $0x4  }
0x74: {  	v61 =	vshrl.u32 v3, $0x3  }
0x75: {  	v4 =	vmul.u32 $0x18, v61  }
0x76: {  	v3 =	vand.u32 $0x7, v3  }
0x77: {  	v3 =	vor.u32 v3, v4  }
0x78: {  	v4 =	vperm.xlane v3, v0;
	_ =	sdelay $0x1  }
0x79: {  	v4 =	vadd.s32 v1, v4;
	_ =	sdelay $0x1  }
0x7a: {  	v3 =	vperm.xlane v3, v2;
	_ =	sdelay $0x1  }
0x7b: {  	s1 =	simm.s32 $0x7C00;
	v3 =	vadd.s32 v1, v3  }
0x7c: {  	[tilespmem:s1], [sflag:$0x1] =	stream.indirect_vreg.gather [hbm4b:s2+s3], $0x80, v4, vm0, $0xb8;
	[tilespmem:$0x18400] =	vst v63  }
0x7d: {  	s1 =	simm.s32 $0x8400  }
0x7e: {  	[tilespmem:s1], [sflag:$0x1] =	stream.indirect_vreg.gather [hbm4b:s5+s3], $0x80, v4, vm1, $0xb8;
	[tilespmem:$0x18400] =	vst v63  }
0x7f: {  	s1 =	simm.s32 $0x8800  }
0x80: {  	[tilespmem:s1], [sflag:$0x1] =	stream.indirect_vreg.gather [hbm4b:s2+s3], $0x80, v3, vm0, $0xb8;
	[tilespmem:$0x18400] =	vst v63  }
0x81: {  	s1 =	simm.s32 $0x9000  }
0x82: {  	[tilespmem:s1], [sflag:$0x1] =	stream.indirect_vreg.gather [hbm4b:s5+s3], $0x80, v3, vm1, $0xb8;
	[tilespmem:$0x18400] =	vst v63  }
0x83: {  	v3 =	vld [tilespmem:$0x60];
	_ =	sdelay $0x4  }
0x84: {  	v62 =	vshrl.u32 v3, $0x3  }
0x85: {  	v4 =	vmul.u32 $0x18, v62  }
0x86: {  	v3 =	vand.u32 $0x7, v3  }
0x87: {  	v3 =	vor.u32 v3, v4  }
0x88: {  	v4 =	vperm.xlane v3, v0;
	_ =	sdelay $0x1  }
0x89: {  	v4 =	vadd.s32 v1, v4;
	_ =	sdelay $0x1  }
0x8a: {  	v3 =	vperm.xlane v3, v2;
	_ =	sdelay $0x1  }
0x8b: {  	s1 =	simm.s32 $0x9400;
	v3 =	vadd.s32 v1, v3  }
0x8c: {  	[tilespmem:s1], [sflag:$0x1] =	stream.indirect_vreg.gather [hbm4b:s2+s3], $0x80, v4, vm0, $0xb8;
	[tilespmem:$0x18400] =	vst v63  }
0x8d: {  	s1 =	simm.s32 $0x9C00  }
0x8e: {  	[tilespmem:s1], [sflag:$0x1] =	stream.indirect_vreg.gather [hbm4b:s5+s3], $0x80, v4, vm1, $0xb8;
	[tilespmem:$0x18400] =	vst v63  }
0x8f: {  	s1 =	simm.s32 $0xA000  }
0x90: {  	[tilespmem:s1], [sflag:$0x1] =	stream.indirect_vreg.gather [hbm4b:s2+s3], $0x80, v3, vm0, $0xb8;
	[tilespmem:$0x18400] =	vst v63  }
0x91: {  	s1 =	simm.s32 $0xA800  }
0x92: {  	[tilespmem:s1], [sflag:$0x1] =	stream.indirect_vreg.gather [hbm4b:s5+s3], $0x80, v3, vm1, $0xb8;
	[tilespmem:$0x18400] =	vst v63  }
0x93: {  	v3 =	vld [tilespmem:$0x70];
	_ =	sdelay $0x4  }
0x94: {  	v63 =	vshrl.u32 v3, $0x3  }
0x95: {  	v4 =	vmul.u32 $0x18, v63  }
0x96: {  	v3 =	vand.u32 $0x7, v3  }
0x97: {  	v3 =	vor.u32 v3, v4  }
0x98: {  	v4 =	vperm.xlane v3, v0;
	_ =	sdelay $0x1  }
0x99: {  	v4 =	vadd.s32 v1, v4;
	_ =	sdelay $0x2  }
0x9a: {  	v3 =	vperm.xlane v3, v2  }
0x9b: {  	s1 =	simm.s32 $0xAC00  }
0x9c: {  	v3 =	vadd.s32 v1, v3;
	[tilespmem:s1], [sflag:$0x1] =	stream.indirect_vreg.gather [hbm4b:s2+s3], $0x80, v4, vm0, $0xb8;
	[tilespmem:$0x18400] =	vst v63  }
0x9d: {  	s1 =	simm.s32 $0xB400  }
0x9e: {  	[tilespmem:s1], [sflag:$0x1] =	stream.indirect_vreg.gather [hbm4b:s5+s3], $0x80, v4, vm1, $0xb8;
	[tilespmem:$0x18400] =	vst v63  }
.Ltmp2:
0x9f: {  	_ = 	snop;
	(pc) =	sbr.rel .LBB2_2-.Ltmp2, $4  }
0xa0: {  	s1 =	simm.s32 $0xB800  }
0xa1: {  	[tilespmem:s1], [sflag:$0x1] =	stream.indirect_vreg.gather [hbm4b:s2+s3], $0x80, v3, vm0, $0xb8;
	[tilespmem:$0x18400] =	vst v63  }
0xa2: {  	s30 =	simm.s32 $0xC0;
	s31 =	simm.s32 $0x0;
	s1 =	simm.s32 $0xC000  }
0xa3: {  	[tilespmem:s1], [sflag:$0x1] =	stream.indirect_vreg.gather [hbm4b:s5+s3], $0x80, v3, vm1, $0xb8;
	[tilespmem:$0x18400] =	vst v63  }
.LBB2_4:
0xa4: {  	s1 =	sadd.s32 s31, s7;
	s31 =	sadd.s32 $0x3000, s31  }
0xa5: {  	p0 =	sne.s32 s31, $0xC000  }
.Ltmp3:
0xa6: {  	_ = 	snop;
	(pc) =	sbr.rel @!p0 .LBB2_5-.Ltmp3, $3  }
0xa7: {  	_ =	sdelay $0x1  }
0xa8: {  	s30 =	sadd.s32 $0x100, s30  }
0xa9: {  	[hbm4b:s1+s3] =	stream.linear.scatter [tilespmem:s18], [sflag:$0x4], $0xC000, $0x38;
	[tilespmem:$0x18400] =	vst v63  }
.LBB2_2:
0xaa: {  	_ =	swait.ge [sflag:s17], $0xC000  }
0xab: {  	p0 =	seq.s32 s31, $0x0;
	[sflag:s17] =	ssyncset.done $0x0  }
0xac: {  	s1 =	simm.s32 @!p0 $0x4;
	[sflag:s17] =	ssyncadd.s32 $0xFFFF4000  }
0xad: {  	_ =	swait.ge @!p0 [sflag:s1], $0xC000  }
0xae: {  	[sflag:s1] =	ssyncset.done @!p0 $0x0  }
0xaf: {  	[sflag:s1] =	ssyncadd.s32 @!p0 $0xFFFF4000  }
0xb0: {  	v3 =	vld [tilespmem:s30+$0xFFFFFFC0];
	_ =	sdelay $0x4  }
0xb1: {  	v4 =	vshrl.u32 v3, $0x3  }
0xb2: {  	v4 =	vmul.u32 $0x18, v4  }
0xb3: {  	v3 =	vand.u32 $0x7, v3  }
0xb4: {  	v3 =	vor.u32 v3, v4  }
0xb5: {  	v4 =	vperm.xlane v3, v0;
	_ =	sdelay $0x1  }
0xb6: {  	v4 =	vadd.s32 v1, v4;
	_ =	sdelay $0x1  }
0xb7: {  	v3 =	vperm.xlane v3, v2;
	_ =	sdelay $0x1  }
0xb8: {  	v3 =	vadd.s32 v1, v3  }
0xb9: {  	[tilespmem:s18], [sflag:$0x2] =	stream.indirect_vreg.gather [hbm4b:s2+s3], $0x80, v4, vm0, $0xb8;
	[tilespmem:$0x18400] =	vst v63  }
0xba: {  	s1 =	simm.s32 $0xCC00  }
0xbb: {  	[tilespmem:s1], [sflag:$0x2] =	stream.indirect_vreg.gather [hbm4b:s5+s3], $0x80, v4, vm1, $0xb8;
	[tilespmem:$0x18400] =	vst v63  }
0xbc: {  	s1 =	simm.s32 $0xD000  }
0xbd: {  	[tilespmem:s1], [sflag:$0x2] =	stream.indirect_vreg.gather [hbm4b:s2+s3], $0x80, v3, vm0, $0xb8;
	[tilespmem:$0x18400] =	vst v63  }
0xbe: {  	s1 =	simm.s32 $0xD800  }
0xbf: {  	[tilespmem:s1], [sflag:$0x2] =	stream.indirect_vreg.gather [hbm4b:s5+s3], $0x80, v3, vm1, $0xb8;
	[tilespmem:$0x18400] =	vst v63  }
0xc0: {  	v3 =	vld [tilespmem:s30+$0xFFFFFFD0];
	_ =	sdelay $0x4  }
0xc1: {  	v57 =	vshrl.u32 v3, $0x3  }
0xc2: {  	v4 =	vmul.u32 $0x18, v57  }
0xc3: {  	v3 =	vand.u32 $0x7, v3  }
0xc4: {  	v3 =	vor.u32 v3, v4  }
0xc5: {  	v4 =	vperm.xlane v3, v0;
	_ =	sdelay $0x1  }
0xc6: {  	v4 =	vadd.s32 v1, v4;
	_ =	sdelay $0x1  }
0xc7: {  	v3 =	vperm.xlane v3, v2;
	_ =	sdelay $0x1  }
0xc8: {  	s1 =	simm.s32 $0xDC00;
	v3 =	vadd.s32 v1, v3  }
0xc9: {  	[tilespmem:s1], [sflag:$0x2] =	stream.indirect_vreg.gather [hbm4b:s2+s3], $0x80, v4, vm0, $0xb8;
	[tilespmem:$0x18400] =	vst v63  }
0xca: {  	s1 =	simm.s32 $0xE400  }
0xcb: {  	[tilespmem:s1], [sflag:$0x2] =	stream.indirect_vreg.gather [hbm4b:s5+s3], $0x80, v4, vm1, $0xb8;
	[tilespmem:$0x18400] =	vst v63  }
0xcc: {  	s1 =	simm.s32 $0xE800  }
0xcd: {  	[tilespmem:s1], [sflag:$0x2] =	stream.indirect_vreg.gather [hbm4b:s2+s3], $0x80, v3, vm0, $0xb8;
	[tilespmem:$0x18400] =	vst v63  }
0xce: {  	s1 =	simm.s32 $0xF000  }
0xcf: {  	[tilespmem:s1], [sflag:$0x2] =	stream.indirect_vreg.gather [hbm4b:s5+s3], $0x80, v3, vm1, $0xb8;
	[tilespmem:$0x18400] =	vst v63  }
0xd0: {  	v3 =	vld [tilespmem:s30+$0xFFFFFFE0];
	_ =	sdelay $0x4  }
0xd1: {  	v58 =	vshrl.u32 v3, $0x3  }
0xd2: {  	v4 =	vmul.u32 $0x18, v58  }
0xd3: {  	v3 =	vand.u32 $0x7, v3  }
0xd4: {  	v3 =	vor.u32 v3, v4  }
0xd5: {  	v4 =	vperm.xlane v3, v0;
	_ =	sdelay $0x1  }
0xd6: {  	v4 =	vadd.s32 v1, v4;
	_ =	sdelay $0x1  }
0xd7: {  	v3 =	vperm.xlane v3, v2;
	_ =	sdelay $0x1  }
0xd8: {  	s1 =	simm.s32 $0xF400;
	v3 =	vadd.s32 v1, v3  }
0xd9: {  	[tilespmem:s1], [sflag:$0x2] =	stream.indirect_vreg.gather [hbm4b:s2+s3], $0x80, v4, vm0, $0xb8;
	[tilespmem:$0x18400] =	vst v63  }
0xda: {  	s1 =	simm.s32 $0xFC00  }
0xdb: {  	[tilespmem:s1], [sflag:$0x2] =	stream.indirect_vreg.gather [hbm4b:s5+s3], $0x80, v4, vm1, $0xb8;
	[tilespmem:$0x18400] =	vst v63  }
0xdc: {  	s1 =	simm.s32 $0x10000  }
0xdd: {  	[tilespmem:s1], [sflag:$0x2] =	stream.indirect_vreg.gather [hbm4b:s2+s3], $0x80, v3, vm0, $0xb8;
	[tilespmem:$0x18400] =	vst v63  }
0xde: {  	s1 =	simm.s32 $0x10800  }
0xdf: {  	[tilespmem:s1], [sflag:$0x2] =	stream.indirect_vreg.gather [hbm4b:s5+s3], $0x80, v3, vm1, $0xb8;
	[tilespmem:$0x18400] =	vst v63  }
0xe0: {  	v3 =	vld [tilespmem:s30+$0xFFFFFFF0];
	_ =	sdelay $0x4  }
0xe1: {  	v59 =	vshrl.u32 v3, $0x3  }
0xe2: {  	v4 =	vmul.u32 $0x18, v59  }
0xe3: {  	v3 =	vand.u32 $0x7, v3  }
0xe4: {  	v3 =	vor.u32 v3, v4  }
0xe5: {  	v4 =	vperm.xlane v3, v0;
	_ =	sdelay $0x1  }
0xe6: {  	v4 =	vadd.s32 v1, v4;
	_ =	sdelay $0x1  }
0xe7: {  	v3 =	vperm.xlane v3, v2;
	_ =	sdelay $0x1  }
0xe8: {  	s1 =	simm.s32 $0x10C00;
	v3 =	vadd.s32 v1, v3  }
0xe9: {  	[tilespmem:s1], [sflag:$0x2] =	stream.indirect_vreg.gather [hbm4b:s2+s3], $0x80, v4, vm0, $0xb8;
	[tilespmem:$0x18400] =	vst v63  }
0xea: {  	s1 =	simm.s32 $0x11400  }
0xeb: {  	[tilespmem:s1], [sflag:$0x2] =	stream.indirect_vreg.gather [hbm4b:s5+s3], $0x80, v4, vm1, $0xb8;
	[tilespmem:$0x18400] =	vst v63  }
0xec: {  	_ = 	snop  }
0xed: {  	[tilespmem:s0], [sflag:$0x2] =	stream.indirect_vreg.gather [hbm4b:s2+s3], $0x80, v3, vm0, $0xb8;
	[tilespmem:$0x18400] =	vst v63  }
0xee: {  	_ = 	snop  }
0xef: {  	[tilespmem:s4], [sflag:$0x2] =	stream.indirect_vreg.gather [hbm4b:s5+s3], $0x80, v3, vm1, $0xb8;
	[tilespmem:$0x18400] =	vst v63  }
0xf0: {  	v3 =	vld [tilespmem:s30+$0x0];
	_ =	sdelay $0x4  }
0xf1: {  	v60 =	vshrl.u32 v3, $0x3  }
0xf2: {  	v4 =	vmul.u32 $0x18, v60  }
0xf3: {  	v3 =	vand.u32 $0x7, v3  }
0xf4: {  	v3 =	vor.u32 v3, v4  }
0xf5: {  	v4 =	vperm.xlane v3, v0;
	_ =	sdelay $0x1  }
0xf6: {  	v4 =	vadd.s32 v1, v4;
	_ =	sdelay $0x1  }
0xf7: {  	v3 =	vperm.xlane v3, v2;
	_ =	sdelay $0x1  }
0xf8: {  	v3 =	vadd.s32 v1, v3  }
0xf9: {  	[tilespmem:s6], [sflag:$0x2] =	stream.indirect_vreg.gather [hbm4b:s2+s3], $0x80, v4, vm0, $0xb8;
	[tilespmem:$0x18400] =	vst v63  }
0xfa: {  	_ = 	snop  }
0xfb: {  	[tilespmem:s9], [sflag:$0x2] =	stream.indirect_vreg.gather [hbm4b:s5+s3], $0x80, v4, vm1, $0xb8;
	[tilespmem:$0x18400] =	vst v63  }
0xfc: {  	_ = 	snop  }
0xfd: {  	[tilespmem:s11], [sflag:$0x2] =	stream.indirect_vreg.gather [hbm4b:s2+s3], $0x80, v3, vm0, $0xb8;
	[tilespmem:$0x18400] =	vst v63  }
0xfe: {  	_ = 	snop  }
0xff: {  	[tilespmem:s12], [sflag:$0x2] =	stream.indirect_vreg.gather [hbm4b:s5+s3], $0x80, v3, vm1, $0xb8;
	[tilespmem:$0x18400] =	vst v63  }
0x100: {  	v3 =	vld [tilespmem:s30+$0x10];
	_ =	sdelay $0x4  }
0x101: {  	v61 =	vshrl.u32 v3, $0x3  }
0x102: {  	v4 =	vmul.u32 $0x18, v61  }
0x103: {  	v3 =	vand.u32 $0x7, v3  }
0x104: {  	v3 =	vor.u32 v3, v4  }
0x105: {  	v4 =	vperm.xlane v3, v0;
	_ =	sdelay $0x1  }
0x106: {  	v4 =	vadd.s32 v1, v4;
	_ =	sdelay $0x1  }
0x107: {  	v3 =	vperm.xlane v3, v2;
	_ =	sdelay $0x1  }
0x108: {  	v3 =	vadd.s32 v1, v3  }
0x109: {  	[tilespmem:s13], [sflag:$0x2] =	stream.indirect_vreg.gather [hbm4b:s2+s3], $0x80, v4, vm0, $0xb8;
	[tilespmem:$0x18400] =	vst v63  }
0x10a: {  	_ = 	snop  }
0x10b: {  	[tilespmem:s14], [sflag:$0x2] =	stream.indirect_vreg.gather [hbm4b:s5+s3], $0x80, v4, vm1, $0xb8;
	[tilespmem:$0x18400] =	vst v63  }
0x10c: {  	_ = 	snop  }
0x10d: {  	[tilespmem:s15], [sflag:$0x2] =	stream.indirect_vreg.gather [hbm4b:s2+s3], $0x80, v3, vm0, $0xb8;
	[tilespmem:$0x18400] =	vst v63  }
0x10e: {  	_ = 	snop  }
0x10f: {  	[tilespmem:s16], [sflag:$0x2] =	stream.indirect_vreg.gather [hbm4b:s5+s3], $0x80, v3, vm1, $0xb8;
	[tilespmem:$0x18400] =	vst v63  }
0x110: {  	v3 =	vld [tilespmem:s30+$0x20];
	_ =	sdelay $0x4  }
0x111: {  	v62 =	vshrl.u32 v3, $0x3  }
0x112: {  	v4 =	vmul.u32 $0x18, v62  }
0x113: {  	v3 =	vand.u32 $0x7, v3  }
0x114: {  	v3 =	vor.u32 v3, v4  }
0x115: {  	v4 =	vperm.xlane v3, v0;
	_ =	sdelay $0x1  }
0x116: {  	v4 =	vadd.s32 v1, v4;
	_ =	sdelay $0x1  }
0x117: {  	v3 =	vperm.xlane v3, v2;
	_ =	sdelay $0x1  }
0x118: {  	v3 =	vadd.s32 v1, v3  }
0x119: {  	[tilespmem:s19], [sflag:$0x2] =	stream.indirect_vreg.gather [hbm4b:s2+s3], $0x80, v4, vm0, $0xb8;
	[tilespmem:$0x18400] =	vst v63  }
0x11a: {  	_ = 	snop  }
0x11b: {  	[tilespmem:s20], [sflag:$0x2] =	stream.indirect_vreg.gather [hbm4b:s5+s3], $0x80, v4, vm1, $0xb8;
	[tilespmem:$0x18400] =	vst v63  }
0x11c: {  	_ = 	snop  }
0x11d: {  	[tilespmem:s21], [sflag:$0x2] =	stream.indirect_vreg.gather [hbm4b:s2+s3], $0x80, v3, vm0, $0xb8;
	[tilespmem:$0x18400] =	vst v63  }
0x11e: {  	_ = 	snop  }
0x11f: {  	[tilespmem:s22], [sflag:$0x2] =	stream.indirect_vreg.gather [hbm4b:s5+s3], $0x80, v3, vm1, $0xb8;
	[tilespmem:$0x18400] =	vst v63  }
0x120: {  	v3 =	vld [tilespmem:s30+$0x30];
	_ =	sdelay $0x4  }
0x121: {  	v63 =	vshrl.u32 v3, $0x3  }
0x122: {  	v4 =	vmul.u32 $0x18, v63  }
0x123: {  	v3 =	vand.u32 $0x7, v3  }
0x124: {  	v3 =	vor.u32 v3, v4  }
0x125: {  	v4 =	vperm.xlane v3, v0;
	_ =	sdelay $0x1  }
0x126: {  	v4 =	vadd.s32 v1, v4;
	_ =	sdelay $0x1  }
0x127: {  	v3 =	vperm.xlane v3, v2;
	_ =	sdelay $0x1  }
0x128: {  	v3 =	vadd.s32 v1, v3  }
0x129: {  	[tilespmem:s23], [sflag:$0x2] =	stream.indirect_vreg.gather [hbm4b:s2+s3], $0x80, v4, vm0, $0xb8;
	[tilespmem:$0x18400] =	vst v63  }
0x12a: {  	_ = 	snop  }
0x12b: {  	[tilespmem:s24], [sflag:$0x2] =	stream.indirect_vreg.gather [hbm4b:s5+s3], $0x80, v4, vm1, $0xb8;
	[tilespmem:$0x18400] =	vst v63  }
0x12c: {  	_ = 	snop  }
0x12d: {  	[tilespmem:s25], [sflag:$0x2] =	stream.indirect_vreg.gather [hbm4b:s2+s3], $0x80, v3, vm0, $0xb8;
	[tilespmem:$0x18400] =	vst v63  }
0x12e: {  	_ = 	snop  }
0x12f: {  	[tilespmem:s26], [sflag:$0x2] =	stream.indirect_vreg.gather [hbm4b:s5+s3], $0x80, v3, vm1, $0xb8;
	[tilespmem:$0x18400] =	vst v63  }
0x130: {  	s1 =	sadd.s32 s31, s8  }
0x131: {  	[hbm4b:s1+s3] =	stream.linear.scatter [tilespmem:s10], [sflag:$0x3], $0xC000, $0x38;
	[tilespmem:$0x18400] =	vst v63  }
0x132: {  	p0 =	seq.s32 s31, $0x9000;
	_ =	swait.ge [sflag:s28], $0xC000  }
.Ltmp4:
0x133: {  	[sflag:s28] =	ssyncset.done $0x0;
	(pc) =	sbr.rel @p0 .LBB2_4-.Ltmp4, $4  }
0x134: {  	[sflag:s28] =	ssyncadd.s32 $0xFFFF4000  }
0x135: {  	_ =	swait.ge [sflag:s29], $0xC000  }
0x136: {  	[sflag:s29] =	ssyncset.done $0x0  }
0x137: {  	[sflag:s29] =	ssyncadd.s32 $0xFFFF4000  }
0x138: {  	v3 =	vld [tilespmem:s30+$0x40];
	_ =	sdelay $0x4  }
0x139: {  	v4 =	vshrl.u32 v3, $0x3  }
0x13a: {  	v4 =	vmul.u32 $0x18, v4  }
0x13b: {  	v3 =	vand.u32 $0x7, v3  }
0x13c: {  	v3 =	vor.u32 v3, v4  }
0x13d: {  	v4 =	vperm.xlane v3, v0;
	_ =	sdelay $0x1  }
0x13e: {  	v4 =	vadd.s32 v1, v4;
	_ =	sdelay $0x1  }
0x13f: {  	v3 =	vperm.xlane v3, v2;
	_ =	sdelay $0x1  }
0x140: {  	v3 =	vadd.s32 v1, v3  }
0x141: {  	[tilespmem:s10], [sflag:$0x1] =	stream.indirect_vreg.gather [hbm4b:s2+s3], $0x80, v4, vm0, $0xb8;
	[tilespmem:$0x18400] =	vst v63  }
0x142: {  	s1 =	simm.s32 $0xC00  }
0x143: {  	[tilespmem:s1], [sflag:$0x1] =	stream.indirect_vreg.gather [hbm4b:s5+s3], $0x80, v4, vm1, $0xb8;
	[tilespmem:$0x18400] =	vst v63  }
0x144: {  	s1 =	simm.s32 $0x1000  }
0x145: {  	[tilespmem:s1], [sflag:$0x1] =	stream.indirect_vreg.gather [hbm4b:s2+s3], $0x80, v3, vm0, $0xb8;
	[tilespmem:$0x18400] =	vst v63  }
0x146: {  	s1 =	simm.s32 $0x1800  }
0x147: {  	[tilespmem:s1], [sflag:$0x1] =	stream.indirect_vreg.gather [hbm4b:s5+s3], $0x80, v3, vm1, $0xb8;
	[tilespmem:$0x18400] =	vst v63  }
0x148: {  	v3 =	vld [tilespmem:s30+$0x50];
	_ =	sdelay $0x4  }
0x149: {  	v57 =	vshrl.u32 v3, $0x3  }
0x14a: {  	v4 =	vmul.u32 $0x18, v57  }
0x14b: {  	v3 =	vand.u32 $0x7, v3  }
0x14c: {  	v3 =	vor.u32 v3, v4  }
0x14d: {  	v4 =	vperm.xlane v3, v0;
	_ =	sdelay $0x1  }
0x14e: {  	v4 =	vadd.s32 v1, v4;
	_ =	sdelay $0x1  }
0x14f: {  	v3 =	vperm.xlane v3, v2;
	_ =	sdelay $0x1  }
0x150: {  	s1 =	simm.s32 $0x1C00;
	v3 =	vadd.s32 v1, v3  }
0x151: {  	[tilespmem:s1], [sflag:$0x1] =	stream.indirect_vreg.gather [hbm4b:s2+s3], $0x80, v4, vm0, $0xb8;
	[tilespmem:$0x18400] =	vst v63  }
0x152: {  	s1 =	simm.s32 $0x2400  }
0x153: {  	[tilespmem:s1], [sflag:$0x1] =	stream.indirect_vreg.gather [hbm4b:s5+s3], $0x80, v4, vm1, $0xb8;
	[tilespmem:$0x18400] =	vst v63  }
0x154: {  	s1 =	simm.s32 $0x2800  }
0x155: {  	[tilespmem:s1], [sflag:$0x1] =	stream.indirect_vreg.gather [hbm4b:s2+s3], $0x80, v3, vm0, $0xb8;
	[tilespmem:$0x18400] =	vst v63  }
0x156: {  	s1 =	simm.s32 $0x3000  }
0x157: {  	[tilespmem:s1], [sflag:$0x1] =	stream.indirect_vreg.gather [hbm4b:s5+s3], $0x80, v3, vm1, $0xb8;
	[tilespmem:$0x18400] =	vst v63  }
0x158: {  	v3 =	vld [tilespmem:s30+$0x60];
	_ =	sdelay $0x4  }
0x159: {  	v58 =	vshrl.u32 v3, $0x3  }
0x15a: {  	v4 =	vmul.u32 $0x18, v58  }
0x15b: {  	v3 =	vand.u32 $0x7, v3  }
0x15c: {  	v3 =	vor.u32 v3, v4  }
0x15d: {  	v4 =	vperm.xlane v3, v0;
	_ =	sdelay $0x1  }
0x15e: {  	v4 =	vadd.s32 v1, v4;
	_ =	sdelay $0x1  }
0x15f: {  	v3 =	vperm.xlane v3, v2;
	_ =	sdelay $0x1  }
0x160: {  	s1 =	simm.s32 $0x3400;
	v3 =	vadd.s32 v1, v3  }
0x161: {  	[tilespmem:s1], [sflag:$0x1] =	stream.indirect_vreg.gather [hbm4b:s2+s3], $0x80, v4, vm0, $0xb8;
	[tilespmem:$0x18400] =	vst v63  }
0x162: {  	s1 =	simm.s32 $0x3C00  }
0x163: {  	[tilespmem:s1], [sflag:$0x1] =	stream.indirect_vreg.gather [hbm4b:s5+s3], $0x80, v4, vm1, $0xb8;
	[tilespmem:$0x18400] =	vst v63  }
0x164: {  	s1 =	simm.s32 $0x4000  }
0x165: {  	[tilespmem:s1], [sflag:$0x1] =	stream.indirect_vreg.gather [hbm4b:s2+s3], $0x80, v3, vm0, $0xb8;
	[tilespmem:$0x18400] =	vst v63  }
0x166: {  	s1 =	simm.s32 $0x4800  }
0x167: {  	[tilespmem:s1], [sflag:$0x1] =	stream.indirect_vreg.gather [hbm4b:s5+s3], $0x80, v3, vm1, $0xb8;
	[tilespmem:$0x18400] =	vst v63  }
0x168: {  	v3 =	vld [tilespmem:s30+$0x70];
	_ =	sdelay $0x4  }
0x169: {  	v59 =	vshrl.u32 v3, $0x3  }
0x16a: {  	v4 =	vmul.u32 $0x18, v59  }
0x16b: {  	v3 =	vand.u32 $0x7, v3  }
0x16c: {  	v3 =	vor.u32 v3, v4  }
0x16d: {  	v4 =	vperm.xlane v3, v0;
	_ =	sdelay $0x1  }
0x16e: {  	v4 =	vadd.s32 v1, v4;
	_ =	sdelay $0x1  }
0x16f: {  	v3 =	vperm.xlane v3, v2;
	_ =	sdelay $0x1  }
0x170: {  	s1 =	simm.s32 $0x4C00;
	v3 =	vadd.s32 v1, v3  }
0x171: {  	[tilespmem:s1], [sflag:$0x1] =	stream.indirect_vreg.gather [hbm4b:s2+s3], $0x80, v4, vm0, $0xb8;
	[tilespmem:$0x18400] =	vst v63  }
0x172: {  	s1 =	simm.s32 $0x5400  }
0x173: {  	[tilespmem:s1], [sflag:$0x1] =	stream.indirect_vreg.gather [hbm4b:s5+s3], $0x80, v4, vm1, $0xb8;
	[tilespmem:$0x18400] =	vst v63  }
0x174: {  	s1 =	simm.s32 $0x5800  }
0x175: {  	[tilespmem:s1], [sflag:$0x1] =	stream.indirect_vreg.gather [hbm4b:s2+s3], $0x80, v3, vm0, $0xb8;
	[tilespmem:$0x18400] =	vst v63  }
0x176: {  	s1 =	simm.s32 $0x6000  }
0x177: {  	[tilespmem:s1], [sflag:$0x1] =	stream.indirect_vreg.gather [hbm4b:s5+s3], $0x80, v3, vm1, $0xb8;
	[tilespmem:$0x18400] =	vst v63  }
0x178: {  	v3 =	vld [tilespmem:s30+$0x80];
	_ =	sdelay $0x4  }
0x179: {  	v60 =	vshrl.u32 v3, $0x3  }
0x17a: {  	v4 =	vmul.u32 $0x18, v60  }
0x17b: {  	v3 =	vand.u32 $0x7, v3  }
0x17c: {  	v3 =	vor.u32 v3, v4  }
0x17d: {  	v4 =	vperm.xlane v3, v0;
	_ =	sdelay $0x1  }
0x17e: {  	v4 =	vadd.s32 v1, v4;
	_ =	sdelay $0x1  }
0x17f: {  	v3 =	vperm.xlane v3, v2;
	_ =	sdelay $0x1  }
0x180: {  	s1 =	simm.s32 $0x6400;
	v3 =	vadd.s32 v1, v3  }
0x181: {  	[tilespmem:s1], [sflag:$0x1] =	stream.indirect_vreg.gather [hbm4b:s2+s3], $0x80, v4, vm0, $0xb8;
	[tilespmem:$0x18400] =	vst v63  }
0x182: {  	s1 =	simm.s32 $0x6C00  }
0x183: {  	[tilespmem:s1], [sflag:$0x1] =	stream.indirect_vreg.gather [hbm4b:s5+s3], $0x80, v4, vm1, $0xb8;
	[tilespmem:$0x18400] =	vst v63  }
0x184: {  	s1 =	simm.s32 $0x7000  }
0x185: {  	[tilespmem:s1], [sflag:$0x1] =	stream.indirect_vreg.gather [hbm4b:s2+s3], $0x80, v3, vm0, $0xb8;
	[tilespmem:$0x18400] =	vst v63  }
0x186: {  	s1 =	simm.s32 $0x7800  }
0x187: {  	[tilespmem:s1], [sflag:$0x1] =	stream.indirect_vreg.gather [hbm4b:s5+s3], $0x80, v3, vm1, $0xb8;
	[tilespmem:$0x18400] =	vst v63  }
0x188: {  	v3 =	vld [tilespmem:s30+$0x90];
	_ =	sdelay $0x4  }
0x189: {  	v61 =	vshrl.u32 v3, $0x3  }
0x18a: {  	v4 =	vmul.u32 $0x18, v61  }
0x18b: {  	v3 =	vand.u32 $0x7, v3  }
0x18c: {  	v3 =	vor.u32 v3, v4  }
0x18d: {  	v4 =	vperm.xlane v3, v0;
	_ =	sdelay $0x1  }
0x18e: {  	v4 =	vadd.s32 v1, v4;
	_ =	sdelay $0x1  }
0x18f: {  	v3 =	vperm.xlane v3, v2;
	_ =	sdelay $0x1  }
0x190: {  	s1 =	simm.s32 $0x7C00;
	v3 =	vadd.s32 v1, v3  }
0x191: {  	[tilespmem:s1], [sflag:$0x1] =	stream.indirect_vreg.gather [hbm4b:s2+s3], $0x80, v4, vm0, $0xb8;
	[tilespmem:$0x18400] =	vst v63  }
0x192: {  	s1 =	simm.s32 $0x8400  }
0x193: {  	[tilespmem:s1], [sflag:$0x1] =	stream.indirect_vreg.gather [hbm4b:s5+s3], $0x80, v4, vm1, $0xb8;
	[tilespmem:$0x18400] =	vst v63  }
0x194: {  	s1 =	simm.s32 $0x8800  }
0x195: {  	[tilespmem:s1], [sflag:$0x1] =	stream.indirect_vreg.gather [hbm4b:s2+s3], $0x80, v3, vm0, $0xb8;
	[tilespmem:$0x18400] =	vst v63  }
0x196: {  	s1 =	simm.s32 $0x9000  }
0x197: {  	[tilespmem:s1], [sflag:$0x1] =	stream.indirect_vreg.gather [hbm4b:s5+s3], $0x80, v3, vm1, $0xb8;
	[tilespmem:$0x18400] =	vst v63  }
0x198: {  	v3 =	vld [tilespmem:s30+$0xA0];
	_ =	sdelay $0x4  }
0x199: {  	v62 =	vshrl.u32 v3, $0x3  }
0x19a: {  	v4 =	vmul.u32 $0x18, v62  }
0x19b: {  	v3 =	vand.u32 $0x7, v3  }
0x19c: {  	v3 =	vor.u32 v3, v4  }
0x19d: {  	v4 =	vperm.xlane v3, v0;
	_ =	sdelay $0x1  }
0x19e: {  	v4 =	vadd.s32 v1, v4;
	_ =	sdelay $0x1  }
0x19f: {  	v3 =	vperm.xlane v3, v2;
	_ =	sdelay $0x1  }
0x1a0: {  	s1 =	simm.s32 $0x9400;
	v3 =	vadd.s32 v1, v3  }
0x1a1: {  	[tilespmem:s1], [sflag:$0x1] =	stream.indirect_vreg.gather [hbm4b:s2+s3], $0x80, v4, vm0, $0xb8;
	[tilespmem:$0x18400] =	vst v63  }
0x1a2: {  	s1 =	simm.s32 $0x9C00  }
0x1a3: {  	[tilespmem:s1], [sflag:$0x1] =	stream.indirect_vreg.gather [hbm4b:s5+s3], $0x80, v4, vm1, $0xb8;
	[tilespmem:$0x18400] =	vst v63  }
0x1a4: {  	s1 =	simm.s32 $0xA000  }
0x1a5: {  	[tilespmem:s1], [sflag:$0x1] =	stream.indirect_vreg.gather [hbm4b:s2+s3], $0x80, v3, vm0, $0xb8;
	[tilespmem:$0x18400] =	vst v63  }
0x1a6: {  	s1 =	simm.s32 $0xA800  }
0x1a7: {  	[tilespmem:s1], [sflag:$0x1] =	stream.indirect_vreg.gather [hbm4b:s5+s3], $0x80, v3, vm1, $0xb8;
	[tilespmem:$0x18400] =	vst v63  }
0x1a8: {  	v3 =	vld [tilespmem:s30+$0xB0];
	_ =	sdelay $0x4  }
0x1a9: {  	v63 =	vshrl.u32 v3, $0x3  }
0x1aa: {  	v4 =	vmul.u32 $0x18, v63  }
0x1ab: {  	v3 =	vand.u32 $0x7, v3  }
0x1ac: {  	v3 =	vor.u32 v3, v4  }
0x1ad: {  	v4 =	vperm.xlane v3, v0;
	_ =	sdelay $0x1  }
0x1ae: {  	v4 =	vadd.s32 v1, v4;
	_ =	sdelay $0x2  }
0x1af: {  	v3 =	vperm.xlane v3, v2  }
0x1b0: {  	s1 =	simm.s32 $0xAC00  }
0x1b1: {  	v3 =	vadd.s32 v1, v3;
	[tilespmem:s1], [sflag:$0x1] =	stream.indirect_vreg.gather [hbm4b:s2+s3], $0x80, v4, vm0, $0xb8;
	[tilespmem:$0x18400] =	vst v63  }
0x1b2: {  	s1 =	simm.s32 $0xB400  }
0x1b3: {  	[tilespmem:s1], [sflag:$0x1] =	stream.indirect_vreg.gather [hbm4b:s5+s3], $0x80, v4, vm1, $0xb8;
	[tilespmem:$0x18400] =	vst v63  }
.Ltmp5:
0x1b4: {  	_ = 	snop;
	(pc) =	sbr.rel .LBB2_4-.Ltmp5, $4  }
0x1b5: {  	s1 =	simm.s32 $0xB800  }
0x1b6: {  	[tilespmem:s1], [sflag:$0x1] =	stream.indirect_vreg.gather [hbm4b:s2+s3], $0x80, v3, vm0, $0xb8;
	[tilespmem:$0x18400] =	vst v63  }
0x1b7: {  	s1 =	simm.s32 $0xC000  }
0x1b8: {  	[tilespmem:s1], [sflag:$0x1] =	stream.indirect_vreg.gather [hbm4b:s5+s3], $0x80, v3, vm1, $0xb8;
	[tilespmem:$0x18400] =	vst v63  }
.LBB2_6:
0x1b9: {  	_ =	sfence.sel $0x180000  }
0x1ba: {  	[bflag:$0x0] =	sbarrier.arrive $0xFFFF  }
0x1bb: {  	_ =	strace $0x90000047  }
0x1bc: {  	s0 =	stileid.u32;
	[bflag:$0x2] =	sbarrier.arrive $0xFFFF  }
0x1bd: {  	p0 =	sne.s32 s0, $0x0;
	s0 =	rddreg [dreg:$0x3]  }
0x1be: {  	s0 =	sadd.s32 @!p0 $0x100000, s0  }
0x1bf: {  	[sflag:s0] =	ssyncadd.tile.s32 @!p0 $0x1;
	_ =	shalt  }
.Lfunc_end2:
_tile_overlayer_lowered:
.L_overlay_start_2:
0x1c0: {  	(tag) =	ssettag $0x2  }
0x1c1: {  	s0 =	rddreg [dreg:$0x0];
	s2 =	stileid.u32  }
0x1c2: {  	s1 =	rddreg [dreg:$0x1];
	p0 =	sne.s32 s2, $0x0  }
0x1c3: {  	s3 =	rddreg [dreg:$0x2];
	[bflag:$0x3] =	sbarrier.arrive $0xFFFF;
	s2 =	simm.s32 @!p0 $0x1C05  }
0x1c4: {  	[timem:s3], [sflag:s2] =	dma.local @!p0 [hbm:s0], s1  }
0x1c5: {  	s0 =	simm.s32 @!p0 $0x5  }
0x1c6: {  	_ =	swait.ge @!p0 [sflag:s0], s1  }
0x1c7: {  	s1 =	ssub.s32 @!p0 $0x0, s1;
	[sflag:s0] =	ssyncset.done @!p0 $0x0  }
0x1c8: {  	[sflag:s0] =	ssyncadd.s32 @!p0 s1  }
0x1c9: {  	[bflag:$0x3] =	sbarrier.arrive $0xFFFF  }
0x1ca: {  	_ =	shalt  }

</sc_bundles>
